<compile_context>
chip_gen: v7x
topology: tpu7x:2x2x1
jax: 0.10.2.dev20260603
libtpu: 0.0.44.dev20260713+nightly
codegen_flags: <defaults>
</compile_context>

<pallas_src>
import functools

import jax
import jax.numpy as jnp
from jax import lax
from jax.experimental import pallas as pl
from jax.experimental.pallas import tpu as pltpu
from jax.experimental.pallas import tpu_sc as plsc

DIM = 128
K = 16
PH = 12



def _proj_d2_body(x_ref, posb_ref, post_ref, wqa_ref, wka_ref, wv_ref,
                  d2_ref, aq_ref, akv_ref, tau_ref):
    xb = x_ref[...]
    aq_ref[...] = jnp.dot(xb, wqa_ref[...], preferred_element_type=jnp.float32)
    ak = jnp.dot(xb, wka_ref[...], preferred_element_type=jnp.float32)
    v = jnp.dot(xb, wv_ref[...], preferred_element_type=jnp.float32)
    akv_ref[...] = jnp.concatenate([ak, v], axis=-1)
    acc = None
    for c in range(3):
        d = posb_ref[:, c:c + 1] - post_ref[c:c + 1, :]
        acc = d * d if acc is None else acc + d * d
    d2_ref[...] = acc
    n = acc.shape[1]
    m = None
    for i in range(n // 128):
        cc = acc[:, i * 128:(i + 1) * 128]
        m = cc if m is None else jnp.minimum(m, cc)
    for s in (16, 32, 64):
        m = jnp.minimum(m, pltpu.roll(m, s, 1))
    for s in (1, 2, 4, 8):
        m = jnp.maximum(m, pltpu.roll(m, s, 1))
    tau_ref[...] = m[:, :8]


def _stage_a(x, posb, post, wqa, wka, wv, blk):
    b, n, _ = x.shape
    grid = (b, n // blk)
    return pl.pallas_call(
        _proj_d2_body,
        grid=grid,
        in_specs=[
            pl.BlockSpec((None, blk, DIM), lambda i, j: (i, j, 0)),
            pl.BlockSpec((None, blk, 8), lambda i, j: (i, j, 0)),
            pl.BlockSpec((None, 8, n), lambda i, j: (i, 0, 0)),
            pl.BlockSpec((DIM, DIM), lambda i, j: (0, 0)),
            pl.BlockSpec((DIM, DIM), lambda i, j: (0, 0)),
            pl.BlockSpec((DIM, DIM), lambda i, j: (0, 0)),
        ],
        out_specs=[
            pl.BlockSpec((None, blk, n), lambda i, j: (i, j, 0)),
            pl.BlockSpec((None, blk, DIM), lambda i, j: (i, j, 0)),
            pl.BlockSpec((None, blk, 2 * DIM), lambda i, j: (i, j, 0)),
            pl.BlockSpec((None, blk, 8), lambda i, j: (i, j, 0)),
        ],
        out_shape=[
            jax.ShapeDtypeStruct((b, n, n), jnp.float32),
            jax.ShapeDtypeStruct((b, n, DIM), jnp.float32),
            jax.ShapeDtypeStruct((b, n, 2 * DIM), jnp.float32),
            jax.ShapeDtypeStruct((b, n, 8), jnp.float32),
        ],
    )(x, posb, post, wqa, wka, wv)




def _topk_gather_sc(d2f, post, akvf, tauf, b, n):
    bn = b * n
    info = plsc.get_sparse_core_info()
    nw = info.num_cores * info.num_subcores
    rpt = bn // nw
    gb = 8
    nch = n // 16
    cap = n // 4 + 16
    cb = 8 * cap
    mesh = plsc.VectorSubcoreMesh(core_axis_name="c", subcore_axis_name="s",
                                  num_cores=info.num_cores,
                                  num_subcores=info.num_subcores)

    ng = rpt // gb

    @functools.partial(
        pl.kernel,
        out_type=[
            jax.ShapeDtypeStruct((bn, 4 * K), jnp.float32),
            jax.ShapeDtypeStruct((bn * K, 2 * DIM), jnp.float32),
        ],
        mesh=mesh,
        scratch_types=[
            pltpu.VMEM((2, gb, n), jnp.float32),
            pltpu.VMEM((3, n), jnp.float32),
            pltpu.VMEM((2, gb, 4 * K), jnp.float32),
            pltpu.VMEM((2, gb * K, 2 * DIM), jnp.float32),
            pltpu.VMEM((cb,), jnp.float32),
            pltpu.VMEM((cb,), jnp.int32),
            pltpu.VMEM((2, gb, 8), jnp.float32),
            pltpu.SemaphoreType.DMA((2,)),
            pltpu.SemaphoreType.DMA,
            pltpu.SemaphoreType.DMA((2,)),
            pltpu.SemaphoreType.DMA((2,)),
        ],
        compiler_params=pltpu.CompilerParams(needs_layout_passes=False),
    )
    def sc_kernel(d2_hbm, post_hbm, akv_hbm, tau_hbm, posrel_hbm, g_hbm,
                  d2buf, posv, prstage, ggroup, candv, candi, taubuf,
                  insem, gsem, outgsem, outprsem):
        wid = lax.axis_index("s") * info.num_cores + lax.axis_index("c")
        row0 = wid * rpt
        batch = row0 // n
        pltpu.sync_copy(post_hbm.at[batch, pl.ds(0, 3)], posv)
        zero16 = jnp.zeros((16,), jnp.float32)
        zero16i = jnp.zeros((16,), jnp.int32)
        for pp in range(2):
            for rr in range(gb):
                for t in range(4 * K // 16):
                    prstage[pp, rr, pl.ds(t * 16, 16)] = zero16
        iota16 = lax.iota(jnp.int32, 16)
        inf16 = jnp.full((16,), jnp.inf, jnp.float32)

        def in_copy(g, p):
            return pltpu.make_async_copy(
                d2_hbm.at[pl.ds(row0 + g * gb, gb)], d2buf.at[p],
                insem.at[p])

        def tau_copy(g, p):
            return pltpu.make_async_copy(
                tau_hbm.at[pl.ds(row0 + g * gb, gb)], taubuf.at[p],
                insem.at[p])

        def outg_copy(g, p):
            return pltpu.make_async_copy(
                ggroup.at[p], g_hbm.at[pl.ds((row0 + g * gb) * K, gb * K)],
                outgsem.at[p])

        def outpr_copy(g, p):
            return pltpu.make_async_copy(
                prstage.at[p], posrel_hbm.at[pl.ds(row0 + g * gb, gb)],
                outprsem.at[p])

        def row_pair_body(p, rr, row):
            spl_p = zero16i + p
            thrs = []
            for q in range(2):
                thrs.append(plsc.load_gather(
                    taubuf, [spl_p, zero16i + (rr + q), zero16i]))

            def pb(j, os):
                os = list(os)
                for q in range(2):
                    for u in range(4):
                        reg = 4 * q + u
                        c = d2buf[p, rr + q, pl.ds((4 * j + u) * 16, 16)]
                        msk = c <= thrs[q]
                        plsc.store_compressed(
                            candv.at[pl.ds(reg * cap + os[reg], 16)], c,
                            mask=msk)
                        plsc.store_compressed(
                            candi.at[pl.ds(reg * cap + os[reg], 16)],
                            iota16 + (4 * j + u) * 16, mask=msk)
                        os[reg] = (os[reg] +
                                   plsc.all_reduce_population_count(msk)[0])
                return tuple(os)

            os = lax.fori_loop(0, nch // 4, pb, (0,) * 8)

            for q in range(2):
                for u in range(4):
                    reg = 4 * q + u
                    candv[pl.ds(reg * cap + os[reg], 16)] = inf16
                    candi[pl.ds(reg * cap + os[reg], 16)] = zero16i

                carry = (inf16, zero16i)
                for u in range(4):
                    reg = 4 * q + u

                    def mc(j, carry, reg=reg):
                        tv, ti = carry
                        csr, cir = plsc.sort_key_val(
                            candv[pl.ds(reg * cap + j * 16, 16)],
                            candi[pl.ds(reg * cap + j * 16, 16)],
                            descending=True)
                        mm = csr < tv
                        nv = jnp.where(mm, csr, tv)
                        ni = jnp.where(mm, cir, ti)
                        tv2, ti2 = plsc.sort_key_val(nv, ni)
                        return (tv2, ti2)

                    carry = lax.fori_loop(0, os[reg] // 16 + 1, mc, carry)
                tv, ti = carry

                r = rr + q
                gidx = ti + batch * n
                pltpu.make_async_copy(akv_hbm.at[gidx],
                                      ggroup.at[p, pl.ds(r * K, K)],
                                      gsem).start()
                spl_i = zero16i + (row + q - batch * n)
                spl_r = zero16i + r
                for c in range(3):
                    spl_c = jnp.full((16,), c, jnp.int32)
                    pic = plsc.load_gather(posv, [spl_c, spl_i])
                    pnc = plsc.load_gather(posv, [spl_c, ti])
                    plsc.store_scatter(prstage,
                                       [spl_p, spl_r, iota16 * 4 + c],
                                       pic - pnc)

        in_copy(0, 0).start()
        tau_copy(0, 0).start()

        def group_body(g, _):
            p = lax.rem(g, 2)
            base = row0 + g * gb
            in_copy(g, p).wait()
            tau_copy(g, p).wait()

            @pl.when(g + 1 < ng)
            def _():
                in_copy(g + 1, 1 - p).start()
                tau_copy(g + 1, 1 - p).start()

            @pl.when(g >= 2)
            def _():
                outg_copy(g - 2, p).wait()
                outpr_copy(g - 2, p).wait()

            def inner(j, _):
                row_pair_body(p, 2 * j, base + 2 * j)
                return 0

            lax.fori_loop(0, gb // 2, inner, 0)
            pltpu.make_async_copy(akv_hbm.at[pl.ds(0, gb * K)],
                                  ggroup.at[p], gsem).wait()
            outg_copy(g, p).start()
            outpr_copy(g, p).start()
            return 0

        lax.fori_loop(0, ng, group_body, 0)
        for gg in (ng - 2, ng - 1):
            outg_copy(gg, gg % 2).wait()
            outpr_copy(gg, gg % 2).wait()

    return sc_kernel(d2f, post, akvf, tauf)




def _attn_body(aq_ref, g_ref, pr_ref, pw1_ref, pb1_ref, pg_ref, pbeta_ref,
               pw2a_ref, pw2_ref, c0_ref, pb2_ref, ag_ref, abeta_ref,
               aw2_ref, ab2_ref, out_ref, *, pblk):
    rows = pblk * K
    pr = pr_ref[...]
    h16 = pb1_ref[...]
    for c in range(3):
        h16 = h16 + pr[:, c:c + 1] * pw1_ref[c:c + 1, :]
    h = h16[:, :PH]
    m = jnp.mean(h, axis=-1, keepdims=True)
    v = jnp.mean((h - m) * (h - m), axis=-1, keepdims=True)
    hn = (h - m) * lax.rsqrt(v + 1e-5) * pg_ref[:, :PH] + pbeta_ref[:, :PH]
    r = jnp.maximum(hn, 0.0)
    r16 = jnp.pad(r, ((0, 0), (0, 16 - PH)))
    penc = jnp.dot(r16, pw2_ref[...], preferred_element_type=jnp.float32) \
        + pb2_ref[...]
    g = g_ref[...]
    akg = g[:, :DIM]
    vg = g[:, DIM:]
    aq = aq_ref[...]
    aqe = jnp.broadcast_to(aq[:, None, :], (pblk, K, DIM)).reshape(rows, DIM)
    w1 = aqe - akg + jnp.dot(r16, pw2a_ref[...],
                             preferred_element_type=jnp.float32) + c0_ref[...]
    m1 = jnp.mean(w1, axis=-1, keepdims=True)
    v1 = jnp.mean((w1 - m1) * (w1 - m1), axis=-1, keepdims=True)
    u = (w1 - m1) * lax.rsqrt(v1 + 1e-5) * ag_ref[...] + abeta_ref[...]
    u = jnp.maximum(u, 0.0)
    w2 = jnp.dot(u, aw2_ref[...], preferred_element_type=jnp.float32) \
        + ab2_ref[...]
    w3 = w2.reshape(pblk, K, DIM)
    mx = jnp.max(w3, axis=1, keepdims=True)
    e = jnp.exp(w3 - mx)
    s = jnp.sum(e, axis=1, keepdims=True)
    attn = e / s
    val = (vg + penc).reshape(pblk, K, DIM)
    out_ref[...] = jnp.sum(attn * val, axis=1)


def _stage_d(aq, g, pr, pw1p, pb1p, pgp, pbetap, pw2a, pw2p, c0, pb2,
             ag, abeta, aw2, ab2, pblk):
    b, n, _ = aq.shape
    rows = pblk * K
    grid = (b, n // pblk)

    def wspec(shape):
        return pl.BlockSpec(shape, lambda i, j: tuple(0 for _ in shape))

    return pl.pallas_call(
        functools.partial(_attn_body, pblk=pblk),
        grid=grid,
        in_specs=[
            pl.BlockSpec((None, pblk, DIM), lambda i, j: (i, j, 0)),
            pl.BlockSpec((None, rows, 2 * DIM), lambda i, j: (i, j, 0)),
            pl.BlockSpec((None, rows, 4), lambda i, j: (i, j, 0)),
            wspec((8, 16)),
            wspec((1, 16)),
            wspec((1, 16)),
            wspec((1, 16)),
            wspec((16, DIM)),
            wspec((16, DIM)),
            wspec((1, DIM)),
            wspec((1, DIM)),
            wspec((1, DIM)),
            wspec((1, DIM)),
            wspec((DIM, DIM)),
            wspec((1, DIM)),
        ],
        out_specs=pl.BlockSpec((None, pblk, DIM), lambda i, j: (i, j, 0)),
        out_shape=jax.ShapeDtypeStruct((b, n, DIM), jnp.float32),
    )(aq, g, pr, pw1p, pb1p, pgp, pbetap, pw2a, pw2p, c0, pb2, ag, abeta,
      aw2, ab2)




def kernel(x, pos, Wq, Wk, Wv, pW1, pb1, pg, pbeta, pW2, pb2, aW1, ab1, ag,
           abeta, aW2, ab2):
    b, n, _ = x.shape
    f32 = jnp.float32

    wqa = Wq @ aW1
    wka = Wk @ aW1
    pw2a = pW2 @ aW1
    c0 = (pb2 @ aW1 + ab1).reshape(1, DIM)

    posb = jnp.pad(pos, ((0, 0), (0, 0), (0, 5))).astype(f32)
    post = jnp.transpose(posb, (0, 2, 1))

    d2, aq, akv, tau = _stage_a(x, posb, post, wqa, wka, Wv, blk=256)

    pw1p = jnp.pad(pW1, ((0, 5), (0, 16 - PH)))

    def pad1(t):
        return jnp.pad(t, (0, 16 - PH)).reshape(1, 16)

    def padw(t):
        return jnp.pad(t, ((0, 16 - PH), (0, 0)))

    posrel, g = _topk_gather_sc(
        d2.reshape(b * n, n), post, akv.reshape(b * n, 2 * DIM),
        tau.reshape(b * n, 8), b, n)

    out = _stage_d(
        aq,
        g.reshape(b, n * K, 2 * DIM),
        posrel.reshape(b, n * K, 4),
        pw1p, pad1(pb1), pad1(pg), pad1(pbeta),
        padw(pw2a), padw(pW2), c0, pb2.reshape(1, DIM),
        ag.reshape(1, DIM), abeta.reshape(1, DIM), aW2, ab2.reshape(1, DIM),
        pblk=128)
    return out

# --- scband reference (transcript-rebuilt; emitter-appended) ---
"""Pipeline reference for scband-point-transformer-segment-1400159339079 (READ-ONLY COPY).

The authoritative reference and input builder live on the scoring server;
editing this copy changes nothing except your own understanding.
"""

import jax, jax.numpy as jnp
import numpy as np

DIM = 128
K = 16
PH = 12

def _ln(t, g, b):
    m = jnp.mean(t, axis=-1, keepdims=True)
    v = jnp.var(t, axis=-1, keepdims=True)
    return (t - m) / jnp.sqrt(v + 1e-5) * g + b

def setup_inputs(seed: int = 0) -> dict:
    key = jax.random.key(seed)
    ks = [jax.random.fold_in(key, i) for i in range(20)]
    B, N = 4, 2048
    inp = {}
    inp['x'] = jax.random.normal(ks[0], (B, N, DIM), dtype=jnp.float32)
    inp['pos'] = jax.random.normal(ks[1], (B, N, 3), dtype=jnp.float32)
    s = 1.0 / np.sqrt(DIM)
    inp['Wq'] = jax.random.normal(ks[2], (DIM, DIM), dtype=jnp.float32) * s
    inp['Wk'] = jax.random.normal(ks[3], (DIM, DIM), dtype=jnp.float32) * s
    inp['Wv'] = jax.random.normal(ks[4], (DIM, DIM), dtype=jnp.float32) * s
    inp['pW1'] = jax.random.normal(ks[5], (3, PH), dtype=jnp.float32) * 0.5
    inp['pb1'] = jnp.zeros((PH,), dtype=jnp.float32)
    inp['pg'] = jnp.ones((PH,), dtype=jnp.float32)
    inp['pbeta'] = jnp.zeros((PH,), dtype=jnp.float32)
    inp['pW2'] = jax.random.normal(ks[6], (PH, DIM), dtype=jnp.float32) * (1.0 / np.sqrt(PH))
    inp['pb2'] = jnp.zeros((DIM,), dtype=jnp.float32)
    inp['aW1'] = jax.random.normal(ks[7], (DIM, DIM), dtype=jnp.float32) * s
    inp['ab1'] = jnp.zeros((DIM,), dtype=jnp.float32)
    inp['ag'] = jnp.ones((DIM,), dtype=jnp.float32)
    inp['abeta'] = jnp.zeros((DIM,), dtype=jnp.float32)
    inp['aW2'] = jax.random.normal(ks[8], (DIM, DIM), dtype=jnp.float32) * s
    inp['ab2'] = jnp.zeros((DIM,), dtype=jnp.float32)
    return inp

def reference(x, pos, Wq, Wk, Wv, pW1, pb1, pg, pbeta, pW2, pb2, aW1, ab1, ag, abeta, aW2, ab2):
    # brute-force kNN over xyz (replaces ops.knn_points, return_sorted=True)
    d2 = jnp.sum((pos[:, :, None, :] - pos[:, None, :, :]) ** 2, axis=-1)  # [B,N,N]
    _, knn_idx = jax.lax.top_k(-d2, K)  # [B,N,K], sorted by increasing distance
    gather = jax.vmap(lambda p, i: p[i])
    knn_xyz = gather(pos, knn_idx)  # [B,N,K,3]
    q = x @ Wq  # [B,N,D]
    kf = gather(x @ Wk, knn_idx)  # [B,N,K,D]
    vf = gather(x @ Wv, knn_idx)  # [B,N,K,D]
    pos_rel = pos[:, :, None, :] - knn_xyz  # [B,N,K,3]
    # pos mlp: linear -> layernorm -> relu -> linear
    h = pos_rel @ pW1 + pb1
    h = _ln(h, pg, pbeta)
    h = jax.nn.relu(h)
    pos_enc = h @ pW2 + pb2  # [B,N,K,D]
    # attn mlp
    w = q[:, :, None, :] - kf + pos_enc
    w = w @ aW1 + ab1
    w = _ln(w, ag, abeta)
    w = jax.nn.relu(w)
    w = w @ aW2 + ab2
    attn = jax.nn.softmax(w, axis=-2)  # over K neighbors
    agg = jnp.sum(attn * (vf + pos_enc), axis=-2)  # [B,N,D]
    return agg

if __name__ == "__main__":
    import jax
    _d = setup_inputs()
    print(jax.jit(kernel)(*tuple(_d.values())))

</pallas_src>

<mosaic_0001>
#map = affine_map<(d0, d1) -> (0, 0)>
#map1 = affine_map<(d0, d1) -> (0, 0, 0)>
module attributes {stable_mosaic.version = 14 : i64} {
  func.func @sc_kernel(%arg0: i32, %arg1: i32, %arg2: memref<8192x2048xf32, #tpu.memory_space<hbm>>, %arg3: memref<4x8x2048xf32, #tpu.memory_space<hbm>>, %arg4: memref<8192x256xf32, #tpu.memory_space<hbm>>, %arg5: memref<8192x8xf32, #tpu.memory_space<hbm>>, %arg6: memref<8192x64xf32, #tpu.memory_space<hbm>>, %arg7: memref<131072x256xf32, #tpu.memory_space<hbm>>, %arg8: memref<2x8x2048xf32, #tpu.memory_space<vmem>>, %arg9: memref<3x2048xf32, #tpu.memory_space<vmem>>, %arg10: memref<2x8x64xf32, #tpu.memory_space<vmem>>, %arg11: memref<2x128x256xf32, #tpu.memory_space<vmem>>, %arg12: memref<4224xf32, #tpu.memory_space<vmem>>, %arg13: memref<4224xi32, #tpu.memory_space<vmem>>, %arg14: memref<2x8x8xf32, #tpu.memory_space<vmem>>, %arg15: memref<2x!tpu.dma_semaphore, #tpu.memory_space<semaphore_mem>>, %arg16: memref<!tpu.dma_semaphore, #tpu.memory_space<semaphore_mem>>, %arg17: memref<2x!tpu.dma_semaphore, #tpu.memory_space<semaphore_mem>>, %arg18: memref<2x!tpu.dma_semaphore, #tpu.memory_space<semaphore_mem>>) attributes {dimension_semantics = [#tpu.dimension_semantics<core_parallel>, #tpu.dimension_semantics<subcore_parallel>], iteration_bounds = array<i64: 2, 16>, scalar_prefetch = 0 : i64, scratch_operands = 11 : i64, tpu.core_type = #tpu.core_type<sc_vector_subcore>, window_params = [{transform_indices = #map}, {transform_indices = #map1}, {transform_indices = #map}, {transform_indices = #map}, {transform_indices = #map}, {transform_indices = #map}]} {
    %mul3A = arith.constant 2 : i32
    %mul3A_0 = arith.muli %arg1, %mul3A : i32
    %add3A = arith.addi %mul3A_0, %arg0 : i32
    %mul3A_1 = arith.constant 256 : i32
    %mul3A_2 = arith.muli %add3A, %mul3A_1 : i32
    %jit3A = arith.constant 2048 : i32
    %div3A = arith.divsi %mul3A_2, %jit3A : i32
    %sign3A = arith.constant 0 : i32
    %sign3A_3 = arith.cmpi sgt, %mul3A_2, %sign3A : i32
    %sign3A_4 = arith.extui %sign3A_3 : i1 to i32
    %sign3A_5 = arith.constant 0 : i32
    %sign3A_6 = arith.cmpi slt, %mul3A_2, %sign3A_5 : i32
    %sign3A_7 = arith.extui %sign3A_6 : i1 to i32
    %sign3A_8 = arith.subi %sign3A_4, %sign3A_7 : i32
    %sign3A_9 = arith.constant 0 : i32
    %sign3A_10 = arith.cmpi sgt, %jit3A, %sign3A_9 : i32
    %sign3A_11 = arith.extui %sign3A_10 : i1 to i32
    %sign3A_12 = arith.constant 0 : i32
    %sign3A_13 = arith.cmpi slt, %jit3A, %sign3A_12 : i32
    %sign3A_14 = arith.extui %sign3A_13 : i1 to i32
    %sign3A_15 = arith.subi %sign3A_11, %sign3A_14 : i32
    %ne3A = arith.cmpi ne, %sign3A_8, %sign3A_15 : i32
    %rem3A = arith.remsi %mul3A_2, %jit3A : i32
    %ne3A_16 = arith.constant 0 : i32
    %ne3A_17 = arith.cmpi ne, %rem3A, %ne3A_16 : i32
    %and3A = arith.andi %ne3A, %ne3A_17 : i1
    %sub3A = arith.constant 1 : i32
    %sub3A_18 = arith.subi %div3A, %sub3A : i32
    %select_n3A = arith.select %and3A, %sub3A_18, %div3A : i32
    "tpu.region"() ({
      %run_scoped3A = tpu.sem_alloc : memref<!tpu.dma_semaphore, #tpu.memory_space<semaphore_mem>>
      %dma_start3A_523 = arith.constant 0 : i32
      %dma_start3A_524 = arith.constant 0 : i32
      %dma_start3A_525 = tpu.memref_slice %arg3[%select_n3A, %dma_start3A_523, %dma_start3A_524] : memref<4x8x2048xf32, #tpu.memory_space<hbm>> -> memref<1x3x2048xf32, #tpu.memory_space<hbm>>
      %dma_start3A_526 = tpu.memref_squeeze %dma_start3A_525 : memref<1x3x2048xf32, #tpu.memory_space<hbm>> -> memref<3x2048xf32, #tpu.memory_space<hbm>>
      %dma_start3A_527 = arith.constant 0 : i32
      %dma_start3A_528 = arith.constant 0 : i32
      %dma_start3A_529 = tpu.memref_slice %arg3[%select_n3A, %dma_start3A_527, %dma_start3A_528] : memref<4x8x2048xf32, #tpu.memory_space<hbm>> -> memref<1x3x2048xf32, #tpu.memory_space<hbm>>
      %dma_start3A_530 = tpu.memref_squeeze %dma_start3A_529 : memref<1x3x2048xf32, #tpu.memory_space<hbm>> -> memref<3x2048xf32, #tpu.memory_space<hbm>>
      tpu.enqueue_dma source(%dma_start3A_530 : memref<3x2048xf32, #tpu.memory_space<hbm>>) target(%arg9 : memref<3x2048xf32, #tpu.memory_space<vmem>>) target_semaphore(%run_scoped3A : memref<!tpu.dma_semaphore, #tpu.memory_space<semaphore_mem>>)
      %dma_wait3A_531 = arith.constant 0 : i32
      %dma_wait3A_532 = arith.constant 0 : i32
      %dma_wait3A_533 = tpu.memref_slice %arg3[%select_n3A, %dma_wait3A_531, %dma_wait3A_532] : memref<4x8x2048xf32, #tpu.memory_space<hbm>> -> memref<1x3x2048xf32, #tpu.memory_space<hbm>>
      %dma_wait3A_534 = tpu.memref_squeeze %dma_wait3A_533 : memref<1x3x2048xf32, #tpu.memory_space<hbm>> -> memref<3x2048xf32, #tpu.memory_space<hbm>>
      %dma_wait3A_535 = arith.constant 0 : i32
      %dma_wait3A_536 = arith.constant 0 : i32
      %dma_wait3A_537 = tpu.memref_slice %arg3[%select_n3A, %dma_wait3A_535, %dma_wait3A_536] : memref<4x8x2048xf32, #tpu.memory_space<hbm>> -> memref<1x3x2048xf32, #tpu.memory_space<hbm>>
      %dma_wait3A_538 = tpu.memref_squeeze %dma_wait3A_537 : memref<1x3x2048xf32, #tpu.memory_space<hbm>> -> memref<3x2048xf32, #tpu.memory_space<hbm>>
      tpu.wait_dma2 semaphore(%run_scoped3A : memref<!tpu.dma_semaphore, #tpu.memory_space<semaphore_mem>>) src(%dma_wait3A_538 : memref<3x2048xf32, #tpu.memory_space<hbm>>) dst(%arg9 : memref<3x2048xf32, #tpu.memory_space<vmem>>)
      tpu.yield
    }) : () -> ()
    %broadcast_in_dim3A = arith.constant 0.000000e+00 : f32
    %broadcast_in_dim3A_19 = vector.broadcast %broadcast_in_dim3A : f32 to vector<16xf32>
    %broadcast_in_dim3A_20 = arith.constant 0 : i32
    %broadcast_in_dim3A_21 = vector.broadcast %broadcast_in_dim3A_20 : i32 to vector<16xi32>
    %swap3A = arith.constant 0 : i32
    %swap3A_22 = arith.constant 0 : i32
    %swap3A_23 = arith.index_cast %swap3A : i32 to index
    %swap3A_24 = arith.index_cast %swap3A_22 : i32 to index
    %swap3A_25 = arith.constant 0 : index
    %swap3A_26 = tpu.vector_load %arg10[%swap3A_23, %swap3A_24, %swap3A_25] {strides = array<i32>} : memref<2x8x64xf32, #tpu.memory_space<vmem>>, vector<16xf32>,
    tpu.vector_store %arg10[%swap3A_23, %swap3A_24, %swap3A_25], %broadcast_in_dim3A_19 {strides = array<i32>} : memref<2x8x64xf32, #tpu.memory_space<vmem>>, vector<16xf32>,
    %swap3A_27 = arith.constant 0 : i32
    %swap3A_28 = arith.constant 0 : i32
    %swap3A_29 = arith.index_cast %swap3A_27 : i32 to index
    %swap3A_30 = arith.index_cast %swap3A_28 : i32 to index
    %swap3A_31 = arith.constant 16 : index
    %swap3A_32 = tpu.vector_load %arg10[%swap3A_29, %swap3A_30, %swap3A_31] {strides = array<i32>} : memref<2x8x64xf32, #tpu.memory_space<vmem>>, vector<16xf32>,
    tpu.vector_store %arg10[%swap3A_29, %swap3A_30, %swap3A_31], %broadcast_in_dim3A_19 {strides = array<i32>} : memref<2x8x64xf32, #tpu.memory_space<vmem>>, vector<16xf32>,
    %swap3A_33 = arith.constant 0 : i32
    %swap3A_34 = arith.constant 0 : i32
    %swap3A_35 = arith.index_cast %swap3A_33 : i32 to index
    %swap3A_36 = arith.index_cast %swap3A_34 : i32 to index
    %swap3A_37 = arith.constant 32 : index
    %swap3A_38 = tpu.vector_load %arg10[%swap3A_35, %swap3A_36, %swap3A_37] {strides = array<i32>} : memref<2x8x64xf32, #tpu.memory_space<vmem>>, vector<16xf32>,
    tpu.vector_store %arg10[%swap3A_35, %swap3A_36, %swap3A_37], %broadcast_in_dim3A_19 {strides = array<i32>} : memref<2x8x64xf32, #tpu.memory_space<vmem>>, vector<16xf32>,
    %swap3A_39 = arith.constant 0 : i32
    %swap3A_40 = arith.constant 0 : i32
    %swap3A_41 = arith.index_cast %swap3A_39 : i32 to index
    %swap3A_42 = arith.index_cast %swap3A_40 : i32 to index
    %swap3A_43 = arith.constant 48 : index
    %swap3A_44 = tpu.vector_load %arg10[%swap3A_41, %swap3A_42, %swap3A_43] {strides = array<i32>} : memref<2x8x64xf32, #tpu.memory_space<vmem>>, vector<16xf32>,
    tpu.vector_store %arg10[%swap3A_41, %swap3A_42, %swap3A_43], %broadcast_in_dim3A_19 {strides = array<i32>} : memref<2x8x64xf32, #tpu.memory_space<vmem>>, vector<16xf32>,
    %swap3A_45 = arith.constant 0 : i32
    %swap3A_46 = arith.constant 1 : i32
    %swap3A_47 = arith.index_cast %swap3A_45 : i32 to index
    %swap3A_48 = arith.index_cast %swap3A_46 : i32 to index
    %swap3A_49 = arith.constant 0 : index
    %swap3A_50 = tpu.vector_load %arg10[%swap3A_47, %swap3A_48, %swap3A_49] {strides = array<i32>} : memref<2x8x64xf32, #tpu.memory_space<vmem>>, vector<16xf32>,
    tpu.vector_store %arg10[%swap3A_47, %swap3A_48, %swap3A_49], %broadcast_in_dim3A_19 {strides = array<i32>} : memref<2x8x64xf32, #tpu.memory_space<vmem>>, vector<16xf32>,
    %swap3A_51 = arith.constant 0 : i32
    %swap3A_52 = arith.constant 1 : i32
    %swap3A_53 = arith.index_cast %swap3A_51 : i32 to index
    %swap3A_54 = arith.index_cast %swap3A_52 : i32 to index
    %swap3A_55 = arith.constant 16 : index
    %swap3A_56 = tpu.vector_load %arg10[%swap3A_53, %swap3A_54, %swap3A_55] {strides = array<i32>} : memref<2x8x64xf32, #tpu.memory_space<vmem>>, vector<16xf32>,
    tpu.vector_store %arg10[%swap3A_53, %swap3A_54, %swap3A_55], %broadcast_in_dim3A_19 {strides = array<i32>} : memref<2x8x64xf32, #tpu.memory_space<vmem>>, vector<16xf32>,
    %swap3A_57 = arith.constant 0 : i32
    %swap3A_58 = arith.constant 1 : i32
    %swap3A_59 = arith.index_cast %swap3A_57 : i32 to index
    %swap3A_60 = arith.index_cast %swap3A_58 : i32 to index
    %swap3A_61 = arith.constant 32 : index
    %swap3A_62 = tpu.vector_load %arg10[%swap3A_59, %swap3A_60, %swap3A_61] {strides = array<i32>} : memref<2x8x64xf32, #tpu.memory_space<vmem>>, vector<16xf32>,
    tpu.vector_store %arg10[%swap3A_59, %swap3A_60, %swap3A_61], %broadcast_in_dim3A_19 {strides = array<i32>} : memref<2x8x64xf32, #tpu.memory_space<vmem>>, vector<16xf32>,
    %swap3A_63 = arith.constant 0 : i32
    %swap3A_64 = arith.constant 1 : i32
    %swap3A_65 = arith.index_cast %swap3A_63 : i32 to index
    %swap3A_66 = arith.index_cast %swap3A_64 : i32 to index
    %swap3A_67 = arith.constant 48 : index
    %swap3A_68 = tpu.vector_load %arg10[%swap3A_65, %swap3A_66, %swap3A_67] {strides = array<i32>} : memref<2x8x64xf32, #tpu.memory_space<vmem>>, vector<16xf32>,
    tpu.vector_store %arg10[%swap3A_65, %swap3A_66, %swap3A_67], %broadcast_in_dim3A_19 {strides = array<i32>} : memref<2x8x64xf32, #tpu.memory_space<vmem>>, vector<16xf32>,
    %swap3A_69 = arith.constant 0 : i32
    %swap3A_70 = arith.constant 2 : i32
    %swap3A_71 = arith.index_cast %swap3A_69 : i32 to index
    %swap3A_72 = arith.index_cast %swap3A_70 : i32 to index
    %swap3A_73 = arith.constant 0 : index
    %swap3A_74 = tpu.vector_load %arg10[%swap3A_71, %swap3A_72, %swap3A_73] {strides = array<i32>} : memref<2x8x64xf32, #tpu.memory_space<vmem>>, vector<16xf32>,
    tpu.vector_store %arg10[%swap3A_71, %swap3A_72, %swap3A_73], %broadcast_in_dim3A_19 {strides = array<i32>} : memref<2x8x64xf32, #tpu.memory_space<vmem>>, vector<16xf32>,
    %swap3A_75 = arith.constant 0 : i32
    %swap3A_76 = arith.constant 2 : i32
    %swap3A_77 = arith.index_cast %swap3A_75 : i32 to index
    %swap3A_78 = arith.index_cast %swap3A_76 : i32 to index
    %swap3A_79 = arith.constant 16 : index
    %swap3A_80 = tpu.vector_load %arg10[%swap3A_77, %swap3A_78, %swap3A_79] {strides = array<i32>} : memref<2x8x64xf32, #tpu.memory_space<vmem>>, vector<16xf32>,
    tpu.vector_store %arg10[%swap3A_77, %swap3A_78, %swap3A_79], %broadcast_in_dim3A_19 {strides = array<i32>} : memref<2x8x64xf32, #tpu.memory_space<vmem>>, vector<16xf32>,
    %swap3A_81 = arith.constant 0 : i32
    %swap3A_82 = arith.constant 2 : i32
    %swap3A_83 = arith.index_cast %swap3A_81 : i32 to index
    %swap3A_84 = arith.index_cast %swap3A_82 : i32 to index
    %swap3A_85 = arith.constant 32 : index
    %swap3A_86 = tpu.vector_load %arg10[%swap3A_83, %swap3A_84, %swap3A_85] {strides = array<i32>} : memref<2x8x64xf32, #tpu.memory_space<vmem>>, vector<16xf32>,
    tpu.vector_store %arg10[%swap3A_83, %swap3A_84, %swap3A_85], %broadcast_in_dim3A_19 {strides = array<i32>} : memref<2x8x64xf32, #tpu.memory_space<vmem>>, vector<16xf32>,
    %swap3A_87 = arith.constant 0 : i32
    %swap3A_88 = arith.constant 2 : i32
    %swap3A_89 = arith.index_cast %swap3A_87 : i32 to index
    %swap3A_90 = arith.index_cast %swap3A_88 : i32 to index
    %swap3A_91 = arith.constant 48 : index
    %swap3A_92 = tpu.vector_load %arg10[%swap3A_89, %swap3A_90, %swap3A_91] {strides = array<i32>} : memref<2x8x64xf32, #tpu.memory_space<vmem>>, vector<16xf32>,
    tpu.vector_store %arg10[%swap3A_89, %swap3A_90, %swap3A_91], %broadcast_in_dim3A_19 {strides = array<i32>} : memref<2x8x64xf32, #tpu.memory_space<vmem>>, vector<16xf32>,
    %swap3A_93 = arith.constant 0 : i32
    %swap3A_94 = arith.constant 3 : i32
    %swap3A_95 = arith.index_cast %swap3A_93 : i32 to index
    %swap3A_96 = arith.index_cast %swap3A_94 : i32 to index
    %swap3A_97 = arith.constant 0 : index
    %swap3A_98 = tpu.vector_load %arg10[%swap3A_95, %swap3A_96, %swap3A_97] {strides = array<i32>} : memref<2x8x64xf32, #tpu.memory_space<vmem>>, vector<16xf32>,
    tpu.vector_store %arg10[%swap3A_95, %swap3A_96, %swap3A_97], %broadcast_in_dim3A_19 {strides = array<i32>} : memref<2x8x64xf32, #tpu.memory_space<vmem>>, vector<16xf32>,
    %swap3A_99 = arith.constant 0 : i32
    %swap3A_100 = arith.constant 3 : i32
    %swap3A_101 = arith.index_cast %swap3A_99 : i32 to index
    %swap3A_102 = arith.index_cast %swap3A_100 : i32 to index
    %swap3A_103 = arith.constant 16 : index
    %swap3A_104 = tpu.vector_load %arg10[%swap3A_101, %swap3A_102, %swap3A_103] {strides = array<i32>} : memref<2x8x64xf32, #tpu.memory_space<vmem>>, vector<16xf32>,
    tpu.vector_store %arg10[%swap3A_101, %swap3A_102, %swap3A_103], %broadcast_in_dim3A_19 {strides = array<i32>} : memref<2x8x64xf32, #tpu.memory_space<vmem>>, vector<16xf32>,
    %swap3A_105 = arith.constant 0 : i32
    %swap3A_106 = arith.constant 3 : i32
    %swap3A_107 = arith.index_cast %swap3A_105 : i32 to index
    %swap3A_108 = arith.index_cast %swap3A_106 : i32 to index
    %swap3A_109 = arith.constant 32 : index
    %swap3A_110 = tpu.vector_load %arg10[%swap3A_107, %swap3A_108, %swap3A_109] {strides = array<i32>} : memref<2x8x64xf32, #tpu.memory_space<vmem>>, vector<16xf32>,
    tpu.vector_store %arg10[%swap3A_107, %swap3A_108, %swap3A_109], %broadcast_in_dim3A_19 {strides = array<i32>} : memref<2x8x64xf32, #tpu.memory_space<vmem>>, vector<16xf32>,
    %swap3A_111 = arith.constant 0 : i32
    %swap3A_112 = arith.constant 3 : i32
    %swap3A_113 = arith.index_cast %swap3A_111 : i32 to index
    %swap3A_114 = arith.index_cast %swap3A_112 : i32 to index
    %swap3A_115 = arith.constant 48 : index
    %swap3A_116 = tpu.vector_load %arg10[%swap3A_113, %swap3A_114, %swap3A_115] {strides = array<i32>} : memref<2x8x64xf32, #tpu.memory_space<vmem>>, vector<16xf32>,
    tpu.vector_store %arg10[%swap3A_113, %swap3A_114, %swap3A_115], %broadcast_in_dim3A_19 {strides = array<i32>} : memref<2x8x64xf32, #tpu.memory_space<vmem>>, vector<16xf32>,
    %swap3A_117 = arith.constant 0 : i32
    %swap3A_118 = arith.constant 4 : i32
    %swap3A_119 = arith.index_cast %swap3A_117 : i32 to index
    %swap3A_120 = arith.index_cast %swap3A_118 : i32 to index
    %swap3A_121 = arith.constant 0 : index
    %swap3A_122 = tpu.vector_load %arg10[%swap3A_119, %swap3A_120, %swap3A_121] {strides = array<i32>} : memref<2x8x64xf32, #tpu.memory_space<vmem>>, vector<16xf32>,
    tpu.vector_store %arg10[%swap3A_119, %swap3A_120, %swap3A_121], %broadcast_in_dim3A_19 {strides = array<i32>} : memref<2x8x64xf32, #tpu.memory_space<vmem>>, vector<16xf32>,
    %swap3A_123 = arith.constant 0 : i32
    %swap3A_124 = arith.constant 4 : i32
    %swap3A_125 = arith.index_cast %swap3A_123 : i32 to index
    %swap3A_126 = arith.index_cast %swap3A_124 : i32 to index
    %swap3A_127 = arith.constant 16 : index
    %swap3A_128 = tpu.vector_load %arg10[%swap3A_125, %swap3A_126, %swap3A_127] {strides = array<i32>} : memref<2x8x64xf32, #tpu.memory_space<vmem>>, vector<16xf32>,
    tpu.vector_store %arg10[%swap3A_125, %swap3A_126, %swap3A_127], %broadcast_in_dim3A_19 {strides = array<i32>} : memref<2x8x64xf32, #tpu.memory_space<vmem>>, vector<16xf32>,
    %swap3A_129 = arith.constant 0 : i32
    %swap3A_130 = arith.constant 4 : i32
    %swap3A_131 = arith.index_cast %swap3A_129 : i32 to index
    %swap3A_132 = arith.index_cast %swap3A_130 : i32 to index
    %swap3A_133 = arith.constant 32 : index
    %swap3A_134 = tpu.vector_load %arg10[%swap3A_131, %swap3A_132, %swap3A_133] {strides = array<i32>} : memref<2x8x64xf32, #tpu.memory_space<vmem>>, vector<16xf32>,
    tpu.vector_store %arg10[%swap3A_131, %swap3A_132, %swap3A_133], %broadcast_in_dim3A_19 {strides = array<i32>} : memref<2x8x64xf32, #tpu.memory_space<vmem>>, vector<16xf32>,
    %swap3A_135 = arith.constant 0 : i32
    %swap3A_136 = arith.constant 4 : i32
    %swap3A_137 = arith.index_cast %swap3A_135 : i32 to index
    %swap3A_138 = arith.index_cast %swap3A_136 : i32 to index
    %swap3A_139 = arith.constant 48 : index
    %swap3A_140 = tpu.vector_load %arg10[%swap3A_137, %swap3A_138, %swap3A_139] {strides = array<i32>} : memref<2x8x64xf32, #tpu.memory_space<vmem>>, vector<16xf32>,
    tpu.vector_store %arg10[%swap3A_137, %swap3A_138, %swap3A_139], %broadcast_in_dim3A_19 {strides = array<i32>} : memref<2x8x64xf32, #tpu.memory_space<vmem>>, vector<16xf32>,
    %swap3A_141 = arith.constant 0 : i32
    %swap3A_142 = arith.constant 5 : i32
    %swap3A_143 = arith.index_cast %swap3A_141 : i32 to index
    %swap3A_144 = arith.index_cast %swap3A_142 : i32 to index
    %swap3A_145 = arith.constant 0 : index
    %swap3A_146 = tpu.vector_load %arg10[%swap3A_143, %swap3A_144, %swap3A_145] {strides = array<i32>} : memref<2x8x64xf32, #tpu.memory_space<vmem>>, vector<16xf32>,
    tpu.vector_store %arg10[%swap3A_143, %swap3A_144, %swap3A_145], %broadcast_in_dim3A_19 {strides = array<i32>} : memref<2x8x64xf32, #tpu.memory_space<vmem>>, vector<16xf32>,
    %swap3A_147 = arith.constant 0 : i32
    %swap3A_148 = arith.constant 5 : i32
    %swap3A_149 = arith.index_cast %swap3A_147 : i32 to index
    %swap3A_150 = arith.index_cast %swap3A_148 : i32 to index
    %swap3A_151 = arith.constant 16 : index
    %swap3A_152 = tpu.vector_load %arg10[%swap3A_149, %swap3A_150, %swap3A_151] {strides = array<i32>} : memref<2x8x64xf32, #tpu.memory_space<vmem>>, vector<16xf32>,
    tpu.vector_store %arg10[%swap3A_149, %swap3A_150, %swap3A_151], %broadcast_in_dim3A_19 {strides = array<i32>} : memref<2x8x64xf32, #tpu.memory_space<vmem>>, vector<16xf32>,
    %swap3A_153 = arith.constant 0 : i32
    %swap3A_154 = arith.constant 5 : i32
    %swap3A_155 = arith.index_cast %swap3A_153 : i32 to index
    %swap3A_156 = arith.index_cast %swap3A_154 : i32 to index
    %swap3A_157 = arith.constant 32 : index
    %swap3A_158 = tpu.vector_load %arg10[%swap3A_155, %swap3A_156, %swap3A_157] {strides = array<i32>} : memref<2x8x64xf32, #tpu.memory_space<vmem>>, vector<16xf32>,
    tpu.vector_store %arg10[%swap3A_155, %swap3A_156, %swap3A_157], %broadcast_in_dim3A_19 {strides = array<i32>} : memref<2x8x64xf32, #tpu.memory_space<vmem>>, vector<16xf32>,
    %swap3A_159 = arith.constant 0 : i32
    %swap3A_160 = arith.constant 5 : i32
    %swap3A_161 = arith.index_cast %swap3A_159 : i32 to index
    %swap3A_162 = arith.index_cast %swap3A_160 : i32 to index
    %swap3A_163 = arith.constant 48 : index
    %swap3A_164 = tpu.vector_load %arg10[%swap3A_161, %swap3A_162, %swap3A_163] {strides = array<i32>} : memref<2x8x64xf32, #tpu.memory_space<vmem>>, vector<16xf32>,
    tpu.vector_store %arg10[%swap3A_161, %swap3A_162, %swap3A_163], %broadcast_in_dim3A_19 {strides = array<i32>} : memref<2x8x64xf32, #tpu.memory_space<vmem>>, vector<16xf32>,
    %swap3A_165 = arith.constant 0 : i32
    %swap3A_166 = arith.constant 6 : i32
    %swap3A_167 = arith.index_cast %swap3A_165 : i32 to index
    %swap3A_168 = arith.index_cast %swap3A_166 : i32 to index
    %swap3A_169 = arith.constant 0 : index
    %swap3A_170 = tpu.vector_load %arg10[%swap3A_167, %swap3A_168, %swap3A_169] {strides = array<i32>} : memref<2x8x64xf32, #tpu.memory_space<vmem>>, vector<16xf32>,
    tpu.vector_store %arg10[%swap3A_167, %swap3A_168, %swap3A_169], %broadcast_in_dim3A_19 {strides = array<i32>} : memref<2x8x64xf32, #tpu.memory_space<vmem>>, vector<16xf32>,
    %swap3A_171 = arith.constant 0 : i32
    %swap3A_172 = arith.constant 6 : i32
    %swap3A_173 = arith.index_cast %swap3A_171 : i32 to index
    %swap3A_174 = arith.index_cast %swap3A_172 : i32 to index
    %swap3A_175 = arith.constant 16 : index
    %swap3A_176 = tpu.vector_load %arg10[%swap3A_173, %swap3A_174, %swap3A_175] {strides = array<i32>} : memref<2x8x64xf32, #tpu.memory_space<vmem>>, vector<16xf32>,
    tpu.vector_store %arg10[%swap3A_173, %swap3A_174, %swap3A_175], %broadcast_in_dim3A_19 {strides = array<i32>} : memref<2x8x64xf32, #tpu.memory_space<vmem>>, vector<16xf32>,
    %swap3A_177 = arith.constant 0 : i32
    %swap3A_178 = arith.constant 6 : i32
    %swap3A_179 = arith.index_cast %swap3A_177 : i32 to index
    %swap3A_180 = arith.index_cast %swap3A_178 : i32 to index
    %swap3A_181 = arith.constant 32 : index
    %swap3A_182 = tpu.vector_load %arg10[%swap3A_179, %swap3A_180, %swap3A_181] {strides = array<i32>} : memref<2x8x64xf32, #tpu.memory_space<vmem>>, vector<16xf32>,
    tpu.vector_store %arg10[%swap3A_179, %swap3A_180, %swap3A_181], %broadcast_in_dim3A_19 {strides = array<i32>} : memref<2x8x64xf32, #tpu.memory_space<vmem>>, vector<16xf32>,
    %swap3A_183 = arith.constant 0 : i32
    %swap3A_184 = arith.constant 6 : i32
    %swap3A_185 = arith.index_cast %swap3A_183 : i32 to index
    %swap3A_186 = arith.index_cast %swap3A_184 : i32 to index
    %swap3A_187 = arith.constant 48 : index
    %swap3A_188 = tpu.vector_load %arg10[%swap3A_185, %swap3A_186, %swap3A_187] {strides = array<i32>} : memref<2x8x64xf32, #tpu.memory_space<vmem>>, vector<16xf32>,
    tpu.vector_store %arg10[%swap3A_185, %swap3A_186, %swap3A_187], %broadcast_in_dim3A_19 {strides = array<i32>} : memref<2x8x64xf32, #tpu.memory_space<vmem>>, vector<16xf32>,
    %swap3A_189 = arith.constant 0 : i32
    %swap3A_190 = arith.constant 7 : i32
    %swap3A_191 = arith.index_cast %swap3A_189 : i32 to index
    %swap3A_192 = arith.index_cast %swap3A_190 : i32 to index
    %swap3A_193 = arith.constant 0 : index
    %swap3A_194 = tpu.vector_load %arg10[%swap3A_191, %swap3A_192, %swap3A_193] {strides = array<i32>} : memref<2x8x64xf32, #tpu.memory_space<vmem>>, vector<16xf32>,
    tpu.vector_store %arg10[%swap3A_191, %swap3A_192, %swap3A_193], %broadcast_in_dim3A_19 {strides = array<i32>} : memref<2x8x64xf32, #tpu.memory_space<vmem>>, vector<16xf32>,
    %swap3A_195 = arith.constant 0 : i32
    %swap3A_196 = arith.constant 7 : i32
    %swap3A_197 = arith.index_cast %swap3A_195 : i32 to index
    %swap3A_198 = arith.index_cast %swap3A_196 : i32 to index
    %swap3A_199 = arith.constant 16 : index
    %swap3A_200 = tpu.vector_load %arg10[%swap3A_197, %swap3A_198, %swap3A_199] {strides = array<i32>} : memref<2x8x64xf32, #tpu.memory_space<vmem>>, vector<16xf32>,
    tpu.vector_store %arg10[%swap3A_197, %swap3A_198, %swap3A_199], %broadcast_in_dim3A_19 {strides = array<i32>} : memref<2x8x64xf32, #tpu.memory_space<vmem>>, vector<16xf32>,
    %swap3A_201 = arith.constant 0 : i32
    %swap3A_202 = arith.constant 7 : i32
    %swap3A_203 = arith.index_cast %swap3A_201 : i32 to index
    %swap3A_204 = arith.index_cast %swap3A_202 : i32 to index
    %swap3A_205 = arith.constant 32 : index
    %swap3A_206 = tpu.vector_load %arg10[%swap3A_203, %swap3A_204, %swap3A_205] {strides = array<i32>} : memref<2x8x64xf32, #tpu.memory_space<vmem>>, vector<16xf32>,
    tpu.vector_store %arg10[%swap3A_203, %swap3A_204, %swap3A_205], %broadcast_in_dim3A_19 {strides = array<i32>} : memref<2x8x64xf32, #tpu.memory_space<vmem>>, vector<16xf32>,
    %swap3A_207 = arith.constant 0 : i32
    %swap3A_208 = arith.constant 7 : i32
    %swap3A_209 = arith.index_cast %swap3A_207 : i32 to index
    %swap3A_210 = arith.index_cast %swap3A_208 : i32 to index
    %swap3A_211 = arith.constant 48 : index
    %swap3A_212 = tpu.vector_load %arg10[%swap3A_209, %swap3A_210, %swap3A_211] {strides = array<i32>} : memref<2x8x64xf32, #tpu.memory_space<vmem>>, vector<16xf32>,
    tpu.vector_store %arg10[%swap3A_209, %swap3A_210, %swap3A_211], %broadcast_in_dim3A_19 {strides = array<i32>} : memref<2x8x64xf32, #tpu.memory_space<vmem>>, vector<16xf32>,
    %swap3A_213 = arith.constant 1 : i32
    %swap3A_214 = arith.constant 0 : i32
    %swap3A_215 = arith.index_cast %swap3A_213 : i32 to index
    %swap3A_216 = arith.index_cast %swap3A_214 : i32 to index
    %swap3A_217 = arith.constant 0 : index
    %swap3A_218 = tpu.vector_load %arg10[%swap3A_215, %swap3A_216, %swap3A_217] {strides = array<i32>} : memref<2x8x64xf32, #tpu.memory_space<vmem>>, vector<16xf32>,
    tpu.vector_store %arg10[%swap3A_215, %swap3A_216, %swap3A_217], %broadcast_in_dim3A_19 {strides = array<i32>} : memref<2x8x64xf32, #tpu.memory_space<vmem>>, vector<16xf32>,
    %swap3A_219 = arith.constant 1 : i32
    %swap3A_220 = arith.constant 0 : i32
    %swap3A_221 = arith.index_cast %swap3A_219 : i32 to index
    %swap3A_222 = arith.index_cast %swap3A_220 : i32 to index
    %swap3A_223 = arith.constant 16 : index
    %swap3A_224 = tpu.vector_load %arg10[%swap3A_221, %swap3A_222, %swap3A_223] {strides = array<i32>} : memref<2x8x64xf32, #tpu.memory_space<vmem>>, vector<16xf32>,
    tpu.vector_store %arg10[%swap3A_221, %swap3A_222, %swap3A_223], %broadcast_in_dim3A_19 {strides = array<i32>} : memref<2x8x64xf32, #tpu.memory_space<vmem>>, vector<16xf32>,
    %swap3A_225 = arith.constant 1 : i32
    %swap3A_226 = arith.constant 0 : i32
    %swap3A_227 = arith.index_cast %swap3A_225 : i32 to index
    %swap3A_228 = arith.index_cast %swap3A_226 : i32 to index
    %swap3A_229 = arith.constant 32 : index
    %swap3A_230 = tpu.vector_load %arg10[%swap3A_227, %swap3A_228, %swap3A_229] {strides = array<i32>} : memref<2x8x64xf32, #tpu.memory_space<vmem>>, vector<16xf32>,
    tpu.vector_store %arg10[%swap3A_227, %swap3A_228, %swap3A_229], %broadcast_in_dim3A_19 {strides = array<i32>} : memref<2x8x64xf32, #tpu.memory_space<vmem>>, vector<16xf32>,
    %swap3A_231 = arith.constant 1 : i32
    %swap3A_232 = arith.constant 0 : i32
    %swap3A_233 = arith.index_cast %swap3A_231 : i32 to index
    %swap3A_234 = arith.index_cast %swap3A_232 : i32 to index
    %swap3A_235 = arith.constant 48 : index
    %swap3A_236 = tpu.vector_load %arg10[%swap3A_233, %swap3A_234, %swap3A_235] {strides = array<i32>} : memref<2x8x64xf32, #tpu.memory_space<vmem>>, vector<16xf32>,
    tpu.vector_store %arg10[%swap3A_233, %swap3A_234, %swap3A_235], %broadcast_in_dim3A_19 {strides = array<i32>} : memref<2x8x64xf32, #tpu.memory_space<vmem>>, vector<16xf32>,
    %swap3A_237 = arith.constant 1 : i32
    %swap3A_238 = arith.constant 1 : i32
    %swap3A_239 = arith.index_cast %swap3A_237 : i32 to index
    %swap3A_240 = arith.index_cast %swap3A_238 : i32 to index
    %swap3A_241 = arith.constant 0 : index
    %swap3A_242 = tpu.vector_load %arg10[%swap3A_239, %swap3A_240, %swap3A_241] {strides = array<i32>} : memref<2x8x64xf32, #tpu.memory_space<vmem>>, vector<16xf32>,
    tpu.vector_store %arg10[%swap3A_239, %swap3A_240, %swap3A_241], %broadcast_in_dim3A_19 {strides = array<i32>} : memref<2x8x64xf32, #tpu.memory_space<vmem>>, vector<16xf32>,
    %swap3A_243 = arith.constant 1 : i32
    %swap3A_244 = arith.constant 1 : i32
    %swap3A_245 = arith.index_cast %swap3A_243 : i32 to index
    %swap3A_246 = arith.index_cast %swap3A_244 : i32 to index
    %swap3A_247 = arith.constant 16 : index
    %swap3A_248 = tpu.vector_load %arg10[%swap3A_245, %swap3A_246, %swap3A_247] {strides = array<i32>} : memref<2x8x64xf32, #tpu.memory_space<vmem>>, vector<16xf32>,
    tpu.vector_store %arg10[%swap3A_245, %swap3A_246, %swap3A_247], %broadcast_in_dim3A_19 {strides = array<i32>} : memref<2x8x64xf32, #tpu.memory_space<vmem>>, vector<16xf32>,
    %swap3A_249 = arith.constant 1 : i32
    %swap3A_250 = arith.constant 1 : i32
    %swap3A_251 = arith.index_cast %swap3A_249 : i32 to index
    %swap3A_252 = arith.index_cast %swap3A_250 : i32 to index
    %swap3A_253 = arith.constant 32 : index
    %swap3A_254 = tpu.vector_load %arg10[%swap3A_251, %swap3A_252, %swap3A_253] {strides = array<i32>} : memref<2x8x64xf32, #tpu.memory_space<vmem>>, vector<16xf32>,
    tpu.vector_store %arg10[%swap3A_251, %swap3A_252, %swap3A_253], %broadcast_in_dim3A_19 {strides = array<i32>} : memref<2x8x64xf32, #tpu.memory_space<vmem>>, vector<16xf32>,
    %swap3A_255 = arith.constant 1 : i32
    %swap3A_256 = arith.constant 1 : i32
    %swap3A_257 = arith.index_cast %swap3A_255 : i32 to index
    %swap3A_258 = arith.index_cast %swap3A_256 : i32 to index
    %swap3A_259 = arith.constant 48 : index
    %swap3A_260 = tpu.vector_load %arg10[%swap3A_257, %swap3A_258, %swap3A_259] {strides = array<i32>} : memref<2x8x64xf32, #tpu.memory_space<vmem>>, vector<16xf32>,
    tpu.vector_store %arg10[%swap3A_257, %swap3A_258, %swap3A_259], %broadcast_in_dim3A_19 {strides = array<i32>} : memref<2x8x64xf32, #tpu.memory_space<vmem>>, vector<16xf32>,
    %swap3A_261 = arith.constant 1 : i32
    %swap3A_262 = arith.constant 2 : i32
    %swap3A_263 = arith.index_cast %swap3A_261 : i32 to index
    %swap3A_264 = arith.index_cast %swap3A_262 : i32 to index
    %swap3A_265 = arith.constant 0 : index
    %swap3A_266 = tpu.vector_load %arg10[%swap3A_263, %swap3A_264, %swap3A_265] {strides = array<i32>} : memref<2x8x64xf32, #tpu.memory_space<vmem>>, vector<16xf32>,
    tpu.vector_store %arg10[%swap3A_263, %swap3A_264, %swap3A_265], %broadcast_in_dim3A_19 {strides = array<i32>} : memref<2x8x64xf32, #tpu.memory_space<vmem>>, vector<16xf32>,
    %swap3A_267 = arith.constant 1 : i32
    %swap3A_268 = arith.constant 2 : i32
    %swap3A_269 = arith.index_cast %swap3A_267 : i32 to index
    %swap3A_270 = arith.index_cast %swap3A_268 : i32 to index
    %swap3A_271 = arith.constant 16 : index
    %swap3A_272 = tpu.vector_load %arg10[%swap3A_269, %swap3A_270, %swap3A_271] {strides = array<i32>} : memref<2x8x64xf32, #tpu.memory_space<vmem>>, vector<16xf32>,
    tpu.vector_store %arg10[%swap3A_269, %swap3A_270, %swap3A_271], %broadcast_in_dim3A_19 {strides = array<i32>} : memref<2x8x64xf32, #tpu.memory_space<vmem>>, vector<16xf32>,
    %swap3A_273 = arith.constant 1 : i32
    %swap3A_274 = arith.constant 2 : i32
    %swap3A_275 = arith.index_cast %swap3A_273 : i32 to index
    %swap3A_276 = arith.index_cast %swap3A_274 : i32 to index
    %swap3A_277 = arith.constant 32 : index
    %swap3A_278 = tpu.vector_load %arg10[%swap3A_275, %swap3A_276, %swap3A_277] {strides = array<i32>} : memref<2x8x64xf32, #tpu.memory_space<vmem>>, vector<16xf32>,
    tpu.vector_store %arg10[%swap3A_275, %swap3A_276, %swap3A_277], %broadcast_in_dim3A_19 {strides = array<i32>} : memref<2x8x64xf32, #tpu.memory_space<vmem>>, vector<16xf32>,
    %swap3A_279 = arith.constant 1 : i32
    %swap3A_280 = arith.constant 2 : i32
    %swap3A_281 = arith.index_cast %swap3A_279 : i32 to index
    %swap3A_282 = arith.index_cast %swap3A_280 : i32 to index
    %swap3A_283 = arith.constant 48 : index
    %swap3A_284 = tpu.vector_load %arg10[%swap3A_281, %swap3A_282, %swap3A_283] {strides = array<i32>} : memref<2x8x64xf32, #tpu.memory_space<vmem>>, vector<16xf32>,
    tpu.vector_store %arg10[%swap3A_281, %swap3A_282, %swap3A_283], %broadcast_in_dim3A_19 {strides = array<i32>} : memref<2x8x64xf32, #tpu.memory_space<vmem>>, vector<16xf32>,
    %swap3A_285 = arith.constant 1 : i32
    %swap3A_286 = arith.constant 3 : i32
    %swap3A_287 = arith.index_cast %swap3A_285 : i32 to index
    %swap3A_288 = arith.index_cast %swap3A_286 : i32 to index
    %swap3A_289 = arith.constant 0 : index
    %swap3A_290 = tpu.vector_load %arg10[%swap3A_287, %swap3A_288, %swap3A_289] {strides = array<i32>} : memref<2x8x64xf32, #tpu.memory_space<vmem>>, vector<16xf32>,
    tpu.vector_store %arg10[%swap3A_287, %swap3A_288, %swap3A_289], %broadcast_in_dim3A_19 {strides = array<i32>} : memref<2x8x64xf32, #tpu.memory_space<vmem>>, vector<16xf32>,
    %swap3A_291 = arith.constant 1 : i32
    %swap3A_292 = arith.constant 3 : i32
    %swap3A_293 = arith.index_cast %swap3A_291 : i32 to index
    %swap3A_294 = arith.index_cast %swap3A_292 : i32 to index
    %swap3A_295 = arith.constant 16 : index
    %swap3A_296 = tpu.vector_load %arg10[%swap3A_293, %swap3A_294, %swap3A_295] {strides = array<i32>} : memref<2x8x64xf32, #tpu.memory_space<vmem>>, vector<16xf32>,
    tpu.vector_store %arg10[%swap3A_293, %swap3A_294, %swap3A_295], %broadcast_in_dim3A_19 {strides = array<i32>} : memref<2x8x64xf32, #tpu.memory_space<vmem>>, vector<16xf32>,
    %swap3A_297 = arith.constant 1 : i32
    %swap3A_298 = arith.constant 3 : i32
    %swap3A_299 = arith.index_cast %swap3A_297 : i32 to index
    %swap3A_300 = arith.index_cast %swap3A_298 : i32 to index
    %swap3A_301 = arith.constant 32 : index
    %swap3A_302 = tpu.vector_load %arg10[%swap3A_299, %swap3A_300, %swap3A_301] {strides = array<i32>} : memref<2x8x64xf32, #tpu.memory_space<vmem>>, vector<16xf32>,
    tpu.vector_store %arg10[%swap3A_299, %swap3A_300, %swap3A_301], %broadcast_in_dim3A_19 {strides = array<i32>} : memref<2x8x64xf32, #tpu.memory_space<vmem>>, vector<16xf32>,
    %swap3A_303 = arith.constant 1 : i32
    %swap3A_304 = arith.constant 3 : i32
    %swap3A_305 = arith.index_cast %swap3A_303 : i32 to index
    %swap3A_306 = arith.index_cast %swap3A_304 : i32 to index
    %swap3A_307 = arith.constant 48 : index
    %swap3A_308 = tpu.vector_load %arg10[%swap3A_305, %swap3A_306, %swap3A_307] {strides = array<i32>} : memref<2x8x64xf32, #tpu.memory_space<vmem>>, vector<16xf32>,
    tpu.vector_store %arg10[%swap3A_305, %swap3A_306, %swap3A_307], %broadcast_in_dim3A_19 {strides = array<i32>} : memref<2x8x64xf32, #tpu.memory_space<vmem>>, vector<16xf32>,
    %swap3A_309 = arith.constant 1 : i32
    %swap3A_310 = arith.constant 4 : i32
    %swap3A_311 = arith.index_cast %swap3A_309 : i32 to index
    %swap3A_312 = arith.index_cast %swap3A_310 : i32 to index
    %swap3A_313 = arith.constant 0 : index
    %swap3A_314 = tpu.vector_load %arg10[%swap3A_311, %swap3A_312, %swap3A_313] {strides = array<i32>} : memref<2x8x64xf32, #tpu.memory_space<vmem>>, vector<16xf32>,
    tpu.vector_store %arg10[%swap3A_311, %swap3A_312, %swap3A_313], %broadcast_in_dim3A_19 {strides = array<i32>} : memref<2x8x64xf32, #tpu.memory_space<vmem>>, vector<16xf32>,
    %swap3A_315 = arith.constant 1 : i32
    %swap3A_316 = arith.constant 4 : i32
    %swap3A_317 = arith.index_cast %swap3A_315 : i32 to index
    %swap3A_318 = arith.index_cast %swap3A_316 : i32 to index
    %swap3A_319 = arith.constant 16 : index
    %swap3A_320 = tpu.vector_load %arg10[%swap3A_317, %swap3A_318, %swap3A_319] {strides = array<i32>} : memref<2x8x64xf32, #tpu.memory_space<vmem>>, vector<16xf32>,
    tpu.vector_store %arg10[%swap3A_317, %swap3A_318, %swap3A_319], %broadcast_in_dim3A_19 {strides = array<i32>} : memref<2x8x64xf32, #tpu.memory_space<vmem>>, vector<16xf32>,
    %swap3A_321 = arith.constant 1 : i32
    %swap3A_322 = arith.constant 4 : i32
    %swap3A_323 = arith.index_cast %swap3A_321 : i32 to index
    %swap3A_324 = arith.index_cast %swap3A_322 : i32 to index
    %swap3A_325 = arith.constant 32 : index
    %swap3A_326 = tpu.vector_load %arg10[%swap3A_323, %swap3A_324, %swap3A_325] {strides = array<i32>} : memref<2x8x64xf32, #tpu.memory_space<vmem>>, vector<16xf32>,
    tpu.vector_store %arg10[%swap3A_323, %swap3A_324, %swap3A_325], %broadcast_in_dim3A_19 {strides = array<i32>} : memref<2x8x64xf32, #tpu.memory_space<vmem>>, vector<16xf32>,
    %swap3A_327 = arith.constant 1 : i32
    %swap3A_328 = arith.constant 4 : i32
    %swap3A_329 = arith.index_cast %swap3A_327 : i32 to index
    %swap3A_330 = arith.index_cast %swap3A_328 : i32 to index
    %swap3A_331 = arith.constant 48 : index
    %swap3A_332 = tpu.vector_load %arg10[%swap3A_329, %swap3A_330, %swap3A_331] {strides = array<i32>} : memref<2x8x64xf32, #tpu.memory_space<vmem>>, vector<16xf32>,
    tpu.vector_store %arg10[%swap3A_329, %swap3A_330, %swap3A_331], %broadcast_in_dim3A_19 {strides = array<i32>} : memref<2x8x64xf32, #tpu.memory_space<vmem>>, vector<16xf32>,
    %swap3A_333 = arith.constant 1 : i32
    %swap3A_334 = arith.constant 5 : i32
    %swap3A_335 = arith.index_cast %swap3A_333 : i32 to index
    %swap3A_336 = arith.index_cast %swap3A_334 : i32 to index
    %swap3A_337 = arith.constant 0 : index
    %swap3A_338 = tpu.vector_load %arg10[%swap3A_335, %swap3A_336, %swap3A_337] {strides = array<i32>} : memref<2x8x64xf32, #tpu.memory_space<vmem>>, vector<16xf32>,
    tpu.vector_store %arg10[%swap3A_335, %swap3A_336, %swap3A_337], %broadcast_in_dim3A_19 {strides = array<i32>} : memref<2x8x64xf32, #tpu.memory_space<vmem>>, vector<16xf32>,
    %swap3A_339 = arith.constant 1 : i32
    %swap3A_340 = arith.constant 5 : i32
    %swap3A_341 = arith.index_cast %swap3A_339 : i32 to index
    %swap3A_342 = arith.index_cast %swap3A_340 : i32 to index
    %swap3A_343 = arith.constant 16 : index
    %swap3A_344 = tpu.vector_load %arg10[%swap3A_341, %swap3A_342, %swap3A_343] {strides = array<i32>} : memref<2x8x64xf32, #tpu.memory_space<vmem>>, vector<16xf32>,
    tpu.vector_store %arg10[%swap3A_341, %swap3A_342, %swap3A_343], %broadcast_in_dim3A_19 {strides = array<i32>} : memref<2x8x64xf32, #tpu.memory_space<vmem>>, vector<16xf32>,
    %swap3A_345 = arith.constant 1 : i32
    %swap3A_346 = arith.constant 5 : i32
    %swap3A_347 = arith.index_cast %swap3A_345 : i32 to index
    %swap3A_348 = arith.index_cast %swap3A_346 : i32 to index
    %swap3A_349 = arith.constant 32 : index
    %swap3A_350 = tpu.vector_load %arg10[%swap3A_347, %swap3A_348, %swap3A_349] {strides = array<i32>} : memref<2x8x64xf32, #tpu.memory_space<vmem>>, vector<16xf32>,
    tpu.vector_store %arg10[%swap3A_347, %swap3A_348, %swap3A_349], %broadcast_in_dim3A_19 {strides = array<i32>} : memref<2x8x64xf32, #tpu.memory_space<vmem>>, vector<16xf32>,
    %swap3A_351 = arith.constant 1 : i32
    %swap3A_352 = arith.constant 5 : i32
    %swap3A_353 = arith.index_cast %swap3A_351 : i32 to index
    %swap3A_354 = arith.index_cast %swap3A_352 : i32 to index
    %swap3A_355 = arith.constant 48 : index
    %swap3A_356 = tpu.vector_load %arg10[%swap3A_353, %swap3A_354, %swap3A_355] {strides = array<i32>} : memref<2x8x64xf32, #tpu.memory_space<vmem>>, vector<16xf32>,
    tpu.vector_store %arg10[%swap3A_353, %swap3A_354, %swap3A_355], %broadcast_in_dim3A_19 {strides = array<i32>} : memref<2x8x64xf32, #tpu.memory_space<vmem>>, vector<16xf32>,
    %swap3A_357 = arith.constant 1 : i32
    %swap3A_358 = arith.constant 6 : i32
    %swap3A_359 = arith.index_cast %swap3A_357 : i32 to index
    %swap3A_360 = arith.index_cast %swap3A_358 : i32 to index
    %swap3A_361 = arith.constant 0 : index
    %swap3A_362 = tpu.vector_load %arg10[%swap3A_359, %swap3A_360, %swap3A_361] {strides = array<i32>} : memref<2x8x64xf32, #tpu.memory_space<vmem>>, vector<16xf32>,
    tpu.vector_store %arg10[%swap3A_359, %swap3A_360, %swap3A_361], %broadcast_in_dim3A_19 {strides = array<i32>} : memref<2x8x64xf32, #tpu.memory_space<vmem>>, vector<16xf32>,
    %swap3A_363 = arith.constant 1 : i32
    %swap3A_364 = arith.constant 6 : i32
    %swap3A_365 = arith.index_cast %swap3A_363 : i32 to index
    %swap3A_366 = arith.index_cast %swap3A_364 : i32 to index
    %swap3A_367 = arith.constant 16 : index
    %swap3A_368 = tpu.vector_load %arg10[%swap3A_365, %swap3A_366, %swap3A_367] {strides = array<i32>} : memref<2x8x64xf32, #tpu.memory_space<vmem>>, vector<16xf32>,
    tpu.vector_store %arg10[%swap3A_365, %swap3A_366, %swap3A_367], %broadcast_in_dim3A_19 {strides = array<i32>} : memref<2x8x64xf32, #tpu.memory_space<vmem>>, vector<16xf32>,
    %swap3A_369 = arith.constant 1 : i32
    %swap3A_370 = arith.constant 6 : i32
    %swap3A_371 = arith.index_cast %swap3A_369 : i32 to index
    %swap3A_372 = arith.index_cast %swap3A_370 : i32 to index
    %swap3A_373 = arith.constant 32 : index
    %swap3A_374 = tpu.vector_load %arg10[%swap3A_371, %swap3A_372, %swap3A_373] {strides = array<i32>} : memref<2x8x64xf32, #tpu.memory_space<vmem>>, vector<16xf32>,
    tpu.vector_store %arg10[%swap3A_371, %swap3A_372, %swap3A_373], %broadcast_in_dim3A_19 {strides = array<i32>} : memref<2x8x64xf32, #tpu.memory_space<vmem>>, vector<16xf32>,
    %swap3A_375 = arith.constant 1 : i32
    %swap3A_376 = arith.constant 6 : i32
    %swap3A_377 = arith.index_cast %swap3A_375 : i32 to index
    %swap3A_378 = arith.index_cast %swap3A_376 : i32 to index
    %swap3A_379 = arith.constant 48 : index
    %swap3A_380 = tpu.vector_load %arg10[%swap3A_377, %swap3A_378, %swap3A_379] {strides = array<i32>} : memref<2x8x64xf32, #tpu.memory_space<vmem>>, vector<16xf32>,
    tpu.vector_store %arg10[%swap3A_377, %swap3A_378, %swap3A_379], %broadcast_in_dim3A_19 {strides = array<i32>} : memref<2x8x64xf32, #tpu.memory_space<vmem>>, vector<16xf32>,
    %swap3A_381 = arith.constant 1 : i32
    %swap3A_382 = arith.constant 7 : i32
    %swap3A_383 = arith.index_cast %swap3A_381 : i32 to index
    %swap3A_384 = arith.index_cast %swap3A_382 : i32 to index
    %swap3A_385 = arith.constant 0 : index
    %swap3A_386 = tpu.vector_load %arg10[%swap3A_383, %swap3A_384, %swap3A_385] {strides = array<i32>} : memref<2x8x64xf32, #tpu.memory_space<vmem>>, vector<16xf32>,
    tpu.vector_store %arg10[%swap3A_383, %swap3A_384, %swap3A_385], %broadcast_in_dim3A_19 {strides = array<i32>} : memref<2x8x64xf32, #tpu.memory_space<vmem>>, vector<16xf32>,
    %swap3A_387 = arith.constant 1 : i32
    %swap3A_388 = arith.constant 7 : i32
    %swap3A_389 = arith.index_cast %swap3A_387 : i32 to index
    %swap3A_390 = arith.index_cast %swap3A_388 : i32 to index
    %swap3A_391 = arith.constant 16 : index
    %swap3A_392 = tpu.vector_load %arg10[%swap3A_389, %swap3A_390, %swap3A_391] {strides = array<i32>} : memref<2x8x64xf32, #tpu.memory_space<vmem>>, vector<16xf32>,
    tpu.vector_store %arg10[%swap3A_389, %swap3A_390, %swap3A_391], %broadcast_in_dim3A_19 {strides = array<i32>} : memref<2x8x64xf32, #tpu.memory_space<vmem>>, vector<16xf32>,
    %swap3A_393 = arith.constant 1 : i32
    %swap3A_394 = arith.constant 7 : i32
    %swap3A_395 = arith.index_cast %swap3A_393 : i32 to index
    %swap3A_396 = arith.index_cast %swap3A_394 : i32 to index
    %swap3A_397 = arith.constant 32 : index
    %swap3A_398 = tpu.vector_load %arg10[%swap3A_395, %swap3A_396, %swap3A_397] {strides = array<i32>} : memref<2x8x64xf32, #tpu.memory_space<vmem>>, vector<16xf32>,
    tpu.vector_store %arg10[%swap3A_395, %swap3A_396, %swap3A_397], %broadcast_in_dim3A_19 {strides = array<i32>} : memref<2x8x64xf32, #tpu.memory_space<vmem>>, vector<16xf32>,
    %swap3A_399 = arith.constant 1 : i32
    %swap3A_400 = arith.constant 7 : i32
    %swap3A_401 = arith.index_cast %swap3A_399 : i32 to index
    %swap3A_402 = arith.index_cast %swap3A_400 : i32 to index
    %swap3A_403 = arith.constant 48 : index
    %swap3A_404 = tpu.vector_load %arg10[%swap3A_401, %swap3A_402, %swap3A_403] {strides = array<i32>} : memref<2x8x64xf32, #tpu.memory_space<vmem>>, vector<16xf32>,
    tpu.vector_store %arg10[%swap3A_401, %swap3A_402, %swap3A_403], %broadcast_in_dim3A_19 {strides = array<i32>} : memref<2x8x64xf32, #tpu.memory_space<vmem>>, vector<16xf32>,
    %iota3A = tpu.iota {dimensions = array<i32: 0>} : vector<16xi32>
    %broadcast_in_dim3A_405 = arith.constant 0x7F800000 : f32
    %broadcast_in_dim3A_406 = vector.broadcast %broadcast_in_dim3A_405 : f32 to vector<16xf32>
    %add3A_407 = arith.constant 0 : i32
    %add3A_408 = arith.addi %mul3A_2, %add3A_407 : i32
    %dma_start3A = arith.constant 0 : i32
    %dma_start3A_409 = arith.constant 0 : i32
    %dma_start3A_410 = arith.constant 0 : i32
    %dma_start3A_411 = arith.constant 0 : i32
    %dma_start3A_412 = tpu.memref_slice %arg8[%dma_start3A, %dma_start3A_410, %dma_start3A_411] : memref<2x8x2048xf32, #tpu.memory_space<vmem>> -> memref<1x8x2048xf32, #tpu.memory_space<vmem>>
    %dma_start3A_413 = tpu.memref_squeeze %dma_start3A_412 : memref<1x8x2048xf32, #tpu.memory_space<vmem>> -> memref<8x2048xf32, #tpu.memory_space<vmem>>
    %dma_start3A_414 = arith.constant 0 : i32
    %dma_start3A_415 = tpu.memref_slice %arg2[%add3A_408, %dma_start3A_414] : memref<8192x2048xf32, #tpu.memory_space<hbm>> -> memref<8x2048xf32, #tpu.memory_space<hbm>>
    %dma_start3A_416 = tpu.memref_slice %arg15[%dma_start3A_409] : memref<2x!tpu.dma_semaphore, #tpu.memory_space<semaphore_mem>> -> memref<1x!tpu.dma_semaphore, #tpu.memory_space<semaphore_mem>>
    %dma_start3A_417 = tpu.memref_squeeze %dma_start3A_416 : memref<1x!tpu.dma_semaphore, #tpu.memory_space<semaphore_mem>> -> memref<!tpu.dma_semaphore, #tpu.memory_space<semaphore_mem>>
    %dma_start3A_418 = arith.constant 0 : i32
    %dma_start3A_419 = arith.constant 0 : i32
    %dma_start3A_420 = tpu.memref_slice %arg8[%dma_start3A, %dma_start3A_418, %dma_start3A_419] : memref<2x8x2048xf32, #tpu.memory_space<vmem>> -> memref<1x8x2048xf32, #tpu.memory_space<vmem>>
    %dma_start3A_421 = tpu.memref_squeeze %dma_start3A_420 : memref<1x8x2048xf32, #tpu.memory_space<vmem>> -> memref<8x2048xf32, #tpu.memory_space<vmem>>
    %dma_start3A_422 = arith.constant 0 : i32
    %dma_start3A_423 = tpu.memref_slice %arg2[%add3A_408, %dma_start3A_422] : memref<8192x2048xf32, #tpu.memory_space<hbm>> -> memref<8x2048xf32, #tpu.memory_space<hbm>>
    tpu.enqueue_dma source(%dma_start3A_423 : memref<8x2048xf32, #tpu.memory_space<hbm>>) target(%dma_start3A_421 : memref<8x2048xf32, #tpu.memory_space<vmem>>) target_semaphore(%dma_start3A_417 : memref<!tpu.dma_semaphore, #tpu.memory_space<semaphore_mem>>)
    %add3A_424 = arith.constant 0 : i32
    %add3A_425 = arith.addi %mul3A_2, %add3A_424 : i32
    %dma_start3A_426 = arith.constant 0 : i32
    %dma_start3A_427 = arith.constant 0 : i32
    %dma_start3A_428 = arith.constant 0 : i32
    %dma_start3A_429 = arith.constant 0 : i32
    %dma_start3A_430 = tpu.memref_slice %arg14[%dma_start3A_426, %dma_start3A_428, %dma_start3A_429] : memref<2x8x8xf32, #tpu.memory_space<vmem>> -> memref<1x8x8xf32, #tpu.memory_space<vmem>>
    %dma_start3A_431 = tpu.memref_squeeze %dma_start3A_430 : memref<1x8x8xf32, #tpu.memory_space<vmem>> -> memref<8x8xf32, #tpu.memory_space<vmem>>
    %dma_start3A_432 = arith.constant 0 : i32
    %dma_start3A_433 = tpu.memref_slice %arg5[%add3A_425, %dma_start3A_432] : memref<8192x8xf32, #tpu.memory_space<hbm>> -> memref<8x8xf32, #tpu.memory_space<hbm>>
    %dma_start3A_434 = tpu.memref_slice %arg15[%dma_start3A_427] : memref<2x!tpu.dma_semaphore, #tpu.memory_space<semaphore_mem>> -> memref<1x!tpu.dma_semaphore, #tpu.memory_space<semaphore_mem>>
    %dma_start3A_435 = tpu.memref_squeeze %dma_start3A_434 : memref<1x!tpu.dma_semaphore, #tpu.memory_space<semaphore_mem>> -> memref<!tpu.dma_semaphore, #tpu.memory_space<semaphore_mem>>
    %dma_start3A_436 = arith.constant 0 : i32
    %dma_start3A_437 = arith.constant 0 : i32
    %dma_start3A_438 = tpu.memref_slice %arg14[%dma_start3A_426, %dma_start3A_436, %dma_start3A_437] : memref<2x8x8xf32, #tpu.memory_space<vmem>> -> memref<1x8x8xf32, #tpu.memory_space<vmem>>
    %dma_start3A_439 = tpu.memref_squeeze %dma_start3A_438 : memref<1x8x8xf32, #tpu.memory_space<vmem>> -> memref<8x8xf32, #tpu.memory_space<vmem>>
    %dma_start3A_440 = arith.constant 0 : i32
    %dma_start3A_441 = tpu.memref_slice %arg5[%add3A_425, %dma_start3A_440] : memref<8192x8xf32, #tpu.memory_space<hbm>> -> memref<8x8xf32, #tpu.memory_space<hbm>>
    tpu.enqueue_dma source(%dma_start3A_441 : memref<8x8xf32, #tpu.memory_space<hbm>>) target(%dma_start3A_439 : memref<8x8xf32, #tpu.memory_space<vmem>>) target_semaphore(%dma_start3A_435 : memref<!tpu.dma_semaphore, #tpu.memory_space<semaphore_mem>>)
    %scan3A = arith.constant 0 : i32
    %scan3A_442 = arith.constant 0 : i32
    %scan3A_443 = arith.constant 32 : i32
    %scan3A_444 = arith.addi %scan3A_442, %scan3A_443 : i32
    %scan3A_445 = arith.constant 1 : i32
    %scan3A_446 = scf.for %scan3A_523 = %scan3A_442 to %scan3A_444 step %scan3A_445 iter_args(%scan3A_524 = %scan3A) -> (i32)  : i32 {
      %rem3A_525 = arith.constant 2 : i32
      %rem3A_526 = arith.remsi %scan3A_523, %rem3A_525 : i32
      %mul3A_527 = arith.constant 8 : i32
      %mul3A_528 = arith.muli %scan3A_523, %mul3A_527 : i32
      %add3A_529 = arith.addi %mul3A_2, %mul3A_528 : i32
      %mul3A_530 = arith.constant 8 : i32
      %mul3A_531 = arith.muli %scan3A_523, %mul3A_530 : i32
      %add3A_532 = arith.addi %mul3A_2, %mul3A_531 : i32
      %dma_wait3A_533 = arith.constant 0 : i32
      %dma_wait3A_534 = arith.constant 0 : i32
      %dma_wait3A_535 = tpu.memref_slice %arg8[%rem3A_526, %dma_wait3A_533, %dma_wait3A_534] : memref<2x8x2048xf32, #tpu.memory_space<vmem>> -> memref<1x8x2048xf32, #tpu.memory_space<vmem>>
      %dma_wait3A_536 = tpu.memref_squeeze %dma_wait3A_535 : memref<1x8x2048xf32, #tpu.memory_space<vmem>> -> memref<8x2048xf32, #tpu.memory_space<vmem>>
      %dma_wait3A_537 = arith.constant 0 : i32
      %dma_wait3A_538 = tpu.memref_slice %arg2[%add3A_532, %dma_wait3A_537] : memref<8192x2048xf32, #tpu.memory_space<hbm>> -> memref<8x2048xf32, #tpu.memory_space<hbm>>
      %dma_wait3A_539 = tpu.memref_slice %arg15[%rem3A_526] : memref<2x!tpu.dma_semaphore, #tpu.memory_space<semaphore_mem>> -> memref<1x!tpu.dma_semaphore, #tpu.memory_space<semaphore_mem>>
      %dma_wait3A_540 = tpu.memref_squeeze %dma_wait3A_539 : memref<1x!tpu.dma_semaphore, #tpu.memory_space<semaphore_mem>> -> memref<!tpu.dma_semaphore, #tpu.memory_space<semaphore_mem>>
      %dma_wait3A_541 = arith.constant 0 : i32
      %dma_wait3A_542 = arith.constant 0 : i32
      %dma_wait3A_543 = tpu.memref_slice %arg8[%rem3A_526, %dma_wait3A_541, %dma_wait3A_542] : memref<2x8x2048xf32, #tpu.memory_space<vmem>> -> memref<1x8x2048xf32, #tpu.memory_space<vmem>>
      %dma_wait3A_544 = tpu.memref_squeeze %dma_wait3A_543 : memref<1x8x2048xf32, #tpu.memory_space<vmem>> -> memref<8x2048xf32, #tpu.memory_space<vmem>>
      %dma_wait3A_545 = arith.constant 0 : i32
      %dma_wait3A_546 = tpu.memref_slice %arg2[%add3A_532, %dma_wait3A_545] : memref<8192x2048xf32, #tpu.memory_space<hbm>> -> memref<8x2048xf32, #tpu.memory_space<hbm>>
      tpu.wait_dma2 semaphore(%dma_wait3A_540 : memref<!tpu.dma_semaphore, #tpu.memory_space<semaphore_mem>>) src(%dma_wait3A_546 : memref<8x2048xf32, #tpu.memory_space<hbm>>) dst(%dma_wait3A_544 : memref<8x2048xf32, #tpu.memory_space<vmem>>)
      %mul3A_547 = arith.constant 8 : i32
      %mul3A_548 = arith.muli %scan3A_523, %mul3A_547 : i32
      %add3A_549 = arith.addi %mul3A_2, %mul3A_548 : i32
      %dma_wait3A_550 = arith.constant 0 : i32
      %dma_wait3A_551 = arith.constant 0 : i32
      %dma_wait3A_552 = tpu.memref_slice %arg14[%rem3A_526, %dma_wait3A_550, %dma_wait3A_551] : memref<2x8x8xf32, #tpu.memory_space<vmem>> -> memref<1x8x8xf32, #tpu.memory_space<vmem>>
      %dma_wait3A_553 = tpu.memref_squeeze %dma_wait3A_552 : memref<1x8x8xf32, #tpu.memory_space<vmem>> -> memref<8x8xf32, #tpu.memory_space<vmem>>
      %dma_wait3A_554 = arith.constant 0 : i32
      %dma_wait3A_555 = tpu.memref_slice %arg5[%add3A_549, %dma_wait3A_554] : memref<8192x8xf32, #tpu.memory_space<hbm>> -> memref<8x8xf32, #tpu.memory_space<hbm>>
      %dma_wait3A_556 = tpu.memref_slice %arg15[%rem3A_526] : memref<2x!tpu.dma_semaphore, #tpu.memory_space<semaphore_mem>> -> memref<1x!tpu.dma_semaphore, #tpu.memory_space<semaphore_mem>>
      %dma_wait3A_557 = tpu.memref_squeeze %dma_wait3A_556 : memref<1x!tpu.dma_semaphore, #tpu.memory_space<semaphore_mem>> -> memref<!tpu.dma_semaphore, #tpu.memory_space<semaphore_mem>>
      %dma_wait3A_558 = arith.constant 0 : i32
      %dma_wait3A_559 = arith.constant 0 : i32
      %dma_wait3A_560 = tpu.memref_slice %arg14[%rem3A_526, %dma_wait3A_558, %dma_wait3A_559] : memref<2x8x8xf32, #tpu.memory_space<vmem>> -> memref<1x8x8xf32, #tpu.memory_space<vmem>>
      %dma_wait3A_561 = tpu.memref_squeeze %dma_wait3A_560 : memref<1x8x8xf32, #tpu.memory_space<vmem>> -> memref<8x8xf32, #tpu.memory_space<vmem>>
      %dma_wait3A_562 = arith.constant 0 : i32
      %dma_wait3A_563 = tpu.memref_slice %arg5[%add3A_549, %dma_wait3A_562] : memref<8192x8xf32, #tpu.memory_space<hbm>> -> memref<8x8xf32, #tpu.memory_space<hbm>>
      tpu.wait_dma2 semaphore(%dma_wait3A_557 : memref<!tpu.dma_semaphore, #tpu.memory_space<semaphore_mem>>) src(%dma_wait3A_563 : memref<8x8xf32, #tpu.memory_space<hbm>>) dst(%dma_wait3A_561 : memref<8x8xf32, #tpu.memory_space<vmem>>)
      %add3A_564 = arith.constant 1 : i32
      %add3A_565 = arith.addi %scan3A_523, %add3A_564 : i32
      %lt3A = arith.constant 32 : i32
      %lt3A_566 = arith.cmpi slt, %add3A_565, %lt3A : i32
      %convert_element_type3A = arith.extui %lt3A_566 : i1 to i32
      %cond3A = arith.constant 0 : i32
      %cond3A_567 = arith.cmpi ne, %convert_element_type3A, %cond3A : i32
      scf.if %cond3A_567 {
        %add3A_630 = arith.constant 1 : i32
        %add3A_631 = arith.addi %scan3A_523, %add3A_630 : i32
        %sub3A_632 = arith.constant 1 : i32
        %sub3A_633 = arith.subi %sub3A_632, %rem3A_526 : i32
        %mul3A_634 = arith.constant 8 : i32
        %mul3A_635 = arith.muli %add3A_631, %mul3A_634 : i32
        %add3A_636 = arith.addi %mul3A_2, %mul3A_635 : i32
        %dma_start3A_637 = arith.constant 0 : i32
        %dma_start3A_638 = arith.constant 0 : i32
        %dma_start3A_639 = tpu.memref_slice %arg8[%sub3A_633, %dma_start3A_637, %dma_start3A_638] : memref<2x8x2048xf32, #tpu.memory_space<vmem>> -> memref<1x8x2048xf32, #tpu.memory_space<vmem>>
        %dma_start3A_640 = tpu.memref_squeeze %dma_start3A_639 : memref<1x8x2048xf32, #tpu.memory_space<vmem>> -> memref<8x2048xf32, #tpu.memory_space<vmem>>
        %dma_start3A_641 = arith.constant 0 : i32
        %dma_start3A_642 = tpu.memref_slice %arg2[%add3A_636, %dma_start3A_641] : memref<8192x2048xf32, #tpu.memory_space<hbm>> -> memref<8x2048xf32, #tpu.memory_space<hbm>>
        %dma_start3A_643 = tpu.memref_slice %arg15[%sub3A_633] : memref<2x!tpu.dma_semaphore, #tpu.memory_space<semaphore_mem>> -> memref<1x!tpu.dma_semaphore, #tpu.memory_space<semaphore_mem>>
        %dma_start3A_644 = tpu.memref_squeeze %dma_start3A_643 : memref<1x!tpu.dma_semaphore, #tpu.memory_space<semaphore_mem>> -> memref<!tpu.dma_semaphore, #tpu.memory_space<semaphore_mem>>
        %dma_start3A_645 = arith.constant 0 : i32
        %dma_start3A_646 = arith.constant 0 : i32
        %dma_start3A_647 = tpu.memref_slice %arg8[%sub3A_633, %dma_start3A_645, %dma_start3A_646] : memref<2x8x2048xf32, #tpu.memory_space<vmem>> -> memref<1x8x2048xf32, #tpu.memory_space<vmem>>
        %dma_start3A_648 = tpu.memref_squeeze %dma_start3A_647 : memref<1x8x2048xf32, #tpu.memory_space<vmem>> -> memref<8x2048xf32, #tpu.memory_space<vmem>>
        %dma_start3A_649 = arith.constant 0 : i32
        %dma_start3A_650 = tpu.memref_slice %arg2[%add3A_636, %dma_start3A_649] : memref<8192x2048xf32, #tpu.memory_space<hbm>> -> memref<8x2048xf32, #tpu.memory_space<hbm>>
        tpu.enqueue_dma source(%dma_start3A_650 : memref<8x2048xf32, #tpu.memory_space<hbm>>) target(%dma_start3A_648 : memref<8x2048xf32, #tpu.memory_space<vmem>>) target_semaphore(%dma_start3A_644 : memref<!tpu.dma_semaphore, #tpu.memory_space<semaphore_mem>>)
        %add3A_651 = arith.constant 1 : i32
        %add3A_652 = arith.addi %scan3A_523, %add3A_651 : i32
        %sub3A_653 = arith.constant 1 : i32
        %sub3A_654 = arith.subi %sub3A_653, %rem3A_526 : i32
        %mul3A_655 = arith.constant 8 : i32
        %mul3A_656 = arith.muli %add3A_652, %mul3A_655 : i32
        %add3A_657 = arith.addi %mul3A_2, %mul3A_656 : i32
        %dma_start3A_658 = arith.constant 0 : i32
        %dma_start3A_659 = arith.constant 0 : i32
        %dma_start3A_660 = tpu.memref_slice %arg14[%sub3A_654, %dma_start3A_658, %dma_start3A_659] : memref<2x8x8xf32, #tpu.memory_space<vmem>> -> memref<1x8x8xf32, #tpu.memory_space<vmem>>
        %dma_start3A_661 = tpu.memref_squeeze %dma_start3A_660 : memref<1x8x8xf32, #tpu.memory_space<vmem>> -> memref<8x8xf32, #tpu.memory_space<vmem>>
        %dma_start3A_662 = arith.constant 0 : i32
        %dma_start3A_663 = tpu.memref_slice %arg5[%add3A_657, %dma_start3A_662] : memref<8192x8xf32, #tpu.memory_space<hbm>> -> memref<8x8xf32, #tpu.memory_space<hbm>>
        %dma_start3A_664 = tpu.memref_slice %arg15[%sub3A_654] : memref<2x!tpu.dma_semaphore, #tpu.memory_space<semaphore_mem>> -> memref<1x!tpu.dma_semaphore, #tpu.memory_space<semaphore_mem>>
        %dma_start3A_665 = tpu.memref_squeeze %dma_start3A_664 : memref<1x!tpu.dma_semaphore, #tpu.memory_space<semaphore_mem>> -> memref<!tpu.dma_semaphore, #tpu.memory_space<semaphore_mem>>
        %dma_start3A_666 = arith.constant 0 : i32
        %dma_start3A_667 = arith.constant 0 : i32
        %dma_start3A_668 = tpu.memref_slice %arg14[%sub3A_654, %dma_start3A_666, %dma_start3A_667] : memref<2x8x8xf32, #tpu.memory_space<vmem>> -> memref<1x8x8xf32, #tpu.memory_space<vmem>>
        %dma_start3A_669 = tpu.memref_squeeze %dma_start3A_668 : memref<1x8x8xf32, #tpu.memory_space<vmem>> -> memref<8x8xf32, #tpu.memory_space<vmem>>
        %dma_start3A_670 = arith.constant 0 : i32
        %dma_start3A_671 = tpu.memref_slice %arg5[%add3A_657, %dma_start3A_670] : memref<8192x8xf32, #tpu.memory_space<hbm>> -> memref<8x8xf32, #tpu.memory_space<hbm>>
        tpu.enqueue_dma source(%dma_start3A_671 : memref<8x8xf32, #tpu.memory_space<hbm>>) target(%dma_start3A_669 : memref<8x8xf32, #tpu.memory_space<vmem>>) target_semaphore(%dma_start3A_665 : memref<!tpu.dma_semaphore, #tpu.memory_space<semaphore_mem>>)
      } else {
      }
      %ge3A = arith.constant 2 : i32
      %ge3A_568 = arith.cmpi sge, %scan3A_523, %ge3A : i32
      %convert_element_type3A_569 = arith.extui %ge3A_568 : i1 to i32
      %cond3A_570 = arith.constant 0 : i32
      %cond3A_571 = arith.cmpi ne, %convert_element_type3A_569, %cond3A_570 : i32
      scf.if %cond3A_571 {
        %sub3A_630 = arith.constant 2 : i32
        %sub3A_631 = arith.subi %scan3A_523, %sub3A_630 : i32
        %mul3A_632 = arith.constant 8 : i32
        %mul3A_633 = arith.muli %sub3A_631, %mul3A_632 : i32
        %add3A_634 = arith.addi %mul3A_2, %mul3A_633 : i32
        %mul3A_635 = arith.constant 16 : i32
        %mul3A_636 = arith.muli %add3A_634, %mul3A_635 : i32
        %dma_wait3A_637 = arith.constant 0 : i32
        %dma_wait3A_638 = arith.constant 0 : i32
        %dma_wait3A_639 = tpu.memref_slice %arg11[%rem3A_526, %dma_wait3A_637, %dma_wait3A_638] : memref<2x128x256xf32, #tpu.memory_space<vmem>> -> memref<1x128x256xf32, #tpu.memory_space<vmem>>
        %dma_wait3A_640 = tpu.memref_squeeze %dma_wait3A_639 : memref<1x128x256xf32, #tpu.memory_space<vmem>> -> memref<128x256xf32, #tpu.memory_space<vmem>>
        %dma_wait3A_641 = arith.constant 0 : i32
        %dma_wait3A_642 = tpu.memref_slice %arg7[%mul3A_636, %dma_wait3A_641] : memref<131072x256xf32, #tpu.memory_space<hbm>> -> memref<128x256xf32, #tpu.memory_space<hbm>>
        %dma_wait3A_643 = tpu.memref_slice %arg17[%rem3A_526] : memref<2x!tpu.dma_semaphore, #tpu.memory_space<semaphore_mem>> -> memref<1x!tpu.dma_semaphore, #tpu.memory_space<semaphore_mem>>
        %dma_wait3A_644 = tpu.memref_squeeze %dma_wait3A_643 : memref<1x!tpu.dma_semaphore, #tpu.memory_space<semaphore_mem>> -> memref<!tpu.dma_semaphore, #tpu.memory_space<semaphore_mem>>
        %dma_wait3A_645 = arith.constant 0 : i32
        %dma_wait3A_646 = tpu.memref_slice %arg7[%mul3A_636, %dma_wait3A_645] : memref<131072x256xf32, #tpu.memory_space<hbm>> -> memref<128x256xf32, #tpu.memory_space<hbm>>
        %dma_wait3A_647 = arith.constant 0 : i32
        %dma_wait3A_648 = arith.constant 0 : i32
        %dma_wait3A_649 = tpu.memref_slice %arg11[%rem3A_526, %dma_wait3A_647, %dma_wait3A_648] : memref<2x128x256xf32, #tpu.memory_space<vmem>> -> memref<1x128x256xf32, #tpu.memory_space<vmem>>
        %dma_wait3A_650 = tpu.memref_squeeze %dma_wait3A_649 : memref<1x128x256xf32, #tpu.memory_space<vmem>> -> memref<128x256xf32, #tpu.memory_space<vmem>>
        tpu.wait_dma2 semaphore(%dma_wait3A_644 : memref<!tpu.dma_semaphore, #tpu.memory_space<semaphore_mem>>) src(%dma_wait3A_650 : memref<128x256xf32, #tpu.memory_space<vmem>>) dst(%dma_wait3A_646 : memref<128x256xf32, #tpu.memory_space<hbm>>)
        %sub3A_651 = arith.constant 2 : i32
        %sub3A_652 = arith.subi %scan3A_523, %sub3A_651 : i32
        %mul3A_653 = arith.constant 8 : i32
        %mul3A_654 = arith.muli %sub3A_652, %mul3A_653 : i32
        %add3A_655 = arith.addi %mul3A_2, %mul3A_654 : i32
        %dma_wait3A_656 = arith.constant 0 : i32
        %dma_wait3A_657 = arith.constant 0 : i32
        %dma_wait3A_658 = tpu.memref_slice %arg10[%rem3A_526, %dma_wait3A_656, %dma_wait3A_657] : memref<2x8x64xf32, #tpu.memory_space<vmem>> -> memref<1x8x64xf32, #tpu.memory_space<vmem>>
        %dma_wait3A_659 = tpu.memref_squeeze %dma_wait3A_658 : memref<1x8x64xf32, #tpu.memory_space<vmem>> -> memref<8x64xf32, #tpu.memory_space<vmem>>
        %dma_wait3A_660 = arith.constant 0 : i32
        %dma_wait3A_661 = tpu.memref_slice %arg6[%add3A_655, %dma_wait3A_660] : memref<8192x64xf32, #tpu.memory_space<hbm>> -> memref<8x64xf32, #tpu.memory_space<hbm>>
        %dma_wait3A_662 = tpu.memref_slice %arg18[%rem3A_526] : memref<2x!tpu.dma_semaphore, #tpu.memory_space<semaphore_mem>> -> memref<1x!tpu.dma_semaphore, #tpu.memory_space<semaphore_mem>>
        %dma_wait3A_663 = tpu.memref_squeeze %dma_wait3A_662 : memref<1x!tpu.dma_semaphore, #tpu.memory_space<semaphore_mem>> -> memref<!tpu.dma_semaphore, #tpu.memory_space<semaphore_mem>>
        %dma_wait3A_664 = arith.constant 0 : i32
        %dma_wait3A_665 = tpu.memref_slice %arg6[%add3A_655, %dma_wait3A_664] : memref<8192x64xf32, #tpu.memory_space<hbm>> -> memref<8x64xf32, #tpu.memory_space<hbm>>
        %dma_wait3A_666 = arith.constant 0 : i32
        %dma_wait3A_667 = arith.constant 0 : i32
        %dma_wait3A_668 = tpu.memref_slice %arg10[%rem3A_526, %dma_wait3A_666, %dma_wait3A_667] : memref<2x8x64xf32, #tpu.memory_space<vmem>> -> memref<1x8x64xf32, #tpu.memory_space<vmem>>
        %dma_wait3A_669 = tpu.memref_squeeze %dma_wait3A_668 : memref<1x8x64xf32, #tpu.memory_space<vmem>> -> memref<8x64xf32, #tpu.memory_space<vmem>>
        tpu.wait_dma2 semaphore(%dma_wait3A_663 : memref<!tpu.dma_semaphore, #tpu.memory_space<semaphore_mem>>) src(%dma_wait3A_669 : memref<8x64xf32, #tpu.memory_space<vmem>>) dst(%dma_wait3A_665 : memref<8x64xf32, #tpu.memory_space<hbm>>)
      } else {
      }
      %scan3A_572 = arith.constant 0 : i32
      %scan3A_573 = arith.constant 0 : i32
      %scan3A_574 = arith.constant 4 : i32
      %scan3A_575 = arith.addi %scan3A_573, %scan3A_574 : i32
      %scan3A_576 = arith.constant 1 : i32
      %scan3A_577 = scf.for %scan3A_630 = %scan3A_573 to %scan3A_575 step %scan3A_576 iter_args(%scan3A_631 = %scan3A_572) -> (i32)  : i32 {
        %mul3A_632 = arith.constant 2 : i32
        %mul3A_633 = arith.muli %mul3A_632, %scan3A_630 : i32
        %mul3A_634 = arith.constant 2 : i32
        %mul3A_635 = arith.muli %mul3A_634, %scan3A_630 : i32
        %add3A_636 = arith.addi %add3A_529, %mul3A_635 : i32
        %add3A_637 = vector.broadcast %rem3A_526 : i32 to vector<16xi32>
        %add3A_638 = arith.addi %broadcast_in_dim3A_21, %add3A_637 : vector<16xi32>
        %add3A_639 = arith.constant 0 : i32
        %add3A_640 = arith.addi %mul3A_633, %add3A_639 : i32
        %add3A_641 = vector.broadcast %add3A_640 : i32 to vector<16xi32>
        %add3A_642 = arith.addi %broadcast_in_dim3A_21, %add3A_641 : vector<16xi32>
        %gather3A = tpu.vector_load_idx %arg14[%add3A_638, %add3A_642, %broadcast_in_dim3A_21] : memref<2x8x8xf32, #tpu.memory_space<vmem>>[vector<16xi32>, vector<16xi32>, vector<16xi32>], vector<16xf32>,
        %add3A_643 = arith.constant 1 : i32
        %add3A_644 = arith.addi %mul3A_633, %add3A_643 : i32
        %add3A_645 = vector.broadcast %add3A_644 : i32 to vector<16xi32>
        %add3A_646 = arith.addi %broadcast_in_dim3A_21, %add3A_645 : vector<16xi32>
        %gather3A_647 = tpu.vector_load_idx %arg14[%add3A_638, %add3A_646, %broadcast_in_dim3A_21] : memref<2x8x8xf32, #tpu.memory_space<vmem>>[vector<16xi32>, vector<16xi32>, vector<16xi32>], vector<16xf32>,
        %scan3A_648 = arith.constant 0 : i32
        %scan3A_649 = arith.constant 0 : i32
        %scan3A_650 = arith.constant 0 : i32
        %scan3A_651 = arith.constant 0 : i32
        %scan3A_652 = arith.constant 0 : i32
        %scan3A_653 = arith.constant 0 : i32
        %scan3A_654 = arith.constant 0 : i32
        %scan3A_655 = arith.constant 0 : i32
        %scan3A_656 = arith.constant 0 : i32
        %scan3A_657 = arith.constant 32 : i32
        %scan3A_658 = arith.addi %scan3A_656, %scan3A_657 : i32
        %scan3A_659 = arith.constant 1 : i32
        %scan3A_660:8 = scf.for %scan3A_1134 = %scan3A_656 to %scan3A_658 step %scan3A_659 iter_args(%scan3A_1135 = %scan3A_648, %scan3A_1136 = %scan3A_649, %scan3A_1137 = %scan3A_650, %scan3A_1138 = %scan3A_651, %scan3A_1139 = %scan3A_652, %scan3A_1140 = %scan3A_653, %scan3A_1141 = %scan3A_654, %scan3A_1142 = %scan3A_655) -> (i32, i32, i32, i32, i32, i32, i32, i32)  : i32 {
          %add3A_1143 = arith.constant 0 : i32
          %add3A_1144 = arith.addi %mul3A_633, %add3A_1143 : i32
          %mul3A_1145 = arith.constant 4 : i32
          %mul3A_1146 = arith.muli %mul3A_1145, %scan3A_1134 : i32
          %add3A_1147 = arith.constant 0 : i32
          %add3A_1148 = arith.addi %mul3A_1146, %add3A_1147 : i32
          %mul3A_1149 = arith.constant 16 : i32
          %mul3A_1150 = arith.muli %add3A_1148, %mul3A_1149 : i32
          %get3A = arith.index_cast %rem3A_526 : i32 to index
          %get3A_1151 = arith.index_cast %add3A_1144 : i32 to index
          %get3A_1152 = arith.index_cast %mul3A_1150 : i32 to index
          %get3A_1153 = tpu.vector_load %arg8[%get3A, %get3A_1151, %get3A_1152] {strides = array<i32>} : memref<2x8x2048xf32, #tpu.memory_space<vmem>>, vector<16xf32>,
          %le3A = arith.cmpf ole, %get3A_1153, %gather3A : vector<16xf32>
          %add3A_1154 = arith.constant 0 : i32
          %add3A_1155 = arith.addi %add3A_1154, %scan3A_1135 : i32
          %swap3A_1156 = arith.index_cast %add3A_1155 : i32 to index
          %swap3A_1157 = tpu.vector_load %arg12[%swap3A_1156] masked %le3A {strides = array<i32>} : memref<4224xf32, #tpu.memory_space<vmem>>, vector<16xf32>, vector<16xi1>
          tpu.vector_store %arg12[%swap3A_1156], %get3A_1153 masked %le3A {strides = array<i32>} : memref<4224xf32, #tpu.memory_space<vmem>>, vector<16xf32>, vector<16xi1>
          %add3A_1158 = arith.constant 0 : i32
          %add3A_1159 = arith.addi %add3A_1158, %scan3A_1135 : i32
          %mul3A_1160 = arith.constant 4 : i32
          %mul3A_1161 = arith.muli %mul3A_1160, %scan3A_1134 : i32
          %add3A_1162 = arith.constant 0 : i32
          %add3A_1163 = arith.addi %mul3A_1161, %add3A_1162 : i32
          %mul3A_1164 = arith.constant 16 : i32
          %mul3A_1165 = arith.muli %add3A_1163, %mul3A_1164 : i32
          %add3A_1166 = vector.broadcast %mul3A_1165 : i32 to vector<16xi32>
          %add3A_1167 = arith.addi %iota3A, %add3A_1166 : vector<16xi32>
          %swap3A_1168 = arith.index_cast %add3A_1159 : i32 to index
          %swap3A_1169 = tpu.vector_load %arg13[%swap3A_1168] masked %le3A {strides = array<i32>} : memref<4224xi32, #tpu.memory_space<vmem>>, vector<16xi32>, vector<16xi1>
          tpu.vector_store %arg13[%swap3A_1168], %add3A_1167 masked %le3A {strides = array<i32>} : memref<4224xi32, #tpu.memory_space<vmem>>, vector<16xi32>, vector<16xi1>
          %all_reduce_population_count3A = tpu.all_reduce %le3A {dim = 0 : i64, kind = #tpu.reduction_kind<sum>} : vector<16xi1> -> vector<16xi32>
          %slice3A = vector.extract_strided_slice %all_reduce_population_count3A {offsets = [0], sizes = [1], strides = [1]} : vector<16xi32> to vector<1xi32>
          %squeeze3A = vector.extract %slice3A[0] : i32 from vector<1xi32>
          %add3A_1170 = arith.addi %scan3A_1135, %squeeze3A : i32
          %add3A_1171 = arith.constant 0 : i32
          %add3A_1172 = arith.addi %mul3A_633, %add3A_1171 : i32
          %mul3A_1173 = arith.constant 4 : i32
          %mul3A_1174 = arith.muli %mul3A_1173, %scan3A_1134 : i32
          %add3A_1175 = arith.constant 1 : i32
          %add3A_1176 = arith.addi %mul3A_1174, %add3A_1175 : i32
          %mul3A_1177 = arith.constant 16 : i32
          %mul3A_1178 = arith.muli %add3A_1176, %mul3A_1177 : i32
          %get3A_1179 = arith.index_cast %rem3A_526 : i32 to index
          %get3A_1180 = arith.index_cast %add3A_1172 : i32 to index
          %get3A_1181 = arith.index_cast %mul3A_1178 : i32 to index
          %get3A_1182 = tpu.vector_load %arg8[%get3A_1179, %get3A_1180, %get3A_1181] {strides = array<i32>} : memref<2x8x2048xf32, #tpu.memory_space<vmem>>, vector<16xf32>,
          %le3A_1183 = arith.cmpf ole, %get3A_1182, %gather3A : vector<16xf32>
          %add3A_1184 = arith.constant 528 : i32
          %add3A_1185 = arith.addi %add3A_1184, %scan3A_1136 : i32
          %swap3A_1186 = arith.index_cast %add3A_1185 : i32 to index
          %swap3A_1187 = tpu.vector_load %arg12[%swap3A_1186] masked %le3A_1183 {strides = array<i32>} : memref<4224xf32, #tpu.memory_space<vmem>>, vector<16xf32>, vector<16xi1>
          tpu.vector_store %arg12[%swap3A_1186], %get3A_1182 masked %le3A_1183 {strides = array<i32>} : memref<4224xf32, #tpu.memory_space<vmem>>, vector<16xf32>, vector<16xi1>
          %add3A_1188 = arith.constant 528 : i32
          %add3A_1189 = arith.addi %add3A_1188, %scan3A_1136 : i32
          %mul3A_1190 = arith.constant 4 : i32
          %mul3A_1191 = arith.muli %mul3A_1190, %scan3A_1134 : i32
          %add3A_1192 = arith.constant 1 : i32
          %add3A_1193 = arith.addi %mul3A_1191, %add3A_1192 : i32
          %mul3A_1194 = arith.constant 16 : i32
          %mul3A_1195 = arith.muli %add3A_1193, %mul3A_1194 : i32
          %add3A_1196 = vector.broadcast %mul3A_1195 : i32 to vector<16xi32>
          %add3A_1197 = arith.addi %iota3A, %add3A_1196 : vector<16xi32>
          %swap3A_1198 = arith.index_cast %add3A_1189 : i32 to index
          %swap3A_1199 = tpu.vector_load %arg13[%swap3A_1198] masked %le3A_1183 {strides = array<i32>} : memref<4224xi32, #tpu.memory_space<vmem>>, vector<16xi32>, vector<16xi1>
          tpu.vector_store %arg13[%swap3A_1198], %add3A_1197 masked %le3A_1183 {strides = array<i32>} : memref<4224xi32, #tpu.memory_space<vmem>>, vector<16xi32>, vector<16xi1>
          %all_reduce_population_count3A_1200 = tpu.all_reduce %le3A_1183 {dim = 0 : i64, kind = #tpu.reduction_kind<sum>} : vector<16xi1> -> vector<16xi32>
          %slice3A_1201 = vector.extract_strided_slice %all_reduce_population_count3A_1200 {offsets = [0], sizes = [1], strides = [1]} : vector<16xi32> to vector<1xi32>
          %squeeze3A_1202 = vector.extract %slice3A_1201[0] : i32 from vector<1xi32>
          %add3A_1203 = arith.addi %scan3A_1136, %squeeze3A_1202 : i32
          %add3A_1204 = arith.constant 0 : i32
          %add3A_1205 = arith.addi %mul3A_633, %add3A_1204 : i32
          %mul3A_1206 = arith.constant 4 : i32
          %mul3A_1207 = arith.muli %mul3A_1206, %scan3A_1134 : i32
          %add3A_1208 = arith.constant 2 : i32
          %add3A_1209 = arith.addi %mul3A_1207, %add3A_1208 : i32
          %mul3A_1210 = arith.constant 16 : i32
          %mul3A_1211 = arith.muli %add3A_1209, %mul3A_1210 : i32
          %get3A_1212 = arith.index_cast %rem3A_526 : i32 to index
          %get3A_1213 = arith.index_cast %add3A_1205 : i32 to index
          %get3A_1214 = arith.index_cast %mul3A_1211 : i32 to index
          %get3A_1215 = tpu.vector_load %arg8[%get3A_1212, %get3A_1213, %get3A_1214] {strides = array<i32>} : memref<2x8x2048xf32, #tpu.memory_space<vmem>>, vector<16xf32>,
          %le3A_1216 = arith.cmpf ole, %get3A_1215, %gather3A : vector<16xf32>
          %add3A_1217 = arith.constant 1056 : i32
          %add3A_1218 = arith.addi %add3A_1217, %scan3A_1137 : i32
          %swap3A_1219 = arith.index_cast %add3A_1218 : i32 to index
          %swap3A_1220 = tpu.vector_load %arg12[%swap3A_1219] masked %le3A_1216 {strides = array<i32>} : memref<4224xf32, #tpu.memory_space<vmem>>, vector<16xf32>, vector<16xi1>
          tpu.vector_store %arg12[%swap3A_1219], %get3A_1215 masked %le3A_1216 {strides = array<i32>} : memref<4224xf32, #tpu.memory_space<vmem>>, vector<16xf32>, vector<16xi1>
          %add3A_1221 = arith.constant 1056 : i32
          %add3A_1222 = arith.addi %add3A_1221, %scan3A_1137 : i32
          %mul3A_1223 = arith.constant 4 : i32
          %mul3A_1224 = arith.muli %mul3A_1223, %scan3A_1134 : i32
          %add3A_1225 = arith.constant 2 : i32
          %add3A_1226 = arith.addi %mul3A_1224, %add3A_1225 : i32
          %mul3A_1227 = arith.constant 16 : i32
          %mul3A_1228 = arith.muli %add3A_1226, %mul3A_1227 : i32
          %add3A_1229 = vector.broadcast %mul3A_1228 : i32 to vector<16xi32>
          %add3A_1230 = arith.addi %iota3A, %add3A_1229 : vector<16xi32>
          %swap3A_1231 = arith.index_cast %add3A_1222 : i32 to index
          %swap3A_1232 = tpu.vector_load %arg13[%swap3A_1231] masked %le3A_1216 {strides = array<i32>} : memref<4224xi32, #tpu.memory_space<vmem>>, vector<16xi32>, vector<16xi1>
          tpu.vector_store %arg13[%swap3A_1231], %add3A_1230 masked %le3A_1216 {strides = array<i32>} : memref<4224xi32, #tpu.memory_space<vmem>>, vector<16xi32>, vector<16xi1>
          %all_reduce_population_count3A_1233 = tpu.all_reduce %le3A_1216 {dim = 0 : i64, kind = #tpu.reduction_kind<sum>} : vector<16xi1> -> vector<16xi32>
          %slice3A_1234 = vector.extract_strided_slice %all_reduce_population_count3A_1233 {offsets = [0], sizes = [1], strides = [1]} : vector<16xi32> to vector<1xi32>
          %squeeze3A_1235 = vector.extract %slice3A_1234[0] : i32 from vector<1xi32>
          %add3A_1236 = arith.addi %scan3A_1137, %squeeze3A_1235 : i32
          %add3A_1237 = arith.constant 0 : i32
          %add3A_1238 = arith.addi %mul3A_633, %add3A_1237 : i32
          %mul3A_1239 = arith.constant 4 : i32
          %mul3A_1240 = arith.muli %mul3A_1239, %scan3A_1134 : i32
          %add3A_1241 = arith.constant 3 : i32
          %add3A_1242 = arith.addi %mul3A_1240, %add3A_1241 : i32
          %mul3A_1243 = arith.constant 16 : i32
          %mul3A_1244 = arith.muli %add3A_1242, %mul3A_1243 : i32
          %get3A_1245 = arith.index_cast %rem3A_526 : i32 to index
          %get3A_1246 = arith.index_cast %add3A_1238 : i32 to index
          %get3A_1247 = arith.index_cast %mul3A_1244 : i32 to index
          %get3A_1248 = tpu.vector_load %arg8[%get3A_1245, %get3A_1246, %get3A_1247] {strides = array<i32>} : memref<2x8x2048xf32, #tpu.memory_space<vmem>>, vector<16xf32>,
          %le3A_1249 = arith.cmpf ole, %get3A_1248, %gather3A : vector<16xf32>
          %add3A_1250 = arith.constant 1584 : i32
          %add3A_1251 = arith.addi %add3A_1250, %scan3A_1138 : i32
          %swap3A_1252 = arith.index_cast %add3A_1251 : i32 to index
          %swap3A_1253 = tpu.vector_load %arg12[%swap3A_1252] masked %le3A_1249 {strides = array<i32>} : memref<4224xf32, #tpu.memory_space<vmem>>, vector<16xf32>, vector<16xi1>
          tpu.vector_store %arg12[%swap3A_1252], %get3A_1248 masked %le3A_1249 {strides = array<i32>} : memref<4224xf32, #tpu.memory_space<vmem>>, vector<16xf32>, vector<16xi1>
          %add3A_1254 = arith.constant 1584 : i32
          %add3A_1255 = arith.addi %add3A_1254, %scan3A_1138 : i32
          %mul3A_1256 = arith.constant 4 : i32
          %mul3A_1257 = arith.muli %mul3A_1256, %scan3A_1134 : i32
          %add3A_1258 = arith.constant 3 : i32
          %add3A_1259 = arith.addi %mul3A_1257, %add3A_1258 : i32
          %mul3A_1260 = arith.constant 16 : i32
          %mul3A_1261 = arith.muli %add3A_1259, %mul3A_1260 : i32
          %add3A_1262 = vector.broadcast %mul3A_1261 : i32 to vector<16xi32>
          %add3A_1263 = arith.addi %iota3A, %add3A_1262 : vector<16xi32>
          %swap3A_1264 = arith.index_cast %add3A_1255 : i32 to index
          %swap3A_1265 = tpu.vector_load %arg13[%swap3A_1264] masked %le3A_1249 {strides = array<i32>} : memref<4224xi32, #tpu.memory_space<vmem>>, vector<16xi32>, vector<16xi1>
          tpu.vector_store %arg13[%swap3A_1264], %add3A_1263 masked %le3A_1249 {strides = array<i32>} : memref<4224xi32, #tpu.memory_space<vmem>>, vector<16xi32>, vector<16xi1>
          %all_reduce_population_count3A_1266 = tpu.all_reduce %le3A_1249 {dim = 0 : i64, kind = #tpu.reduction_kind<sum>} : vector<16xi1> -> vector<16xi32>
          %slice3A_1267 = vector.extract_strided_slice %all_reduce_population_count3A_1266 {offsets = [0], sizes = [1], strides = [1]} : vector<16xi32> to vector<1xi32>
          %squeeze3A_1268 = vector.extract %slice3A_1267[0] : i32 from vector<1xi32>
          %add3A_1269 = arith.addi %scan3A_1138, %squeeze3A_1268 : i32
          %add3A_1270 = arith.constant 1 : i32
          %add3A_1271 = arith.addi %mul3A_633, %add3A_1270 : i32
          %mul3A_1272 = arith.constant 4 : i32
          %mul3A_1273 = arith.muli %mul3A_1272, %scan3A_1134 : i32
          %add3A_1274 = arith.constant 0 : i32
          %add3A_1275 = arith.addi %mul3A_1273, %add3A_1274 : i32
          %mul3A_1276 = arith.constant 16 : i32
          %mul3A_1277 = arith.muli %add3A_1275, %mul3A_1276 : i32
          %get3A_1278 = arith.index_cast %rem3A_526 : i32 to index
          %get3A_1279 = arith.index_cast %add3A_1271 : i32 to index
          %get3A_1280 = arith.index_cast %mul3A_1277 : i32 to index
          %get3A_1281 = tpu.vector_load %arg8[%get3A_1278, %get3A_1279, %get3A_1280] {strides = array<i32>} : memref<2x8x2048xf32, #tpu.memory_space<vmem>>, vector<16xf32>,
          %le3A_1282 = arith.cmpf ole, %get3A_1281, %gather3A_647 : vector<16xf32>
          %add3A_1283 = arith.constant 2112 : i32
          %add3A_1284 = arith.addi %add3A_1283, %scan3A_1139 : i32
          %swap3A_1285 = arith.index_cast %add3A_1284 : i32 to index
          %swap3A_1286 = tpu.vector_load %arg12[%swap3A_1285] masked %le3A_1282 {strides = array<i32>} : memref<4224xf32, #tpu.memory_space<vmem>>, vector<16xf32>, vector<16xi1>
          tpu.vector_store %arg12[%swap3A_1285], %get3A_1281 masked %le3A_1282 {strides = array<i32>} : memref<4224xf32, #tpu.memory_space<vmem>>, vector<16xf32>, vector<16xi1>
          %add3A_1287 = arith.constant 2112 : i32
          %add3A_1288 = arith.addi %add3A_1287, %scan3A_1139 : i32
          %mul3A_1289 = arith.constant 4 : i32
          %mul3A_1290 = arith.muli %mul3A_1289, %scan3A_1134 : i32
          %add3A_1291 = arith.constant 0 : i32
          %add3A_1292 = arith.addi %mul3A_1290, %add3A_1291 : i32
          %mul3A_1293 = arith.constant 16 : i32
          %mul3A_1294 = arith.muli %add3A_1292, %mul3A_1293 : i32
          %add3A_1295 = vector.broadcast %mul3A_1294 : i32 to vector<16xi32>
          %add3A_1296 = arith.addi %iota3A, %add3A_1295 : vector<16xi32>
          %swap3A_1297 = arith.index_cast %add3A_1288 : i32 to index
          %swap3A_1298 = tpu.vector_load %arg13[%swap3A_1297] masked %le3A_1282 {strides = array<i32>} : memref<4224xi32, #tpu.memory_space<vmem>>, vector<16xi32>, vector<16xi1>
          tpu.vector_store %arg13[%swap3A_1297], %add3A_1296 masked %le3A_1282 {strides = array<i32>} : memref<4224xi32, #tpu.memory_space<vmem>>, vector<16xi32>, vector<16xi1>
          %all_reduce_population_count3A_1299 = tpu.all_reduce %le3A_1282 {dim = 0 : i64, kind = #tpu.reduction_kind<sum>} : vector<16xi1> -> vector<16xi32>
          %slice3A_1300 = vector.extract_strided_slice %all_reduce_population_count3A_1299 {offsets = [0], sizes = [1], strides = [1]} : vector<16xi32> to vector<1xi32>
          %squeeze3A_1301 = vector.extract %slice3A_1300[0] : i32 from vector<1xi32>
          %add3A_1302 = arith.addi %scan3A_1139, %squeeze3A_1301 : i32
          %add3A_1303 = arith.constant 1 : i32
          %add3A_1304 = arith.addi %mul3A_633, %add3A_1303 : i32
          %mul3A_1305 = arith.constant 4 : i32
          %mul3A_1306 = arith.muli %mul3A_1305, %scan3A_1134 : i32
          %add3A_1307 = arith.constant 1 : i32
          %add3A_1308 = arith.addi %mul3A_1306, %add3A_1307 : i32
          %mul3A_1309 = arith.constant 16 : i32
          %mul3A_1310 = arith.muli %add3A_1308, %mul3A_1309 : i32
          %get3A_1311 = arith.index_cast %rem3A_526 : i32 to index
          %get3A_1312 = arith.index_cast %add3A_1304 : i32 to index
          %get3A_1313 = arith.index_cast %mul3A_1310 : i32 to index
          %get3A_1314 = tpu.vector_load %arg8[%get3A_1311, %get3A_1312, %get3A_1313] {strides = array<i32>} : memref<2x8x2048xf32, #tpu.memory_space<vmem>>, vector<16xf32>,
          %le3A_1315 = arith.cmpf ole, %get3A_1314, %gather3A_647 : vector<16xf32>
          %add3A_1316 = arith.constant 2640 : i32
          %add3A_1317 = arith.addi %add3A_1316, %scan3A_1140 : i32
          %swap3A_1318 = arith.index_cast %add3A_1317 : i32 to index
          %swap3A_1319 = tpu.vector_load %arg12[%swap3A_1318] masked %le3A_1315 {strides = array<i32>} : memref<4224xf32, #tpu.memory_space<vmem>>, vector<16xf32>, vector<16xi1>
          tpu.vector_store %arg12[%swap3A_1318], %get3A_1314 masked %le3A_1315 {strides = array<i32>} : memref<4224xf32, #tpu.memory_space<vmem>>, vector<16xf32>, vector<16xi1>
          %add3A_1320 = arith.constant 2640 : i32
          %add3A_1321 = arith.addi %add3A_1320, %scan3A_1140 : i32
          %mul3A_1322 = arith.constant 4 : i32
          %mul3A_1323 = arith.muli %mul3A_1322, %scan3A_1134 : i32
          %add3A_1324 = arith.constant 1 : i32
          %add3A_1325 = arith.addi %mul3A_1323, %add3A_1324 : i32
          %mul3A_1326 = arith.constant 16 : i32
          %mul3A_1327 = arith.muli %add3A_1325, %mul3A_1326 : i32
          %add3A_1328 = vector.broadcast %mul3A_1327 : i32 to vector<16xi32>
          %add3A_1329 = arith.addi %iota3A, %add3A_1328 : vector<16xi32>
          %swap3A_1330 = arith.index_cast %add3A_1321 : i32 to index
          %swap3A_1331 = tpu.vector_load %arg13[%swap3A_1330] masked %le3A_1315 {strides = array<i32>} : memref<4224xi32, #tpu.memory_space<vmem>>, vector<16xi32>, vector<16xi1>
          tpu.vector_store %arg13[%swap3A_1330], %add3A_1329 masked %le3A_1315 {strides = array<i32>} : memref<4224xi32, #tpu.memory_space<vmem>>, vector<16xi32>, vector<16xi1>
          %all_reduce_population_count3A_1332 = tpu.all_reduce %le3A_1315 {dim = 0 : i64, kind = #tpu.reduction_kind<sum>} : vector<16xi1> -> vector<16xi32>
          %slice3A_1333 = vector.extract_strided_slice %all_reduce_population_count3A_1332 {offsets = [0], sizes = [1], strides = [1]} : vector<16xi32> to vector<1xi32>
          %squeeze3A_1334 = vector.extract %slice3A_1333[0] : i32 from vector<1xi32>
          %add3A_1335 = arith.addi %scan3A_1140, %squeeze3A_1334 : i32
          %add3A_1336 = arith.constant 1 : i32
          %add3A_1337 = arith.addi %mul3A_633, %add3A_1336 : i32
          %mul3A_1338 = arith.constant 4 : i32
          %mul3A_1339 = arith.muli %mul3A_1338, %scan3A_1134 : i32
          %add3A_1340 = arith.constant 2 : i32
          %add3A_1341 = arith.addi %mul3A_1339, %add3A_1340 : i32
          %mul3A_1342 = arith.constant 16 : i32
          %mul3A_1343 = arith.muli %add3A_1341, %mul3A_1342 : i32
          %get3A_1344 = arith.index_cast %rem3A_526 : i32 to index
          %get3A_1345 = arith.index_cast %add3A_1337 : i32 to index
          %get3A_1346 = arith.index_cast %mul3A_1343 : i32 to index
          %get3A_1347 = tpu.vector_load %arg8[%get3A_1344, %get3A_1345, %get3A_1346] {strides = array<i32>} : memref<2x8x2048xf32, #tpu.memory_space<vmem>>, vector<16xf32>,
          %le3A_1348 = arith.cmpf ole, %get3A_1347, %gather3A_647 : vector<16xf32>
          %add3A_1349 = arith.constant 3168 : i32
          %add3A_1350 = arith.addi %add3A_1349, %scan3A_1141 : i32
          %swap3A_1351 = arith.index_cast %add3A_1350 : i32 to index
          %swap3A_1352 = tpu.vector_load %arg12[%swap3A_1351] masked %le3A_1348 {strides = array<i32>} : memref<4224xf32, #tpu.memory_space<vmem>>, vector<16xf32>, vector<16xi1>
          tpu.vector_store %arg12[%swap3A_1351], %get3A_1347 masked %le3A_1348 {strides = array<i32>} : memref<4224xf32, #tpu.memory_space<vmem>>, vector<16xf32>, vector<16xi1>
          %add3A_1353 = arith.constant 3168 : i32
          %add3A_1354 = arith.addi %add3A_1353, %scan3A_1141 : i32
          %mul3A_1355 = arith.constant 4 : i32
          %mul3A_1356 = arith.muli %mul3A_1355, %scan3A_1134 : i32
          %add3A_1357 = arith.constant 2 : i32
          %add3A_1358 = arith.addi %mul3A_1356, %add3A_1357 : i32
          %mul3A_1359 = arith.constant 16 : i32
          %mul3A_1360 = arith.muli %add3A_1358, %mul3A_1359 : i32
          %add3A_1361 = vector.broadcast %mul3A_1360 : i32 to vector<16xi32>
          %add3A_1362 = arith.addi %iota3A, %add3A_1361 : vector<16xi32>
          %swap3A_1363 = arith.index_cast %add3A_1354 : i32 to index
          %swap3A_1364 = tpu.vector_load %arg13[%swap3A_1363] masked %le3A_1348 {strides = array<i32>} : memref<4224xi32, #tpu.memory_space<vmem>>, vector<16xi32>, vector<16xi1>
          tpu.vector_store %arg13[%swap3A_1363], %add3A_1362 masked %le3A_1348 {strides = array<i32>} : memref<4224xi32, #tpu.memory_space<vmem>>, vector<16xi32>, vector<16xi1>
          %all_reduce_population_count3A_1365 = tpu.all_reduce %le3A_1348 {dim = 0 : i64, kind = #tpu.reduction_kind<sum>} : vector<16xi1> -> vector<16xi32>
          %slice3A_1366 = vector.extract_strided_slice %all_reduce_population_count3A_1365 {offsets = [0], sizes = [1], strides = [1]} : vector<16xi32> to vector<1xi32>
          %squeeze3A_1367 = vector.extract %slice3A_1366[0] : i32 from vector<1xi32>
          %add3A_1368 = arith.addi %scan3A_1141, %squeeze3A_1367 : i32
          %add3A_1369 = arith.constant 1 : i32
          %add3A_1370 = arith.addi %mul3A_633, %add3A_1369 : i32
          %mul3A_1371 = arith.constant 4 : i32
          %mul3A_1372 = arith.muli %mul3A_1371, %scan3A_1134 : i32
          %add3A_1373 = arith.constant 3 : i32
          %add3A_1374 = arith.addi %mul3A_1372, %add3A_1373 : i32
          %mul3A_1375 = arith.constant 16 : i32
          %mul3A_1376 = arith.muli %add3A_1374, %mul3A_1375 : i32
          %get3A_1377 = arith.index_cast %rem3A_526 : i32 to index
          %get3A_1378 = arith.index_cast %add3A_1370 : i32 to index
          %get3A_1379 = arith.index_cast %mul3A_1376 : i32 to index
          %get3A_1380 = tpu.vector_load %arg8[%get3A_1377, %get3A_1378, %get3A_1379] {strides = array<i32>} : memref<2x8x2048xf32, #tpu.memory_space<vmem>>, vector<16xf32>,
          %le3A_1381 = arith.cmpf ole, %get3A_1380, %gather3A_647 : vector<16xf32>
          %add3A_1382 = arith.constant 3696 : i32
          %add3A_1383 = arith.addi %add3A_1382, %scan3A_1142 : i32
          %swap3A_1384 = arith.index_cast %add3A_1383 : i32 to index
          %swap3A_1385 = tpu.vector_load %arg12[%swap3A_1384] masked %le3A_1381 {strides = array<i32>} : memref<4224xf32, #tpu.memory_space<vmem>>, vector<16xf32>, vector<16xi1>
          tpu.vector_store %arg12[%swap3A_1384], %get3A_1380 masked %le3A_1381 {strides = array<i32>} : memref<4224xf32, #tpu.memory_space<vmem>>, vector<16xf32>, vector<16xi1>
          %add3A_1386 = arith.constant 3696 : i32
          %add3A_1387 = arith.addi %add3A_1386, %scan3A_1142 : i32
          %mul3A_1388 = arith.constant 4 : i32
          %mul3A_1389 = arith.muli %mul3A_1388, %scan3A_1134 : i32
          %add3A_1390 = arith.constant 3 : i32
          %add3A_1391 = arith.addi %mul3A_1389, %add3A_1390 : i32
          %mul3A_1392 = arith.constant 16 : i32
          %mul3A_1393 = arith.muli %add3A_1391, %mul3A_1392 : i32
          %add3A_1394 = vector.broadcast %mul3A_1393 : i32 to vector<16xi32>
          %add3A_1395 = arith.addi %iota3A, %add3A_1394 : vector<16xi32>
          %swap3A_1396 = arith.index_cast %add3A_1387 : i32 to index
          %swap3A_1397 = tpu.vector_load %arg13[%swap3A_1396] masked %le3A_1381 {strides = array<i32>} : memref<4224xi32, #tpu.memory_space<vmem>>, vector<16xi32>, vector<16xi1>
          tpu.vector_store %arg13[%swap3A_1396], %add3A_1395 masked %le3A_1381 {strides = array<i32>} : memref<4224xi32, #tpu.memory_space<vmem>>, vector<16xi32>, vector<16xi1>
          %all_reduce_population_count3A_1398 = tpu.all_reduce %le3A_1381 {dim = 0 : i64, kind = #tpu.reduction_kind<sum>} : vector<16xi1> -> vector<16xi32>
          %slice3A_1399 = vector.extract_strided_slice %all_reduce_population_count3A_1398 {offsets = [0], sizes = [1], strides = [1]} : vector<16xi32> to vector<1xi32>
          %squeeze3A_1400 = vector.extract %slice3A_1399[0] : i32 from vector<1xi32>
          %add3A_1401 = arith.addi %scan3A_1142, %squeeze3A_1400 : i32
          scf.yield %add3A_1170, %add3A_1203, %add3A_1236, %add3A_1269, %add3A_1302, %add3A_1335, %add3A_1368, %add3A_1401 : i32, i32, i32, i32, i32, i32, i32, i32
        }
        %scan3A_661 = arith.constant 32 : i32
        %add3A_662 = arith.constant 0 : i32
        %add3A_663 = arith.addi %add3A_662, %scan3A_660#0 : i32
        %swap3A_664 = arith.index_cast %add3A_663 : i32 to index
        %swap3A_665 = tpu.vector_load %arg12[%swap3A_664] {strides = array<i32>} : memref<4224xf32, #tpu.memory_space<vmem>>, vector<16xf32>,
        tpu.vector_store %arg12[%swap3A_664], %broadcast_in_dim3A_406 {strides = array<i32>} : memref<4224xf32, #tpu.memory_space<vmem>>, vector<16xf32>,
        %add3A_666 = arith.constant 0 : i32
        %add3A_667 = arith.addi %add3A_666, %scan3A_660#0 : i32
        %swap3A_668 = arith.index_cast %add3A_667 : i32 to index
        %swap3A_669 = tpu.vector_load %arg13[%swap3A_668] {strides = array<i32>} : memref<4224xi32, #tpu.memory_space<vmem>>, vector<16xi32>,
        tpu.vector_store %arg13[%swap3A_668], %broadcast_in_dim3A_21 {strides = array<i32>} : memref<4224xi32, #tpu.memory_space<vmem>>, vector<16xi32>,
        %add3A_670 = arith.constant 528 : i32
        %add3A_671 = arith.addi %add3A_670, %scan3A_660#1 : i32
        %swap3A_672 = arith.index_cast %add3A_671 : i32 to index
        %swap3A_673 = tpu.vector_load %arg12[%swap3A_672] {strides = array<i32>} : memref<4224xf32, #tpu.memory_space<vmem>>, vector<16xf32>,
        tpu.vector_store %arg12[%swap3A_672], %broadcast_in_dim3A_406 {strides = array<i32>} : memref<4224xf32, #tpu.memory_space<vmem>>, vector<16xf32>,
        %add3A_674 = arith.constant 528 : i32
        %add3A_675 = arith.addi %add3A_674, %scan3A_660#1 : i32
        %swap3A_676 = arith.index_cast %add3A_675 : i32 to index
        %swap3A_677 = tpu.vector_load %arg13[%swap3A_676] {strides = array<i32>} : memref<4224xi32, #tpu.memory_space<vmem>>, vector<16xi32>,
        tpu.vector_store %arg13[%swap3A_676], %broadcast_in_dim3A_21 {strides = array<i32>} : memref<4224xi32, #tpu.memory_space<vmem>>, vector<16xi32>,
        %add3A_678 = arith.constant 1056 : i32
        %add3A_679 = arith.addi %add3A_678, %scan3A_660#2 : i32
        %swap3A_680 = arith.index_cast %add3A_679 : i32 to index
        %swap3A_681 = tpu.vector_load %arg12[%swap3A_680] {strides = array<i32>} : memref<4224xf32, #tpu.memory_space<vmem>>, vector<16xf32>,
        tpu.vector_store %arg12[%swap3A_680], %broadcast_in_dim3A_406 {strides = array<i32>} : memref<4224xf32, #tpu.memory_space<vmem>>, vector<16xf32>,
        %add3A_682 = arith.constant 1056 : i32
        %add3A_683 = arith.addi %add3A_682, %scan3A_660#2 : i32
        %swap3A_684 = arith.index_cast %add3A_683 : i32 to index
        %swap3A_685 = tpu.vector_load %arg13[%swap3A_684] {strides = array<i32>} : memref<4224xi32, #tpu.memory_space<vmem>>, vector<16xi32>,
        tpu.vector_store %arg13[%swap3A_684], %broadcast_in_dim3A_21 {strides = array<i32>} : memref<4224xi32, #tpu.memory_space<vmem>>, vector<16xi32>,
        %add3A_686 = arith.constant 1584 : i32
        %add3A_687 = arith.addi %add3A_686, %scan3A_660#3 : i32
        %swap3A_688 = arith.index_cast %add3A_687 : i32 to index
        %swap3A_689 = tpu.vector_load %arg12[%swap3A_688] {strides = array<i32>} : memref<4224xf32, #tpu.memory_space<vmem>>, vector<16xf32>,
        tpu.vector_store %arg12[%swap3A_688], %broadcast_in_dim3A_406 {strides = array<i32>} : memref<4224xf32, #tpu.memory_space<vmem>>, vector<16xf32>,
        %add3A_690 = arith.constant 1584 : i32
        %add3A_691 = arith.addi %add3A_690, %scan3A_660#3 : i32
        %swap3A_692 = arith.index_cast %add3A_691 : i32 to index
        %swap3A_693 = tpu.vector_load %arg13[%swap3A_692] {strides = array<i32>} : memref<4224xi32, #tpu.memory_space<vmem>>, vector<16xi32>,
        tpu.vector_store %arg13[%swap3A_692], %broadcast_in_dim3A_21 {strides = array<i32>} : memref<4224xi32, #tpu.memory_space<vmem>>, vector<16xi32>,
        %jit3A_694 = arith.constant 16 : i32
        %div3A_695 = arith.divsi %scan3A_660#0, %jit3A_694 : i32
        %sign3A_696 = arith.constant 0 : i32
        %sign3A_697 = arith.cmpi sgt, %scan3A_660#0, %sign3A_696 : i32
        %sign3A_698 = arith.extui %sign3A_697 : i1 to i32
        %sign3A_699 = arith.constant 0 : i32
        %sign3A_700 = arith.cmpi slt, %scan3A_660#0, %sign3A_699 : i32
        %sign3A_701 = arith.extui %sign3A_700 : i1 to i32
        %sign3A_702 = arith.subi %sign3A_698, %sign3A_701 : i32
        %sign3A_703 = arith.constant 0 : i32
        %sign3A_704 = arith.cmpi sgt, %jit3A_694, %sign3A_703 : i32
        %sign3A_705 = arith.extui %sign3A_704 : i1 to i32
        %sign3A_706 = arith.constant 0 : i32
        %sign3A_707 = arith.cmpi slt, %jit3A_694, %sign3A_706 : i32
        %sign3A_708 = arith.extui %sign3A_707 : i1 to i32
        %sign3A_709 = arith.subi %sign3A_705, %sign3A_708 : i32
        %ne3A_710 = arith.cmpi ne, %sign3A_702, %sign3A_709 : i32
        %rem3A_711 = arith.remsi %scan3A_660#0, %jit3A_694 : i32
        %ne3A_712 = arith.constant 0 : i32
        %ne3A_713 = arith.cmpi ne, %rem3A_711, %ne3A_712 : i32
        %and3A_714 = arith.andi %ne3A_710, %ne3A_713 : i1
        %sub3A_715 = arith.constant 1 : i32
        %sub3A_716 = arith.subi %div3A_695, %sub3A_715 : i32
        %select_n3A_717 = arith.select %and3A_714, %sub3A_716, %div3A_695 : i32
        %add3A_718 = arith.constant 1 : i32
        %add3A_719 = arith.addi %select_n3A_717, %add3A_718 : i32
        %while3A = arith.constant 0 : i32
        %while3A_720 = arith.subi %add3A_719, %while3A : i32
        %while3A_721 = arith.addi %while3A, %while3A_720 : i32
        %while3A_722 = arith.constant 1 : i32
        %while3A_723 = arith.divsi %while3A_720, %while3A_722 : i32
        %while3A_724 = arith.muli %while3A_723, %while3A_722 : i32
        %while3A_725 = arith.addi %while3A, %while3A_724 : i32
        %while3A_726 = arith.constant 1 : i32
        %while3A_727:2 = scf.for %while3A_1134 = %while3A to %while3A_725 step %while3A_726 iter_args(%while3A_1135 = %broadcast_in_dim3A_406, %while3A_1136 = %broadcast_in_dim3A_21) -> (vector<16xf32>, vector<16xi32>)  : i32 {
          %mul3A_1137 = arith.constant 16 : i32
          %mul3A_1138 = arith.muli %while3A_1134, %mul3A_1137 : i32
          %add3A_1139 = arith.constant 0 : i32
          %add3A_1140 = arith.addi %add3A_1139, %mul3A_1138 : i32
          %get3A = arith.index_cast %add3A_1140 : i32 to index
          %get3A_1141 = tpu.vector_load %arg12[%get3A] {strides = array<i32>} : memref<4224xf32, #tpu.memory_space<vmem>>, vector<16xf32>,
          %mul3A_1142 = arith.constant 16 : i32
          %mul3A_1143 = arith.muli %while3A_1134, %mul3A_1142 : i32
          %add3A_1144 = arith.constant 0 : i32
          %add3A_1145 = arith.addi %add3A_1144, %mul3A_1143 : i32
          %get3A_1146 = arith.index_cast %add3A_1145 : i32 to index
          %get3A_1147 = tpu.vector_load %arg13[%get3A_1146] {strides = array<i32>} : memref<4224xi32, #tpu.memory_space<vmem>>, vector<16xi32>,
          %masked_sort3A = arith.constant dense<true> : vector<16xi1>
          %masked_sort3A_1148, %masked_sort3A_1149, %masked_sort3A_1150 = tpu.sort %get3A_1141, %get3A_1147 masked %masked_sort3A {descending = true} : (vector<16xf32>, vector<16xi32>, vector<16xi1>) -> (vector<16xi1>, vector<16xf32>, vector<16xi32>)
          %lt3A_1151 = arith.cmpf olt, %masked_sort3A_1149, %while3A_1135 : vector<16xf32>
          %select_n3A_1152 = arith.select %lt3A_1151, %masked_sort3A_1149, %while3A_1135 : vector<16xi1>, vector<16xf32>
          %select_n3A_1153 = arith.select %lt3A_1151, %masked_sort3A_1150, %while3A_1136 : vector<16xi1>, vector<16xi32>
          %masked_sort3A_1154 = arith.constant dense<true> : vector<16xi1>
          %masked_sort3A_1155, %masked_sort3A_1156, %masked_sort3A_1157 = tpu.sort %select_n3A_1152, %select_n3A_1153 masked %masked_sort3A_1154 : (vector<16xf32>, vector<16xi32>, vector<16xi1>) -> (vector<16xi1>, vector<16xf32>, vector<16xi32>)
          scf.yield %masked_sort3A_1156, %masked_sort3A_1157 : vector<16xf32>, vector<16xi32>
        }
        %while3A_728 = arith.constant 1 : i32
        %while3A_729:2 = scf.for %while3A_1134 = %while3A_725 to %while3A_721 step %while3A_728 iter_args(%while3A_1135 = %while3A_727#0, %while3A_1136 = %while3A_727#1) -> (vector<16xf32>, vector<16xi32>)  : i32 {
          %mul3A_1137 = arith.constant 16 : i32
          %mul3A_1138 = arith.muli %while3A_1134, %mul3A_1137 : i32
          %add3A_1139 = arith.constant 0 : i32
          %add3A_1140 = arith.addi %add3A_1139, %mul3A_1138 : i32
          %get3A = arith.index_cast %add3A_1140 : i32 to index
          %get3A_1141 = tpu.vector_load %arg12[%get3A] {strides = array<i32>} : memref<4224xf32, #tpu.memory_space<vmem>>, vector<16xf32>,
          %mul3A_1142 = arith.constant 16 : i32
          %mul3A_1143 = arith.muli %while3A_1134, %mul3A_1142 : i32
          %add3A_1144 = arith.constant 0 : i32
          %add3A_1145 = arith.addi %add3A_1144, %mul3A_1143 : i32
          %get3A_1146 = arith.index_cast %add3A_1145 : i32 to index
          %get3A_1147 = tpu.vector_load %arg13[%get3A_1146] {strides = array<i32>} : memref<4224xi32, #tpu.memory_space<vmem>>, vector<16xi32>,
          %masked_sort3A = arith.constant dense<true> : vector<16xi1>
          %masked_sort3A_1148, %masked_sort3A_1149, %masked_sort3A_1150 = tpu.sort %get3A_1141, %get3A_1147 masked %masked_sort3A {descending = true} : (vector<16xf32>, vector<16xi32>, vector<16xi1>) -> (vector<16xi1>, vector<16xf32>, vector<16xi32>)
          %lt3A_1151 = arith.cmpf olt, %masked_sort3A_1149, %while3A_1135 : vector<16xf32>
          %select_n3A_1152 = arith.select %lt3A_1151, %masked_sort3A_1149, %while3A_1135 : vector<16xi1>, vector<16xf32>
          %select_n3A_1153 = arith.select %lt3A_1151, %masked_sort3A_1150, %while3A_1136 : vector<16xi1>, vector<16xi32>
          %masked_sort3A_1154 = arith.constant dense<true> : vector<16xi1>
          %masked_sort3A_1155, %masked_sort3A_1156, %masked_sort3A_1157 = tpu.sort %select_n3A_1152, %select_n3A_1153 masked %masked_sort3A_1154 : (vector<16xf32>, vector<16xi32>, vector<16xi1>) -> (vector<16xi1>, vector<16xf32>, vector<16xi32>)
          scf.yield %masked_sort3A_1156, %masked_sort3A_1157 : vector<16xf32>, vector<16xi32>
        }
        %jit3A_730 = arith.constant 16 : i32
        %div3A_731 = arith.divsi %scan3A_660#1, %jit3A_730 : i32
        %sign3A_732 = arith.constant 0 : i32
        %sign3A_733 = arith.cmpi sgt, %scan3A_660#1, %sign3A_732 : i32
        %sign3A_734 = arith.extui %sign3A_733 : i1 to i32
        %sign3A_735 = arith.constant 0 : i32
        %sign3A_736 = arith.cmpi slt, %scan3A_660#1, %sign3A_735 : i32
        %sign3A_737 = arith.extui %sign3A_736 : i1 to i32
        %sign3A_738 = arith.subi %sign3A_734, %sign3A_737 : i32
        %sign3A_739 = arith.constant 0 : i32
        %sign3A_740 = arith.cmpi sgt, %jit3A_730, %sign3A_739 : i32
        %sign3A_741 = arith.extui %sign3A_740 : i1 to i32
        %sign3A_742 = arith.constant 0 : i32
        %sign3A_743 = arith.cmpi slt, %jit3A_730, %sign3A_742 : i32
        %sign3A_744 = arith.extui %sign3A_743 : i1 to i32
        %sign3A_745 = arith.subi %sign3A_741, %sign3A_744 : i32
        %ne3A_746 = arith.cmpi ne, %sign3A_738, %sign3A_745 : i32
        %rem3A_747 = arith.remsi %scan3A_660#1, %jit3A_730 : i32
        %ne3A_748 = arith.constant 0 : i32
        %ne3A_749 = arith.cmpi ne, %rem3A_747, %ne3A_748 : i32
        %and3A_750 = arith.andi %ne3A_746, %ne3A_749 : i1
        %sub3A_751 = arith.constant 1 : i32
        %sub3A_752 = arith.subi %div3A_731, %sub3A_751 : i32
        %select_n3A_753 = arith.select %and3A_750, %sub3A_752, %div3A_731 : i32
        %add3A_754 = arith.constant 1 : i32
        %add3A_755 = arith.addi %select_n3A_753, %add3A_754 : i32
        %while3A_756 = arith.constant 0 : i32
        %while3A_757 = arith.subi %add3A_755, %while3A_756 : i32
        %while3A_758 = arith.addi %while3A_756, %while3A_757 : i32
        %while3A_759 = arith.constant 1 : i32
        %while3A_760 = arith.divsi %while3A_757, %while3A_759 : i32
        %while3A_761 = arith.muli %while3A_760, %while3A_759 : i32
        %while3A_762 = arith.addi %while3A_756, %while3A_761 : i32
        %while3A_763 = arith.constant 1 : i32
        %while3A_764:2 = scf.for %while3A_1134 = %while3A_756 to %while3A_762 step %while3A_763 iter_args(%while3A_1135 = %while3A_729#0, %while3A_1136 = %while3A_729#1) -> (vector<16xf32>, vector<16xi32>)  : i32 {
          %mul3A_1137 = arith.constant 16 : i32
          %mul3A_1138 = arith.muli %while3A_1134, %mul3A_1137 : i32
          %add3A_1139 = arith.constant 528 : i32
          %add3A_1140 = arith.addi %add3A_1139, %mul3A_1138 : i32
          %get3A = arith.index_cast %add3A_1140 : i32 to index
          %get3A_1141 = tpu.vector_load %arg12[%get3A] {strides = array<i32>} : memref<4224xf32, #tpu.memory_space<vmem>>, vector<16xf32>,
          %mul3A_1142 = arith.constant 16 : i32
          %mul3A_1143 = arith.muli %while3A_1134, %mul3A_1142 : i32
          %add3A_1144 = arith.constant 528 : i32
          %add3A_1145 = arith.addi %add3A_1144, %mul3A_1143 : i32
          %get3A_1146 = arith.index_cast %add3A_1145 : i32 to index
          %get3A_1147 = tpu.vector_load %arg13[%get3A_1146] {strides = array<i32>} : memref<4224xi32, #tpu.memory_space<vmem>>, vector<16xi32>,
          %masked_sort3A = arith.constant dense<true> : vector<16xi1>
          %masked_sort3A_1148, %masked_sort3A_1149, %masked_sort3A_1150 = tpu.sort %get3A_1141, %get3A_1147 masked %masked_sort3A {descending = true} : (vector<16xf32>, vector<16xi32>, vector<16xi1>) -> (vector<16xi1>, vector<16xf32>, vector<16xi32>)
          %lt3A_1151 = arith.cmpf olt, %masked_sort3A_1149, %while3A_1135 : vector<16xf32>
          %select_n3A_1152 = arith.select %lt3A_1151, %masked_sort3A_1149, %while3A_1135 : vector<16xi1>, vector<16xf32>
          %select_n3A_1153 = arith.select %lt3A_1151, %masked_sort3A_1150, %while3A_1136 : vector<16xi1>, vector<16xi32>
          %masked_sort3A_1154 = arith.constant dense<true> : vector<16xi1>
          %masked_sort3A_1155, %masked_sort3A_1156, %masked_sort3A_1157 = tpu.sort %select_n3A_1152, %select_n3A_1153 masked %masked_sort3A_1154 : (vector<16xf32>, vector<16xi32>, vector<16xi1>) -> (vector<16xi1>, vector<16xf32>, vector<16xi32>)
          scf.yield %masked_sort3A_1156, %masked_sort3A_1157 : vector<16xf32>, vector<16xi32>
        }
        %while3A_765 = arith.constant 1 : i32
        %while3A_766:2 = scf.for %while3A_1134 = %while3A_762 to %while3A_758 step %while3A_765 iter_args(%while3A_1135 = %while3A_764#0, %while3A_1136 = %while3A_764#1) -> (vector<16xf32>, vector<16xi32>)  : i32 {
          %mul3A_1137 = arith.constant 16 : i32
          %mul3A_1138 = arith.muli %while3A_1134, %mul3A_1137 : i32
          %add3A_1139 = arith.constant 528 : i32
          %add3A_1140 = arith.addi %add3A_1139, %mul3A_1138 : i32
          %get3A = arith.index_cast %add3A_1140 : i32 to index
          %get3A_1141 = tpu.vector_load %arg12[%get3A] {strides = array<i32>} : memref<4224xf32, #tpu.memory_space<vmem>>, vector<16xf32>,
          %mul3A_1142 = arith.constant 16 : i32
          %mul3A_1143 = arith.muli %while3A_1134, %mul3A_1142 : i32
          %add3A_1144 = arith.constant 528 : i32
          %add3A_1145 = arith.addi %add3A_1144, %mul3A_1143 : i32
          %get3A_1146 = arith.index_cast %add3A_1145 : i32 to index
          %get3A_1147 = tpu.vector_load %arg13[%get3A_1146] {strides = array<i32>} : memref<4224xi32, #tpu.memory_space<vmem>>, vector<16xi32>,
          %masked_sort3A = arith.constant dense<true> : vector<16xi1>
          %masked_sort3A_1148, %masked_sort3A_1149, %masked_sort3A_1150 = tpu.sort %get3A_1141, %get3A_1147 masked %masked_sort3A {descending = true} : (vector<16xf32>, vector<16xi32>, vector<16xi1>) -> (vector<16xi1>, vector<16xf32>, vector<16xi32>)
          %lt3A_1151 = arith.cmpf olt, %masked_sort3A_1149, %while3A_1135 : vector<16xf32>
          %select_n3A_1152 = arith.select %lt3A_1151, %masked_sort3A_1149, %while3A_1135 : vector<16xi1>, vector<16xf32>
          %select_n3A_1153 = arith.select %lt3A_1151, %masked_sort3A_1150, %while3A_1136 : vector<16xi1>, vector<16xi32>
          %masked_sort3A_1154 = arith.constant dense<true> : vector<16xi1>
          %masked_sort3A_1155, %masked_sort3A_1156, %masked_sort3A_1157 = tpu.sort %select_n3A_1152, %select_n3A_1153 masked %masked_sort3A_1154 : (vector<16xf32>, vector<16xi32>, vector<16xi1>) -> (vector<16xi1>, vector<16xf32>, vector<16xi32>)
          scf.yield %masked_sort3A_1156, %masked_sort3A_1157 : vector<16xf32>, vector<16xi32>
        }
        %jit3A_767 = arith.constant 16 : i32
        %div3A_768 = arith.divsi %scan3A_660#2, %jit3A_767 : i32
        %sign3A_769 = arith.constant 0 : i32
        %sign3A_770 = arith.cmpi sgt, %scan3A_660#2, %sign3A_769 : i32
        %sign3A_771 = arith.extui %sign3A_770 : i1 to i32
        %sign3A_772 = arith.constant 0 : i32
        %sign3A_773 = arith.cmpi slt, %scan3A_660#2, %sign3A_772 : i32
        %sign3A_774 = arith.extui %sign3A_773 : i1 to i32
        %sign3A_775 = arith.subi %sign3A_771, %sign3A_774 : i32
        %sign3A_776 = arith.constant 0 : i32
        %sign3A_777 = arith.cmpi sgt, %jit3A_767, %sign3A_776 : i32
        %sign3A_778 = arith.extui %sign3A_777 : i1 to i32
        %sign3A_779 = arith.constant 0 : i32
        %sign3A_780 = arith.cmpi slt, %jit3A_767, %sign3A_779 : i32
        %sign3A_781 = arith.extui %sign3A_780 : i1 to i32
        %sign3A_782 = arith.subi %sign3A_778, %sign3A_781 : i32
        %ne3A_783 = arith.cmpi ne, %sign3A_775, %sign3A_782 : i32
        %rem3A_784 = arith.remsi %scan3A_660#2, %jit3A_767 : i32
        %ne3A_785 = arith.constant 0 : i32
        %ne3A_786 = arith.cmpi ne, %rem3A_784, %ne3A_785 : i32
        %and3A_787 = arith.andi %ne3A_783, %ne3A_786 : i1
        %sub3A_788 = arith.constant 1 : i32
        %sub3A_789 = arith.subi %div3A_768, %sub3A_788 : i32
        %select_n3A_790 = arith.select %and3A_787, %sub3A_789, %div3A_768 : i32
        %add3A_791 = arith.constant 1 : i32
        %add3A_792 = arith.addi %select_n3A_790, %add3A_791 : i32
        %while3A_793 = arith.constant 0 : i32
        %while3A_794 = arith.subi %add3A_792, %while3A_793 : i32
        %while3A_795 = arith.addi %while3A_793, %while3A_794 : i32
        %while3A_796 = arith.constant 1 : i32
        %while3A_797 = arith.divsi %while3A_794, %while3A_796 : i32
        %while3A_798 = arith.muli %while3A_797, %while3A_796 : i32
        %while3A_799 = arith.addi %while3A_793, %while3A_798 : i32
        %while3A_800 = arith.constant 1 : i32
        %while3A_801:2 = scf.for %while3A_1134 = %while3A_793 to %while3A_799 step %while3A_800 iter_args(%while3A_1135 = %while3A_766#0, %while3A_1136 = %while3A_766#1) -> (vector<16xf32>, vector<16xi32>)  : i32 {
          %mul3A_1137 = arith.constant 16 : i32
          %mul3A_1138 = arith.muli %while3A_1134, %mul3A_1137 : i32
          %add3A_1139 = arith.constant 1056 : i32
          %add3A_1140 = arith.addi %add3A_1139, %mul3A_1138 : i32
          %get3A = arith.index_cast %add3A_1140 : i32 to index
          %get3A_1141 = tpu.vector_load %arg12[%get3A] {strides = array<i32>} : memref<4224xf32, #tpu.memory_space<vmem>>, vector<16xf32>,
          %mul3A_1142 = arith.constant 16 : i32
          %mul3A_1143 = arith.muli %while3A_1134, %mul3A_1142 : i32
          %add3A_1144 = arith.constant 1056 : i32
          %add3A_1145 = arith.addi %add3A_1144, %mul3A_1143 : i32
          %get3A_1146 = arith.index_cast %add3A_1145 : i32 to index
          %get3A_1147 = tpu.vector_load %arg13[%get3A_1146] {strides = array<i32>} : memref<4224xi32, #tpu.memory_space<vmem>>, vector<16xi32>,
          %masked_sort3A = arith.constant dense<true> : vector<16xi1>
          %masked_sort3A_1148, %masked_sort3A_1149, %masked_sort3A_1150 = tpu.sort %get3A_1141, %get3A_1147 masked %masked_sort3A {descending = true} : (vector<16xf32>, vector<16xi32>, vector<16xi1>) -> (vector<16xi1>, vector<16xf32>, vector<16xi32>)
          %lt3A_1151 = arith.cmpf olt, %masked_sort3A_1149, %while3A_1135 : vector<16xf32>
          %select_n3A_1152 = arith.select %lt3A_1151, %masked_sort3A_1149, %while3A_1135 : vector<16xi1>, vector<16xf32>
          %select_n3A_1153 = arith.select %lt3A_1151, %masked_sort3A_1150, %while3A_1136 : vector<16xi1>, vector<16xi32>
          %masked_sort3A_1154 = arith.constant dense<true> : vector<16xi1>
          %masked_sort3A_1155, %masked_sort3A_1156, %masked_sort3A_1157 = tpu.sort %select_n3A_1152, %select_n3A_1153 masked %masked_sort3A_1154 : (vector<16xf32>, vector<16xi32>, vector<16xi1>) -> (vector<16xi1>, vector<16xf32>, vector<16xi32>)
          scf.yield %masked_sort3A_1156, %masked_sort3A_1157 : vector<16xf32>, vector<16xi32>
        }
        %while3A_802 = arith.constant 1 : i32
        %while3A_803:2 = scf.for %while3A_1134 = %while3A_799 to %while3A_795 step %while3A_802 iter_args(%while3A_1135 = %while3A_801#0, %while3A_1136 = %while3A_801#1) -> (vector<16xf32>, vector<16xi32>)  : i32 {
          %mul3A_1137 = arith.constant 16 : i32
          %mul3A_1138 = arith.muli %while3A_1134, %mul3A_1137 : i32
          %add3A_1139 = arith.constant 1056 : i32
          %add3A_1140 = arith.addi %add3A_1139, %mul3A_1138 : i32
          %get3A = arith.index_cast %add3A_1140 : i32 to index
          %get3A_1141 = tpu.vector_load %arg12[%get3A] {strides = array<i32>} : memref<4224xf32, #tpu.memory_space<vmem>>, vector<16xf32>,
          %mul3A_1142 = arith.constant 16 : i32
          %mul3A_1143 = arith.muli %while3A_1134, %mul3A_1142 : i32
          %add3A_1144 = arith.constant 1056 : i32
          %add3A_1145 = arith.addi %add3A_1144, %mul3A_1143 : i32
          %get3A_1146 = arith.index_cast %add3A_1145 : i32 to index
          %get3A_1147 = tpu.vector_load %arg13[%get3A_1146] {strides = array<i32>} : memref<4224xi32, #tpu.memory_space<vmem>>, vector<16xi32>,
          %masked_sort3A = arith.constant dense<true> : vector<16xi1>
          %masked_sort3A_1148, %masked_sort3A_1149, %masked_sort3A_1150 = tpu.sort %get3A_1141, %get3A_1147 masked %masked_sort3A {descending = true} : (vector<16xf32>, vector<16xi32>, vector<16xi1>) -> (vector<16xi1>, vector<16xf32>, vector<16xi32>)
          %lt3A_1151 = arith.cmpf olt, %masked_sort3A_1149, %while3A_1135 : vector<16xf32>
          %select_n3A_1152 = arith.select %lt3A_1151, %masked_sort3A_1149, %while3A_1135 : vector<16xi1>, vector<16xf32>
          %select_n3A_1153 = arith.select %lt3A_1151, %masked_sort3A_1150, %while3A_1136 : vector<16xi1>, vector<16xi32>
          %masked_sort3A_1154 = arith.constant dense<true> : vector<16xi1>
          %masked_sort3A_1155, %masked_sort3A_1156, %masked_sort3A_1157 = tpu.sort %select_n3A_1152, %select_n3A_1153 masked %masked_sort3A_1154 : (vector<16xf32>, vector<16xi32>, vector<16xi1>) -> (vector<16xi1>, vector<16xf32>, vector<16xi32>)
          scf.yield %masked_sort3A_1156, %masked_sort3A_1157 : vector<16xf32>, vector<16xi32>
        }
        %jit3A_804 = arith.constant 16 : i32
        %div3A_805 = arith.divsi %scan3A_660#3, %jit3A_804 : i32
        %sign3A_806 = arith.constant 0 : i32
        %sign3A_807 = arith.cmpi sgt, %scan3A_660#3, %sign3A_806 : i32
        %sign3A_808 = arith.extui %sign3A_807 : i1 to i32
        %sign3A_809 = arith.constant 0 : i32
        %sign3A_810 = arith.cmpi slt, %scan3A_660#3, %sign3A_809 : i32
        %sign3A_811 = arith.extui %sign3A_810 : i1 to i32
        %sign3A_812 = arith.subi %sign3A_808, %sign3A_811 : i32
        %sign3A_813 = arith.constant 0 : i32
        %sign3A_814 = arith.cmpi sgt, %jit3A_804, %sign3A_813 : i32
        %sign3A_815 = arith.extui %sign3A_814 : i1 to i32
        %sign3A_816 = arith.constant 0 : i32
        %sign3A_817 = arith.cmpi slt, %jit3A_804, %sign3A_816 : i32
        %sign3A_818 = arith.extui %sign3A_817 : i1 to i32
        %sign3A_819 = arith.subi %sign3A_815, %sign3A_818 : i32
        %ne3A_820 = arith.cmpi ne, %sign3A_812, %sign3A_819 : i32
        %rem3A_821 = arith.remsi %scan3A_660#3, %jit3A_804 : i32
        %ne3A_822 = arith.constant 0 : i32
        %ne3A_823 = arith.cmpi ne, %rem3A_821, %ne3A_822 : i32
        %and3A_824 = arith.andi %ne3A_820, %ne3A_823 : i1
        %sub3A_825 = arith.constant 1 : i32
        %sub3A_826 = arith.subi %div3A_805, %sub3A_825 : i32
        %select_n3A_827 = arith.select %and3A_824, %sub3A_826, %div3A_805 : i32
        %add3A_828 = arith.constant 1 : i32
        %add3A_829 = arith.addi %select_n3A_827, %add3A_828 : i32
        %while3A_830 = arith.constant 0 : i32
        %while3A_831 = arith.subi %add3A_829, %while3A_830 : i32
        %while3A_832 = arith.addi %while3A_830, %while3A_831 : i32
        %while3A_833 = arith.constant 1 : i32
        %while3A_834 = arith.divsi %while3A_831, %while3A_833 : i32
        %while3A_835 = arith.muli %while3A_834, %while3A_833 : i32
        %while3A_836 = arith.addi %while3A_830, %while3A_835 : i32
        %while3A_837 = arith.constant 1 : i32
        %while3A_838:2 = scf.for %while3A_1134 = %while3A_830 to %while3A_836 step %while3A_837 iter_args(%while3A_1135 = %while3A_803#0, %while3A_1136 = %while3A_803#1) -> (vector<16xf32>, vector<16xi32>)  : i32 {
          %mul3A_1137 = arith.constant 16 : i32
          %mul3A_1138 = arith.muli %while3A_1134, %mul3A_1137 : i32
          %add3A_1139 = arith.constant 1584 : i32
          %add3A_1140 = arith.addi %add3A_1139, %mul3A_1138 : i32
          %get3A = arith.index_cast %add3A_1140 : i32 to index
          %get3A_1141 = tpu.vector_load %arg12[%get3A] {strides = array<i32>} : memref<4224xf32, #tpu.memory_space<vmem>>, vector<16xf32>,
          %mul3A_1142 = arith.constant 16 : i32
          %mul3A_1143 = arith.muli %while3A_1134, %mul3A_1142 : i32
          %add3A_1144 = arith.constant 1584 : i32
          %add3A_1145 = arith.addi %add3A_1144, %mul3A_1143 : i32
          %get3A_1146 = arith.index_cast %add3A_1145 : i32 to index
          %get3A_1147 = tpu.vector_load %arg13[%get3A_1146] {strides = array<i32>} : memref<4224xi32, #tpu.memory_space<vmem>>, vector<16xi32>,
          %masked_sort3A = arith.constant dense<true> : vector<16xi1>
          %masked_sort3A_1148, %masked_sort3A_1149, %masked_sort3A_1150 = tpu.sort %get3A_1141, %get3A_1147 masked %masked_sort3A {descending = true} : (vector<16xf32>, vector<16xi32>, vector<16xi1>) -> (vector<16xi1>, vector<16xf32>, vector<16xi32>)
          %lt3A_1151 = arith.cmpf olt, %masked_sort3A_1149, %while3A_1135 : vector<16xf32>
          %select_n3A_1152 = arith.select %lt3A_1151, %masked_sort3A_1149, %while3A_1135 : vector<16xi1>, vector<16xf32>
          %select_n3A_1153 = arith.select %lt3A_1151, %masked_sort3A_1150, %while3A_1136 : vector<16xi1>, vector<16xi32>
          %masked_sort3A_1154 = arith.constant dense<true> : vector<16xi1>
          %masked_sort3A_1155, %masked_sort3A_1156, %masked_sort3A_1157 = tpu.sort %select_n3A_1152, %select_n3A_1153 masked %masked_sort3A_1154 : (vector<16xf32>, vector<16xi32>, vector<16xi1>) -> (vector<16xi1>, vector<16xf32>, vector<16xi32>)
          scf.yield %masked_sort3A_1156, %masked_sort3A_1157 : vector<16xf32>, vector<16xi32>
        }
        %while3A_839 = arith.constant 1 : i32
        %while3A_840:2 = scf.for %while3A_1134 = %while3A_836 to %while3A_832 step %while3A_839 iter_args(%while3A_1135 = %while3A_838#0, %while3A_1136 = %while3A_838#1) -> (vector<16xf32>, vector<16xi32>)  : i32 {
          %mul3A_1137 = arith.constant 16 : i32
          %mul3A_1138 = arith.muli %while3A_1134, %mul3A_1137 : i32
          %add3A_1139 = arith.constant 1584 : i32
          %add3A_1140 = arith.addi %add3A_1139, %mul3A_1138 : i32
          %get3A = arith.index_cast %add3A_1140 : i32 to index
          %get3A_1141 = tpu.vector_load %arg12[%get3A] {strides = array<i32>} : memref<4224xf32, #tpu.memory_space<vmem>>, vector<16xf32>,
          %mul3A_1142 = arith.constant 16 : i32
          %mul3A_1143 = arith.muli %while3A_1134, %mul3A_1142 : i32
          %add3A_1144 = arith.constant 1584 : i32
          %add3A_1145 = arith.addi %add3A_1144, %mul3A_1143 : i32
          %get3A_1146 = arith.index_cast %add3A_1145 : i32 to index
          %get3A_1147 = tpu.vector_load %arg13[%get3A_1146] {strides = array<i32>} : memref<4224xi32, #tpu.memory_space<vmem>>, vector<16xi32>,
          %masked_sort3A = arith.constant dense<true> : vector<16xi1>
          %masked_sort3A_1148, %masked_sort3A_1149, %masked_sort3A_1150 = tpu.sort %get3A_1141, %get3A_1147 masked %masked_sort3A {descending = true} : (vector<16xf32>, vector<16xi32>, vector<16xi1>) -> (vector<16xi1>, vector<16xf32>, vector<16xi32>)
          %lt3A_1151 = arith.cmpf olt, %masked_sort3A_1149, %while3A_1135 : vector<16xf32>
          %select_n3A_1152 = arith.select %lt3A_1151, %masked_sort3A_1149, %while3A_1135 : vector<16xi1>, vector<16xf32>
          %select_n3A_1153 = arith.select %lt3A_1151, %masked_sort3A_1150, %while3A_1136 : vector<16xi1>, vector<16xi32>
          %masked_sort3A_1154 = arith.constant dense<true> : vector<16xi1>
          %masked_sort3A_1155, %masked_sort3A_1156, %masked_sort3A_1157 = tpu.sort %select_n3A_1152, %select_n3A_1153 masked %masked_sort3A_1154 : (vector<16xf32>, vector<16xi32>, vector<16xi1>) -> (vector<16xi1>, vector<16xf32>, vector<16xi32>)
          scf.yield %masked_sort3A_1156, %masked_sort3A_1157 : vector<16xf32>, vector<16xi32>
        }
        %add3A_841 = arith.constant 0 : i32
        %add3A_842 = arith.addi %mul3A_633, %add3A_841 : i32
        %mul3A_843 = arith.constant 2048 : i32
        %mul3A_844 = arith.muli %select_n3A, %mul3A_843 : i32
        %add3A_845 = vector.broadcast %mul3A_844 : i32 to vector<16xi32>
        %add3A_846 = arith.addi %while3A_840#1, %add3A_845 : vector<16xi32>
        %mul3A_847 = arith.constant 16 : i32
        %mul3A_848 = arith.muli %add3A_842, %mul3A_847 : i32
        %dma_start3A_849 = arith.constant 0 : i32
        %dma_start3A_850 = tpu.memref_slice %arg11[%rem3A_526, %mul3A_848, %dma_start3A_849] : memref<2x128x256xf32, #tpu.memory_space<vmem>> -> memref<1x16x256xf32, #tpu.memory_space<vmem>>
        %dma_start3A_851 = tpu.memref_squeeze %dma_start3A_850 : memref<1x16x256xf32, #tpu.memory_space<vmem>> -> memref<16x256xf32, #tpu.memory_space<vmem>>
        %dma_start3A_852 = arith.constant 0 : i32
        %dma_start3A_853 = arith.constant 0 : i32
        %dma_start3A_854 = tpu.memref_slice %arg4[%dma_start3A_852, %dma_start3A_853] : memref<8192x256xf32, #tpu.memory_space<hbm>> -> memref<8192x256xf32, #tpu.memory_space<hbm>>
        tpu.enqueue_indirect_dma source(%dma_start3A_854 : memref<8192x256xf32, #tpu.memory_space<hbm>>) target(%dma_start3A_851 : memref<16x256xf32, #tpu.memory_space<vmem>>) offsets(%add3A_846 : vector<16xi32>) semaphore(%arg16 : memref<!tpu.dma_semaphore, #tpu.memory_space<semaphore_mem>>)
        %add3A_855 = arith.constant 0 : i32
        %add3A_856 = arith.addi %add3A_636, %add3A_855 : i32
        %mul3A_857 = arith.constant 2048 : i32
        %mul3A_858 = arith.muli %select_n3A, %mul3A_857 : i32
        %sub3A_859 = arith.subi %add3A_856, %mul3A_858 : i32
        %add3A_860 = vector.broadcast %sub3A_859 : i32 to vector<16xi32>
        %add3A_861 = arith.addi %broadcast_in_dim3A_21, %add3A_860 : vector<16xi32>
        %add3A_862 = vector.broadcast %add3A_842 : i32 to vector<16xi32>
        %add3A_863 = arith.addi %broadcast_in_dim3A_21, %add3A_862 : vector<16xi32>
        %broadcast_in_dim3A_864 = arith.constant 0 : i32
        %broadcast_in_dim3A_865 = vector.broadcast %broadcast_in_dim3A_864 : i32 to vector<16xi32>
        %gather3A_866 = tpu.vector_load_idx %arg9[%broadcast_in_dim3A_865, %add3A_861] : memref<3x2048xf32, #tpu.memory_space<vmem>>[vector<16xi32>, vector<16xi32>], vector<16xf32>,
        %gather3A_867 = tpu.vector_load_idx %arg9[%broadcast_in_dim3A_865, %while3A_840#1] : memref<3x2048xf32, #tpu.memory_space<vmem>>[vector<16xi32>, vector<16xi32>], vector<16xf32>,
        %mul3A_868 = arith.constant 4 : i32
        %mul3A_869 = vector.broadcast %mul3A_868 : i32 to vector<16xi32>
        %mul3A_870 = arith.muli %iota3A, %mul3A_869 : vector<16xi32>
        %add3A_871 = arith.constant 0 : i32
        %add3A_872 = vector.broadcast %add3A_871 : i32 to vector<16xi32>
        %add3A_873 = arith.addi %mul3A_870, %add3A_872 : vector<16xi32>
        %sub3A_874 = arith.subf %gather3A_866, %gather3A_867 : vector<16xf32>
        tpu.vector_store_idx %arg10[%add3A_638, %add3A_863, %add3A_873], %sub3A_874 : memref<2x8x64xf32, #tpu.memory_space<vmem>>[vector<16xi32>, vector<16xi32>, vector<16xi32>], vector<16xf32>,
        %broadcast_in_dim3A_875 = arith.constant 1 : i32
        %broadcast_in_dim3A_876 = vector.broadcast %broadcast_in_dim3A_875 : i32 to vector<16xi32>
        %gather3A_877 = tpu.vector_load_idx %arg9[%broadcast_in_dim3A_876, %add3A_861] : memref<3x2048xf32, #tpu.memory_space<vmem>>[vector<16xi32>, vector<16xi32>], vector<16xf32>,
        %gather3A_878 = tpu.vector_load_idx %arg9[%broadcast_in_dim3A_876, %while3A_840#1] : memref<3x2048xf32, #tpu.memory_space<vmem>>[vector<16xi32>, vector<16xi32>], vector<16xf32>,
        %mul3A_879 = arith.constant 4 : i32
        %mul3A_880 = vector.broadcast %mul3A_879 : i32 to vector<16xi32>
        %mul3A_881 = arith.muli %iota3A, %mul3A_880 : vector<16xi32>
        %add3A_882 = arith.constant 1 : i32
        %add3A_883 = vector.broadcast %add3A_882 : i32 to vector<16xi32>
        %add3A_884 = arith.addi %mul3A_881, %add3A_883 : vector<16xi32>
        %sub3A_885 = arith.subf %gather3A_877, %gather3A_878 : vector<16xf32>
        tpu.vector_store_idx %arg10[%add3A_638, %add3A_863, %add3A_884], %sub3A_885 : memref<2x8x64xf32, #tpu.memory_space<vmem>>[vector<16xi32>, vector<16xi32>, vector<16xi32>], vector<16xf32>,
        %broadcast_in_dim3A_886 = arith.constant 2 : i32
        %broadcast_in_dim3A_887 = vector.broadcast %broadcast_in_dim3A_886 : i32 to vector<16xi32>
        %gather3A_888 = tpu.vector_load_idx %arg9[%broadcast_in_dim3A_887, %add3A_861] : memref<3x2048xf32, #tpu.memory_space<vmem>>[vector<16xi32>, vector<16xi32>], vector<16xf32>,
        %gather3A_889 = tpu.vector_load_idx %arg9[%broadcast_in_dim3A_887, %while3A_840#1] : memref<3x2048xf32, #tpu.memory_space<vmem>>[vector<16xi32>, vector<16xi32>], vector<16xf32>,
        %mul3A_890 = arith.constant 4 : i32
        %mul3A_891 = vector.broadcast %mul3A_890 : i32 to vector<16xi32>
        %mul3A_892 = arith.muli %iota3A, %mul3A_891 : vector<16xi32>
        %add3A_893 = arith.constant 2 : i32
        %add3A_894 = vector.broadcast %add3A_893 : i32 to vector<16xi32>
        %add3A_895 = arith.addi %mul3A_892, %add3A_894 : vector<16xi32>
        %sub3A_896 = arith.subf %gather3A_888, %gather3A_889 : vector<16xf32>
        tpu.vector_store_idx %arg10[%add3A_638, %add3A_863, %add3A_895], %sub3A_896 : memref<2x8x64xf32, #tpu.memory_space<vmem>>[vector<16xi32>, vector<16xi32>, vector<16xi32>], vector<16xf32>,
        %add3A_897 = arith.constant 2112 : i32
        %add3A_898 = arith.addi %add3A_897, %scan3A_660#4 : i32
        %swap3A_899 = arith.index_cast %add3A_898 : i32 to index
        %swap3A_900 = tpu.vector_load %arg12[%swap3A_899] {strides = array<i32>} : memref<4224xf32, #tpu.memory_space<vmem>>, vector<16xf32>,
        tpu.vector_store %arg12[%swap3A_899], %broadcast_in_dim3A_406 {strides = array<i32>} : memref<4224xf32, #tpu.memory_space<vmem>>, vector<16xf32>,
        %add3A_901 = arith.constant 2112 : i32
        %add3A_902 = arith.addi %add3A_901, %scan3A_660#4 : i32
        %swap3A_903 = arith.index_cast %add3A_902 : i32 to index
        %swap3A_904 = tpu.vector_load %arg13[%swap3A_903] {strides = array<i32>} : memref<4224xi32, #tpu.memory_space<vmem>>, vector<16xi32>,
        tpu.vector_store %arg13[%swap3A_903], %broadcast_in_dim3A_21 {strides = array<i32>} : memref<4224xi32, #tpu.memory_space<vmem>>, vector<16xi32>,
        %add3A_905 = arith.constant 2640 : i32
        %add3A_906 = arith.addi %add3A_905, %scan3A_660#5 : i32
        %swap3A_907 = arith.index_cast %add3A_906 : i32 to index
        %swap3A_908 = tpu.vector_load %arg12[%swap3A_907] {strides = array<i32>} : memref<4224xf32, #tpu.memory_space<vmem>>, vector<16xf32>,
        tpu.vector_store %arg12[%swap3A_907], %broadcast_in_dim3A_406 {strides = array<i32>} : memref<4224xf32, #tpu.memory_space<vmem>>, vector<16xf32>,
        %add3A_909 = arith.constant 2640 : i32
        %add3A_910 = arith.addi %add3A_909, %scan3A_660#5 : i32
        %swap3A_911 = arith.index_cast %add3A_910 : i32 to index
        %swap3A_912 = tpu.vector_load %arg13[%swap3A_911] {strides = array<i32>} : memref<4224xi32, #tpu.memory_space<vmem>>, vector<16xi32>,
        tpu.vector_store %arg13[%swap3A_911], %broadcast_in_dim3A_21 {strides = array<i32>} : memref<4224xi32, #tpu.memory_space<vmem>>, vector<16xi32>,
        %add3A_913 = arith.constant 3168 : i32
        %add3A_914 = arith.addi %add3A_913, %scan3A_660#6 : i32
        %swap3A_915 = arith.index_cast %add3A_914 : i32 to index
        %swap3A_916 = tpu.vector_load %arg12[%swap3A_915] {strides = array<i32>} : memref<4224xf32, #tpu.memory_space<vmem>>, vector<16xf32>,
        tpu.vector_store %arg12[%swap3A_915], %broadcast_in_dim3A_406 {strides = array<i32>} : memref<4224xf32, #tpu.memory_space<vmem>>, vector<16xf32>,
        %add3A_917 = arith.constant 3168 : i32
        %add3A_918 = arith.addi %add3A_917, %scan3A_660#6 : i32
        %swap3A_919 = arith.index_cast %add3A_918 : i32 to index
        %swap3A_920 = tpu.vector_load %arg13[%swap3A_919] {strides = array<i32>} : memref<4224xi32, #tpu.memory_space<vmem>>, vector<16xi32>,
        tpu.vector_store %arg13[%swap3A_919], %broadcast_in_dim3A_21 {strides = array<i32>} : memref<4224xi32, #tpu.memory_space<vmem>>, vector<16xi32>,
        %add3A_921 = arith.constant 3696 : i32
        %add3A_922 = arith.addi %add3A_921, %scan3A_660#7 : i32
        %swap3A_923 = arith.index_cast %add3A_922 : i32 to index
        %swap3A_924 = tpu.vector_load %arg12[%swap3A_923] {strides = array<i32>} : memref<4224xf32, #tpu.memory_space<vmem>>, vector<16xf32>,
        tpu.vector_store %arg12[%swap3A_923], %broadcast_in_dim3A_406 {strides = array<i32>} : memref<4224xf32, #tpu.memory_space<vmem>>, vector<16xf32>,
        %add3A_925 = arith.constant 3696 : i32
        %add3A_926 = arith.addi %add3A_925, %scan3A_660#7 : i32
        %swap3A_927 = arith.index_cast %add3A_926 : i32 to index
        %swap3A_928 = tpu.vector_load %arg13[%swap3A_927] {strides = array<i32>} : memref<4224xi32, #tpu.memory_space<vmem>>, vector<16xi32>,
        tpu.vector_store %arg13[%swap3A_927], %broadcast_in_dim3A_21 {strides = array<i32>} : memref<4224xi32, #tpu.memory_space<vmem>>, vector<16xi32>,
        %jit3A_929 = arith.constant 16 : i32
        %div3A_930 = arith.divsi %scan3A_660#4, %jit3A_929 : i32
        %sign3A_931 = arith.constant 0 : i32
        %sign3A_932 = arith.cmpi sgt, %scan3A_660#4, %sign3A_931 : i32
        %sign3A_933 = arith.extui %sign3A_932 : i1 to i32
        %sign3A_934 = arith.constant 0 : i32
        %sign3A_935 = arith.cmpi slt, %scan3A_660#4, %sign3A_934 : i32
        %sign3A_936 = arith.extui %sign3A_935 : i1 to i32
        %sign3A_937 = arith.subi %sign3A_933, %sign3A_936 : i32
        %sign3A_938 = arith.constant 0 : i32
        %sign3A_939 = arith.cmpi sgt, %jit3A_929, %sign3A_938 : i32
        %sign3A_940 = arith.extui %sign3A_939 : i1 to i32
        %sign3A_941 = arith.constant 0 : i32
        %sign3A_942 = arith.cmpi slt, %jit3A_929, %sign3A_941 : i32
        %sign3A_943 = arith.extui %sign3A_942 : i1 to i32
        %sign3A_944 = arith.subi %sign3A_940, %sign3A_943 : i32
        %ne3A_945 = arith.cmpi ne, %sign3A_937, %sign3A_944 : i32
        %rem3A_946 = arith.remsi %scan3A_660#4, %jit3A_929 : i32
        %ne3A_947 = arith.constant 0 : i32
        %ne3A_948 = arith.cmpi ne, %rem3A_946, %ne3A_947 : i32
        %and3A_949 = arith.andi %ne3A_945, %ne3A_948 : i1
        %sub3A_950 = arith.constant 1 : i32
        %sub3A_951 = arith.subi %div3A_930, %sub3A_950 : i32
        %select_n3A_952 = arith.select %and3A_949, %sub3A_951, %div3A_930 : i32
        %add3A_953 = arith.constant 1 : i32
        %add3A_954 = arith.addi %select_n3A_952, %add3A_953 : i32
        %while3A_955 = arith.constant 0 : i32
        %while3A_956 = arith.subi %add3A_954, %while3A_955 : i32
        %while3A_957 = arith.addi %while3A_955, %while3A_956 : i32
        %while3A_958 = arith.constant 1 : i32
        %while3A_959 = arith.divsi %while3A_956, %while3A_958 : i32
        %while3A_960 = arith.muli %while3A_959, %while3A_958 : i32
        %while3A_961 = arith.addi %while3A_955, %while3A_960 : i32
        %while3A_962 = arith.constant 1 : i32
        %while3A_963:2 = scf.for %while3A_1134 = %while3A_955 to %while3A_961 step %while3A_962 iter_args(%while3A_1135 = %broadcast_in_dim3A_406, %while3A_1136 = %broadcast_in_dim3A_21) -> (vector<16xf32>, vector<16xi32>)  : i32 {
          %mul3A_1137 = arith.constant 16 : i32
          %mul3A_1138 = arith.muli %while3A_1134, %mul3A_1137 : i32
          %add3A_1139 = arith.constant 2112 : i32
          %add3A_1140 = arith.addi %add3A_1139, %mul3A_1138 : i32
          %get3A = arith.index_cast %add3A_1140 : i32 to index
          %get3A_1141 = tpu.vector_load %arg12[%get3A] {strides = array<i32>} : memref<4224xf32, #tpu.memory_space<vmem>>, vector<16xf32>,
          %mul3A_1142 = arith.constant 16 : i32
          %mul3A_1143 = arith.muli %while3A_1134, %mul3A_1142 : i32
          %add3A_1144 = arith.constant 2112 : i32
          %add3A_1145 = arith.addi %add3A_1144, %mul3A_1143 : i32
          %get3A_1146 = arith.index_cast %add3A_1145 : i32 to index
          %get3A_1147 = tpu.vector_load %arg13[%get3A_1146] {strides = array<i32>} : memref<4224xi32, #tpu.memory_space<vmem>>, vector<16xi32>,
          %masked_sort3A = arith.constant dense<true> : vector<16xi1>
          %masked_sort3A_1148, %masked_sort3A_1149, %masked_sort3A_1150 = tpu.sort %get3A_1141, %get3A_1147 masked %masked_sort3A {descending = true} : (vector<16xf32>, vector<16xi32>, vector<16xi1>) -> (vector<16xi1>, vector<16xf32>, vector<16xi32>)
          %lt3A_1151 = arith.cmpf olt, %masked_sort3A_1149, %while3A_1135 : vector<16xf32>
          %select_n3A_1152 = arith.select %lt3A_1151, %masked_sort3A_1149, %while3A_1135 : vector<16xi1>, vector<16xf32>
          %select_n3A_1153 = arith.select %lt3A_1151, %masked_sort3A_1150, %while3A_1136 : vector<16xi1>, vector<16xi32>
          %masked_sort3A_1154 = arith.constant dense<true> : vector<16xi1>
          %masked_sort3A_1155, %masked_sort3A_1156, %masked_sort3A_1157 = tpu.sort %select_n3A_1152, %select_n3A_1153 masked %masked_sort3A_1154 : (vector<16xf32>, vector<16xi32>, vector<16xi1>) -> (vector<16xi1>, vector<16xf32>, vector<16xi32>)
          scf.yield %masked_sort3A_1156, %masked_sort3A_1157 : vector<16xf32>, vector<16xi32>
        }
        %while3A_964 = arith.constant 1 : i32
        %while3A_965:2 = scf.for %while3A_1134 = %while3A_961 to %while3A_957 step %while3A_964 iter_args(%while3A_1135 = %while3A_963#0, %while3A_1136 = %while3A_963#1) -> (vector<16xf32>, vector<16xi32>)  : i32 {
          %mul3A_1137 = arith.constant 16 : i32
          %mul3A_1138 = arith.muli %while3A_1134, %mul3A_1137 : i32
          %add3A_1139 = arith.constant 2112 : i32
          %add3A_1140 = arith.addi %add3A_1139, %mul3A_1138 : i32
          %get3A = arith.index_cast %add3A_1140 : i32 to index
          %get3A_1141 = tpu.vector_load %arg12[%get3A] {strides = array<i32>} : memref<4224xf32, #tpu.memory_space<vmem>>, vector<16xf32>,
          %mul3A_1142 = arith.constant 16 : i32
          %mul3A_1143 = arith.muli %while3A_1134, %mul3A_1142 : i32
          %add3A_1144 = arith.constant 2112 : i32
          %add3A_1145 = arith.addi %add3A_1144, %mul3A_1143 : i32
          %get3A_1146 = arith.index_cast %add3A_1145 : i32 to index
          %get3A_1147 = tpu.vector_load %arg13[%get3A_1146] {strides = array<i32>} : memref<4224xi32, #tpu.memory_space<vmem>>, vector<16xi32>,
          %masked_sort3A = arith.constant dense<true> : vector<16xi1>
          %masked_sort3A_1148, %masked_sort3A_1149, %masked_sort3A_1150 = tpu.sort %get3A_1141, %get3A_1147 masked %masked_sort3A {descending = true} : (vector<16xf32>, vector<16xi32>, vector<16xi1>) -> (vector<16xi1>, vector<16xf32>, vector<16xi32>)
          %lt3A_1151 = arith.cmpf olt, %masked_sort3A_1149, %while3A_1135 : vector<16xf32>
          %select_n3A_1152 = arith.select %lt3A_1151, %masked_sort3A_1149, %while3A_1135 : vector<16xi1>, vector<16xf32>
          %select_n3A_1153 = arith.select %lt3A_1151, %masked_sort3A_1150, %while3A_1136 : vector<16xi1>, vector<16xi32>
          %masked_sort3A_1154 = arith.constant dense<true> : vector<16xi1>
          %masked_sort3A_1155, %masked_sort3A_1156, %masked_sort3A_1157 = tpu.sort %select_n3A_1152, %select_n3A_1153 masked %masked_sort3A_1154 : (vector<16xf32>, vector<16xi32>, vector<16xi1>) -> (vector<16xi1>, vector<16xf32>, vector<16xi32>)
          scf.yield %masked_sort3A_1156, %masked_sort3A_1157 : vector<16xf32>, vector<16xi32>
        }
        %jit3A_966 = arith.constant 16 : i32
        %div3A_967 = arith.divsi %scan3A_660#5, %jit3A_966 : i32
        %sign3A_968 = arith.constant 0 : i32
        %sign3A_969 = arith.cmpi sgt, %scan3A_660#5, %sign3A_968 : i32
        %sign3A_970 = arith.extui %sign3A_969 : i1 to i32
        %sign3A_971 = arith.constant 0 : i32
        %sign3A_972 = arith.cmpi slt, %scan3A_660#5, %sign3A_971 : i32
        %sign3A_973 = arith.extui %sign3A_972 : i1 to i32
        %sign3A_974 = arith.subi %sign3A_970, %sign3A_973 : i32
        %sign3A_975 = arith.constant 0 : i32
        %sign3A_976 = arith.cmpi sgt, %jit3A_966, %sign3A_975 : i32
        %sign3A_977 = arith.extui %sign3A_976 : i1 to i32
        %sign3A_978 = arith.constant 0 : i32
        %sign3A_979 = arith.cmpi slt, %jit3A_966, %sign3A_978 : i32
        %sign3A_980 = arith.extui %sign3A_979 : i1 to i32
        %sign3A_981 = arith.subi %sign3A_977, %sign3A_980 : i32
        %ne3A_982 = arith.cmpi ne, %sign3A_974, %sign3A_981 : i32
        %rem3A_983 = arith.remsi %scan3A_660#5, %jit3A_966 : i32
        %ne3A_984 = arith.constant 0 : i32
        %ne3A_985 = arith.cmpi ne, %rem3A_983, %ne3A_984 : i32
        %and3A_986 = arith.andi %ne3A_982, %ne3A_985 : i1
        %sub3A_987 = arith.constant 1 : i32
        %sub3A_988 = arith.subi %div3A_967, %sub3A_987 : i32
        %select_n3A_989 = arith.select %and3A_986, %sub3A_988, %div3A_967 : i32
        %add3A_990 = arith.constant 1 : i32
        %add3A_991 = arith.addi %select_n3A_989, %add3A_990 : i32
        %while3A_992 = arith.constant 0 : i32
        %while3A_993 = arith.subi %add3A_991, %while3A_992 : i32
        %while3A_994 = arith.addi %while3A_992, %while3A_993 : i32
        %while3A_995 = arith.constant 1 : i32
        %while3A_996 = arith.divsi %while3A_993, %while3A_995 : i32
        %while3A_997 = arith.muli %while3A_996, %while3A_995 : i32
        %while3A_998 = arith.addi %while3A_992, %while3A_997 : i32
        %while3A_999 = arith.constant 1 : i32
        %while3A_1000:2 = scf.for %while3A_1134 = %while3A_992 to %while3A_998 step %while3A_999 iter_args(%while3A_1135 = %while3A_965#0, %while3A_1136 = %while3A_965#1) -> (vector<16xf32>, vector<16xi32>)  : i32 {
          %mul3A_1137 = arith.constant 16 : i32
          %mul3A_1138 = arith.muli %while3A_1134, %mul3A_1137 : i32
          %add3A_1139 = arith.constant 2640 : i32
          %add3A_1140 = arith.addi %add3A_1139, %mul3A_1138 : i32
          %get3A = arith.index_cast %add3A_1140 : i32 to index
          %get3A_1141 = tpu.vector_load %arg12[%get3A] {strides = array<i32>} : memref<4224xf32, #tpu.memory_space<vmem>>, vector<16xf32>,
          %mul3A_1142 = arith.constant 16 : i32
          %mul3A_1143 = arith.muli %while3A_1134, %mul3A_1142 : i32
          %add3A_1144 = arith.constant 2640 : i32
          %add3A_1145 = arith.addi %add3A_1144, %mul3A_1143 : i32
          %get3A_1146 = arith.index_cast %add3A_1145 : i32 to index
          %get3A_1147 = tpu.vector_load %arg13[%get3A_1146] {strides = array<i32>} : memref<4224xi32, #tpu.memory_space<vmem>>, vector<16xi32>,
          %masked_sort3A = arith.constant dense<true> : vector<16xi1>
          %masked_sort3A_1148, %masked_sort3A_1149, %masked_sort3A_1150 = tpu.sort %get3A_1141, %get3A_1147 masked %masked_sort3A {descending = true} : (vector<16xf32>, vector<16xi32>, vector<16xi1>) -> (vector<16xi1>, vector<16xf32>, vector<16xi32>)
          %lt3A_1151 = arith.cmpf olt, %masked_sort3A_1149, %while3A_1135 : vector<16xf32>
          %select_n3A_1152 = arith.select %lt3A_1151, %masked_sort3A_1149, %while3A_1135 : vector<16xi1>, vector<16xf32>
          %select_n3A_1153 = arith.select %lt3A_1151, %masked_sort3A_1150, %while3A_1136 : vector<16xi1>, vector<16xi32>
          %masked_sort3A_1154 = arith.constant dense<true> : vector<16xi1>
          %masked_sort3A_1155, %masked_sort3A_1156, %masked_sort3A_1157 = tpu.sort %select_n3A_1152, %select_n3A_1153 masked %masked_sort3A_1154 : (vector<16xf32>, vector<16xi32>, vector<16xi1>) -> (vector<16xi1>, vector<16xf32>, vector<16xi32>)
          scf.yield %masked_sort3A_1156, %masked_sort3A_1157 : vector<16xf32>, vector<16xi32>
        }
        %while3A_1001 = arith.constant 1 : i32
        %while3A_1002:2 = scf.for %while3A_1134 = %while3A_998 to %while3A_994 step %while3A_1001 iter_args(%while3A_1135 = %while3A_1000#0, %while3A_1136 = %while3A_1000#1) -> (vector<16xf32>, vector<16xi32>)  : i32 {
          %mul3A_1137 = arith.constant 16 : i32
          %mul3A_1138 = arith.muli %while3A_1134, %mul3A_1137 : i32
          %add3A_1139 = arith.constant 2640 : i32
          %add3A_1140 = arith.addi %add3A_1139, %mul3A_1138 : i32
          %get3A = arith.index_cast %add3A_1140 : i32 to index
          %get3A_1141 = tpu.vector_load %arg12[%get3A] {strides = array<i32>} : memref<4224xf32, #tpu.memory_space<vmem>>, vector<16xf32>,
          %mul3A_1142 = arith.constant 16 : i32
          %mul3A_1143 = arith.muli %while3A_1134, %mul3A_1142 : i32
          %add3A_1144 = arith.constant 2640 : i32
          %add3A_1145 = arith.addi %add3A_1144, %mul3A_1143 : i32
          %get3A_1146 = arith.index_cast %add3A_1145 : i32 to index
          %get3A_1147 = tpu.vector_load %arg13[%get3A_1146] {strides = array<i32>} : memref<4224xi32, #tpu.memory_space<vmem>>, vector<16xi32>,
          %masked_sort3A = arith.constant dense<true> : vector<16xi1>
          %masked_sort3A_1148, %masked_sort3A_1149, %masked_sort3A_1150 = tpu.sort %get3A_1141, %get3A_1147 masked %masked_sort3A {descending = true} : (vector<16xf32>, vector<16xi32>, vector<16xi1>) -> (vector<16xi1>, vector<16xf32>, vector<16xi32>)
          %lt3A_1151 = arith.cmpf olt, %masked_sort3A_1149, %while3A_1135 : vector<16xf32>
          %select_n3A_1152 = arith.select %lt3A_1151, %masked_sort3A_1149, %while3A_1135 : vector<16xi1>, vector<16xf32>
          %select_n3A_1153 = arith.select %lt3A_1151, %masked_sort3A_1150, %while3A_1136 : vector<16xi1>, vector<16xi32>
          %masked_sort3A_1154 = arith.constant dense<true> : vector<16xi1>
          %masked_sort3A_1155, %masked_sort3A_1156, %masked_sort3A_1157 = tpu.sort %select_n3A_1152, %select_n3A_1153 masked %masked_sort3A_1154 : (vector<16xf32>, vector<16xi32>, vector<16xi1>) -> (vector<16xi1>, vector<16xf32>, vector<16xi32>)
          scf.yield %masked_sort3A_1156, %masked_sort3A_1157 : vector<16xf32>, vector<16xi32>
        }
        %jit3A_1003 = arith.constant 16 : i32
        %div3A_1004 = arith.divsi %scan3A_660#6, %jit3A_1003 : i32
        %sign3A_1005 = arith.constant 0 : i32
        %sign3A_1006 = arith.cmpi sgt, %scan3A_660#6, %sign3A_1005 : i32
        %sign3A_1007 = arith.extui %sign3A_1006 : i1 to i32
        %sign3A_1008 = arith.constant 0 : i32
        %sign3A_1009 = arith.cmpi slt, %scan3A_660#6, %sign3A_1008 : i32
        %sign3A_1010 = arith.extui %sign3A_1009 : i1 to i32
        %sign3A_1011 = arith.subi %sign3A_1007, %sign3A_1010 : i32
        %sign3A_1012 = arith.constant 0 : i32
        %sign3A_1013 = arith.cmpi sgt, %jit3A_1003, %sign3A_1012 : i32
        %sign3A_1014 = arith.extui %sign3A_1013 : i1 to i32
        %sign3A_1015 = arith.constant 0 : i32
        %sign3A_1016 = arith.cmpi slt, %jit3A_1003, %sign3A_1015 : i32
        %sign3A_1017 = arith.extui %sign3A_1016 : i1 to i32
        %sign3A_1018 = arith.subi %sign3A_1014, %sign3A_1017 : i32
        %ne3A_1019 = arith.cmpi ne, %sign3A_1011, %sign3A_1018 : i32
        %rem3A_1020 = arith.remsi %scan3A_660#6, %jit3A_1003 : i32
        %ne3A_1021 = arith.constant 0 : i32
        %ne3A_1022 = arith.cmpi ne, %rem3A_1020, %ne3A_1021 : i32
        %and3A_1023 = arith.andi %ne3A_1019, %ne3A_1022 : i1
        %sub3A_1024 = arith.constant 1 : i32
        %sub3A_1025 = arith.subi %div3A_1004, %sub3A_1024 : i32
        %select_n3A_1026 = arith.select %and3A_1023, %sub3A_1025, %div3A_1004 : i32
        %add3A_1027 = arith.constant 1 : i32
        %add3A_1028 = arith.addi %select_n3A_1026, %add3A_1027 : i32
        %while3A_1029 = arith.constant 0 : i32
        %while3A_1030 = arith.subi %add3A_1028, %while3A_1029 : i32
        %while3A_1031 = arith.addi %while3A_1029, %while3A_1030 : i32
        %while3A_1032 = arith.constant 1 : i32
        %while3A_1033 = arith.divsi %while3A_1030, %while3A_1032 : i32
        %while3A_1034 = arith.muli %while3A_1033, %while3A_1032 : i32
        %while3A_1035 = arith.addi %while3A_1029, %while3A_1034 : i32
        %while3A_1036 = arith.constant 1 : i32
        %while3A_1037:2 = scf.for %while3A_1134 = %while3A_1029 to %while3A_1035 step %while3A_1036 iter_args(%while3A_1135 = %while3A_1002#0, %while3A_1136 = %while3A_1002#1) -> (vector<16xf32>, vector<16xi32>)  : i32 {
          %mul3A_1137 = arith.constant 16 : i32
          %mul3A_1138 = arith.muli %while3A_1134, %mul3A_1137 : i32
          %add3A_1139 = arith.constant 3168 : i32
          %add3A_1140 = arith.addi %add3A_1139, %mul3A_1138 : i32
          %get3A = arith.index_cast %add3A_1140 : i32 to index
          %get3A_1141 = tpu.vector_load %arg12[%get3A] {strides = array<i32>} : memref<4224xf32, #tpu.memory_space<vmem>>, vector<16xf32>,
          %mul3A_1142 = arith.constant 16 : i32
          %mul3A_1143 = arith.muli %while3A_1134, %mul3A_1142 : i32
          %add3A_1144 = arith.constant 3168 : i32
          %add3A_1145 = arith.addi %add3A_1144, %mul3A_1143 : i32
          %get3A_1146 = arith.index_cast %add3A_1145 : i32 to index
          %get3A_1147 = tpu.vector_load %arg13[%get3A_1146] {strides = array<i32>} : memref<4224xi32, #tpu.memory_space<vmem>>, vector<16xi32>,
          %masked_sort3A = arith.constant dense<true> : vector<16xi1>
          %masked_sort3A_1148, %masked_sort3A_1149, %masked_sort3A_1150 = tpu.sort %get3A_1141, %get3A_1147 masked %masked_sort3A {descending = true} : (vector<16xf32>, vector<16xi32>, vector<16xi1>) -> (vector<16xi1>, vector<16xf32>, vector<16xi32>)
          %lt3A_1151 = arith.cmpf olt, %masked_sort3A_1149, %while3A_1135 : vector<16xf32>
          %select_n3A_1152 = arith.select %lt3A_1151, %masked_sort3A_1149, %while3A_1135 : vector<16xi1>, vector<16xf32>
          %select_n3A_1153 = arith.select %lt3A_1151, %masked_sort3A_1150, %while3A_1136 : vector<16xi1>, vector<16xi32>
          %masked_sort3A_1154 = arith.constant dense<true> : vector<16xi1>
          %masked_sort3A_1155, %masked_sort3A_1156, %masked_sort3A_1157 = tpu.sort %select_n3A_1152, %select_n3A_1153 masked %masked_sort3A_1154 : (vector<16xf32>, vector<16xi32>, vector<16xi1>) -> (vector<16xi1>, vector<16xf32>, vector<16xi32>)
          scf.yield %masked_sort3A_1156, %masked_sort3A_1157 : vector<16xf32>, vector<16xi32>
        }
        %while3A_1038 = arith.constant 1 : i32
        %while3A_1039:2 = scf.for %while3A_1134 = %while3A_1035 to %while3A_1031 step %while3A_1038 iter_args(%while3A_1135 = %while3A_1037#0, %while3A_1136 = %while3A_1037#1) -> (vector<16xf32>, vector<16xi32>)  : i32 {
          %mul3A_1137 = arith.constant 16 : i32
          %mul3A_1138 = arith.muli %while3A_1134, %mul3A_1137 : i32
          %add3A_1139 = arith.constant 3168 : i32
          %add3A_1140 = arith.addi %add3A_1139, %mul3A_1138 : i32
          %get3A = arith.index_cast %add3A_1140 : i32 to index
          %get3A_1141 = tpu.vector_load %arg12[%get3A] {strides = array<i32>} : memref<4224xf32, #tpu.memory_space<vmem>>, vector<16xf32>,
          %mul3A_1142 = arith.constant 16 : i32
          %mul3A_1143 = arith.muli %while3A_1134, %mul3A_1142 : i32
          %add3A_1144 = arith.constant 3168 : i32
          %add3A_1145 = arith.addi %add3A_1144, %mul3A_1143 : i32
          %get3A_1146 = arith.index_cast %add3A_1145 : i32 to index
          %get3A_1147 = tpu.vector_load %arg13[%get3A_1146] {strides = array<i32>} : memref<4224xi32, #tpu.memory_space<vmem>>, vector<16xi32>,
          %masked_sort3A = arith.constant dense<true> : vector<16xi1>
          %masked_sort3A_1148, %masked_sort3A_1149, %masked_sort3A_1150 = tpu.sort %get3A_1141, %get3A_1147 masked %masked_sort3A {descending = true} : (vector<16xf32>, vector<16xi32>, vector<16xi1>) -> (vector<16xi1>, vector<16xf32>, vector<16xi32>)
          %lt3A_1151 = arith.cmpf olt, %masked_sort3A_1149, %while3A_1135 : vector<16xf32>
          %select_n3A_1152 = arith.select %lt3A_1151, %masked_sort3A_1149, %while3A_1135 : vector<16xi1>, vector<16xf32>
          %select_n3A_1153 = arith.select %lt3A_1151, %masked_sort3A_1150, %while3A_1136 : vector<16xi1>, vector<16xi32>
          %masked_sort3A_1154 = arith.constant dense<true> : vector<16xi1>
          %masked_sort3A_1155, %masked_sort3A_1156, %masked_sort3A_1157 = tpu.sort %select_n3A_1152, %select_n3A_1153 masked %masked_sort3A_1154 : (vector<16xf32>, vector<16xi32>, vector<16xi1>) -> (vector<16xi1>, vector<16xf32>, vector<16xi32>)
          scf.yield %masked_sort3A_1156, %masked_sort3A_1157 : vector<16xf32>, vector<16xi32>
        }
        %jit3A_1040 = arith.constant 16 : i32
        %div3A_1041 = arith.divsi %scan3A_660#7, %jit3A_1040 : i32
        %sign3A_1042 = arith.constant 0 : i32
        %sign3A_1043 = arith.cmpi sgt, %scan3A_660#7, %sign3A_1042 : i32
        %sign3A_1044 = arith.extui %sign3A_1043 : i1 to i32
        %sign3A_1045 = arith.constant 0 : i32
        %sign3A_1046 = arith.cmpi slt, %scan3A_660#7, %sign3A_1045 : i32
        %sign3A_1047 = arith.extui %sign3A_1046 : i1 to i32
        %sign3A_1048 = arith.subi %sign3A_1044, %sign3A_1047 : i32
        %sign3A_1049 = arith.constant 0 : i32
        %sign3A_1050 = arith.cmpi sgt, %jit3A_1040, %sign3A_1049 : i32
        %sign3A_1051 = arith.extui %sign3A_1050 : i1 to i32
        %sign3A_1052 = arith.constant 0 : i32
        %sign3A_1053 = arith.cmpi slt, %jit3A_1040, %sign3A_1052 : i32
        %sign3A_1054 = arith.extui %sign3A_1053 : i1 to i32
        %sign3A_1055 = arith.subi %sign3A_1051, %sign3A_1054 : i32
        %ne3A_1056 = arith.cmpi ne, %sign3A_1048, %sign3A_1055 : i32
        %rem3A_1057 = arith.remsi %scan3A_660#7, %jit3A_1040 : i32
        %ne3A_1058 = arith.constant 0 : i32
        %ne3A_1059 = arith.cmpi ne, %rem3A_1057, %ne3A_1058 : i32
        %and3A_1060 = arith.andi %ne3A_1056, %ne3A_1059 : i1
        %sub3A_1061 = arith.constant 1 : i32
        %sub3A_1062 = arith.subi %div3A_1041, %sub3A_1061 : i32
        %select_n3A_1063 = arith.select %and3A_1060, %sub3A_1062, %div3A_1041 : i32
        %add3A_1064 = arith.constant 1 : i32
        %add3A_1065 = arith.addi %select_n3A_1063, %add3A_1064 : i32
        %while3A_1066 = arith.constant 0 : i32
        %while3A_1067 = arith.subi %add3A_1065, %while3A_1066 : i32
        %while3A_1068 = arith.addi %while3A_1066, %while3A_1067 : i32
        %while3A_1069 = arith.constant 1 : i32
        %while3A_1070 = arith.divsi %while3A_1067, %while3A_1069 : i32
        %while3A_1071 = arith.muli %while3A_1070, %while3A_1069 : i32
        %while3A_1072 = arith.addi %while3A_1066, %while3A_1071 : i32
        %while3A_1073 = arith.constant 1 : i32
        %while3A_1074:2 = scf.for %while3A_1134 = %while3A_1066 to %while3A_1072 step %while3A_1073 iter_args(%while3A_1135 = %while3A_1039#0, %while3A_1136 = %while3A_1039#1) -> (vector<16xf32>, vector<16xi32>)  : i32 {
          %mul3A_1137 = arith.constant 16 : i32
          %mul3A_1138 = arith.muli %while3A_1134, %mul3A_1137 : i32
          %add3A_1139 = arith.constant 3696 : i32
          %add3A_1140 = arith.addi %add3A_1139, %mul3A_1138 : i32
          %get3A = arith.index_cast %add3A_1140 : i32 to index
          %get3A_1141 = tpu.vector_load %arg12[%get3A] {strides = array<i32>} : memref<4224xf32, #tpu.memory_space<vmem>>, vector<16xf32>,
          %mul3A_1142 = arith.constant 16 : i32
          %mul3A_1143 = arith.muli %while3A_1134, %mul3A_1142 : i32
          %add3A_1144 = arith.constant 3696 : i32
          %add3A_1145 = arith.addi %add3A_1144, %mul3A_1143 : i32
          %get3A_1146 = arith.index_cast %add3A_1145 : i32 to index
          %get3A_1147 = tpu.vector_load %arg13[%get3A_1146] {strides = array<i32>} : memref<4224xi32, #tpu.memory_space<vmem>>, vector<16xi32>,
          %masked_sort3A = arith.constant dense<true> : vector<16xi1>
          %masked_sort3A_1148, %masked_sort3A_1149, %masked_sort3A_1150 = tpu.sort %get3A_1141, %get3A_1147 masked %masked_sort3A {descending = true} : (vector<16xf32>, vector<16xi32>, vector<16xi1>) -> (vector<16xi1>, vector<16xf32>, vector<16xi32>)
          %lt3A_1151 = arith.cmpf olt, %masked_sort3A_1149, %while3A_1135 : vector<16xf32>
          %select_n3A_1152 = arith.select %lt3A_1151, %masked_sort3A_1149, %while3A_1135 : vector<16xi1>, vector<16xf32>
          %select_n3A_1153 = arith.select %lt3A_1151, %masked_sort3A_1150, %while3A_1136 : vector<16xi1>, vector<16xi32>
          %masked_sort3A_1154 = arith.constant dense<true> : vector<16xi1>
          %masked_sort3A_1155, %masked_sort3A_1156, %masked_sort3A_1157 = tpu.sort %select_n3A_1152, %select_n3A_1153 masked %masked_sort3A_1154 : (vector<16xf32>, vector<16xi32>, vector<16xi1>) -> (vector<16xi1>, vector<16xf32>, vector<16xi32>)
          scf.yield %masked_sort3A_1156, %masked_sort3A_1157 : vector<16xf32>, vector<16xi32>
        }
        %while3A_1075 = arith.constant 1 : i32
        %while3A_1076:2 = scf.for %while3A_1134 = %while3A_1072 to %while3A_1068 step %while3A_1075 iter_args(%while3A_1135 = %while3A_1074#0, %while3A_1136 = %while3A_1074#1) -> (vector<16xf32>, vector<16xi32>)  : i32 {
          %mul3A_1137 = arith.constant 16 : i32
          %mul3A_1138 = arith.muli %while3A_1134, %mul3A_1137 : i32
          %add3A_1139 = arith.constant 3696 : i32
          %add3A_1140 = arith.addi %add3A_1139, %mul3A_1138 : i32
          %get3A = arith.index_cast %add3A_1140 : i32 to index
          %get3A_1141 = tpu.vector_load %arg12[%get3A] {strides = array<i32>} : memref<4224xf32, #tpu.memory_space<vmem>>, vector<16xf32>,
          %mul3A_1142 = arith.constant 16 : i32
          %mul3A_1143 = arith.muli %while3A_1134, %mul3A_1142 : i32
          %add3A_1144 = arith.constant 3696 : i32
          %add3A_1145 = arith.addi %add3A_1144, %mul3A_1143 : i32
          %get3A_1146 = arith.index_cast %add3A_1145 : i32 to index
          %get3A_1147 = tpu.vector_load %arg13[%get3A_1146] {strides = array<i32>} : memref<4224xi32, #tpu.memory_space<vmem>>, vector<16xi32>,
          %masked_sort3A = arith.constant dense<true> : vector<16xi1>
          %masked_sort3A_1148, %masked_sort3A_1149, %masked_sort3A_1150 = tpu.sort %get3A_1141, %get3A_1147 masked %masked_sort3A {descending = true} : (vector<16xf32>, vector<16xi32>, vector<16xi1>) -> (vector<16xi1>, vector<16xf32>, vector<16xi32>)
          %lt3A_1151 = arith.cmpf olt, %masked_sort3A_1149, %while3A_1135 : vector<16xf32>
          %select_n3A_1152 = arith.select %lt3A_1151, %masked_sort3A_1149, %while3A_1135 : vector<16xi1>, vector<16xf32>
          %select_n3A_1153 = arith.select %lt3A_1151, %masked_sort3A_1150, %while3A_1136 : vector<16xi1>, vector<16xi32>
          %masked_sort3A_1154 = arith.constant dense<true> : vector<16xi1>
          %masked_sort3A_1155, %masked_sort3A_1156, %masked_sort3A_1157 = tpu.sort %select_n3A_1152, %select_n3A_1153 masked %masked_sort3A_1154 : (vector<16xf32>, vector<16xi32>, vector<16xi1>) -> (vector<16xi1>, vector<16xf32>, vector<16xi32>)
          scf.yield %masked_sort3A_1156, %masked_sort3A_1157 : vector<16xf32>, vector<16xi32>
        }
        %add3A_1077 = arith.constant 1 : i32
        %add3A_1078 = arith.addi %mul3A_633, %add3A_1077 : i32
        %mul3A_1079 = arith.constant 2048 : i32
        %mul3A_1080 = arith.muli %select_n3A, %mul3A_1079 : i32
        %add3A_1081 = vector.broadcast %mul3A_1080 : i32 to vector<16xi32>
        %add3A_1082 = arith.addi %while3A_1076#1, %add3A_1081 : vector<16xi32>
        %mul3A_1083 = arith.constant 16 : i32
        %mul3A_1084 = arith.muli %add3A_1078, %mul3A_1083 : i32
        %dma_start3A_1085 = arith.constant 0 : i32
        %dma_start3A_1086 = tpu.memref_slice %arg11[%rem3A_526, %mul3A_1084, %dma_start3A_1085] : memref<2x128x256xf32, #tpu.memory_space<vmem>> -> memref<1x16x256xf32, #tpu.memory_space<vmem>>
        %dma_start3A_1087 = tpu.memref_squeeze %dma_start3A_1086 : memref<1x16x256xf32, #tpu.memory_space<vmem>> -> memref<16x256xf32, #tpu.memory_space<vmem>>
        %dma_start3A_1088 = arith.constant 0 : i32
        %dma_start3A_1089 = arith.constant 0 : i32
        %dma_start3A_1090 = tpu.memref_slice %arg4[%dma_start3A_1088, %dma_start3A_1089] : memref<8192x256xf32, #tpu.memory_space<hbm>> -> memref<8192x256xf32, #tpu.memory_space<hbm>>
        tpu.enqueue_indirect_dma source(%dma_start3A_1090 : memref<8192x256xf32, #tpu.memory_space<hbm>>) target(%dma_start3A_1087 : memref<16x256xf32, #tpu.memory_space<vmem>>) offsets(%add3A_1082 : vector<16xi32>) semaphore(%arg16 : memref<!tpu.dma_semaphore, #tpu.memory_space<semaphore_mem>>)
        %add3A_1091 = arith.constant 1 : i32
        %add3A_1092 = arith.addi %add3A_636, %add3A_1091 : i32
        %mul3A_1093 = arith.constant 2048 : i32
        %mul3A_1094 = arith.muli %select_n3A, %mul3A_1093 : i32
        %sub3A_1095 = arith.subi %add3A_1092, %mul3A_1094 : i32
        %add3A_1096 = vector.broadcast %sub3A_1095 : i32 to vector<16xi32>
        %add3A_1097 = arith.addi %broadcast_in_dim3A_21, %add3A_1096 : vector<16xi32>
        %add3A_1098 = vector.broadcast %add3A_1078 : i32 to vector<16xi32>
        %add3A_1099 = arith.addi %broadcast_in_dim3A_21, %add3A_1098 : vector<16xi32>
        %broadcast_in_dim3A_1100 = arith.constant 0 : i32
        %broadcast_in_dim3A_1101 = vector.broadcast %broadcast_in_dim3A_1100 : i32 to vector<16xi32>
        %gather3A_1102 = tpu.vector_load_idx %arg9[%broadcast_in_dim3A_1101, %add3A_1097] : memref<3x2048xf32, #tpu.memory_space<vmem>>[vector<16xi32>, vector<16xi32>], vector<16xf32>,
        %gather3A_1103 = tpu.vector_load_idx %arg9[%broadcast_in_dim3A_1101, %while3A_1076#1] : memref<3x2048xf32, #tpu.memory_space<vmem>>[vector<16xi32>, vector<16xi32>], vector<16xf32>,
        %mul3A_1104 = arith.constant 4 : i32
        %mul3A_1105 = vector.broadcast %mul3A_1104 : i32 to vector<16xi32>
        %mul3A_1106 = arith.muli %iota3A, %mul3A_1105 : vector<16xi32>
        %add3A_1107 = arith.constant 0 : i32
        %add3A_1108 = vector.broadcast %add3A_1107 : i32 to vector<16xi32>
        %add3A_1109 = arith.addi %mul3A_1106, %add3A_1108 : vector<16xi32>
        %sub3A_1110 = arith.subf %gather3A_1102, %gather3A_1103 : vector<16xf32>
        tpu.vector_store_idx %arg10[%add3A_638, %add3A_1099, %add3A_1109], %sub3A_1110 : memref<2x8x64xf32, #tpu.memory_space<vmem>>[vector<16xi32>, vector<16xi32>, vector<16xi32>], vector<16xf32>,
        %broadcast_in_dim3A_1111 = arith.constant 1 : i32
        %broadcast_in_dim3A_1112 = vector.broadcast %broadcast_in_dim3A_1111 : i32 to vector<16xi32>
        %gather3A_1113 = tpu.vector_load_idx %arg9[%broadcast_in_dim3A_1112, %add3A_1097] : memref<3x2048xf32, #tpu.memory_space<vmem>>[vector<16xi32>, vector<16xi32>], vector<16xf32>,
        %gather3A_1114 = tpu.vector_load_idx %arg9[%broadcast_in_dim3A_1112, %while3A_1076#1] : memref<3x2048xf32, #tpu.memory_space<vmem>>[vector<16xi32>, vector<16xi32>], vector<16xf32>,
        %mul3A_1115 = arith.constant 4 : i32
        %mul3A_1116 = vector.broadcast %mul3A_1115 : i32 to vector<16xi32>
        %mul3A_1117 = arith.muli %iota3A, %mul3A_1116 : vector<16xi32>
        %add3A_1118 = arith.constant 1 : i32
        %add3A_1119 = vector.broadcast %add3A_1118 : i32 to vector<16xi32>
        %add3A_1120 = arith.addi %mul3A_1117, %add3A_1119 : vector<16xi32>
        %sub3A_1121 = arith.subf %gather3A_1113, %gather3A_1114 : vector<16xf32>
        tpu.vector_store_idx %arg10[%add3A_638, %add3A_1099, %add3A_1120], %sub3A_1121 : memref<2x8x64xf32, #tpu.memory_space<vmem>>[vector<16xi32>, vector<16xi32>, vector<16xi32>], vector<16xf32>,
        %broadcast_in_dim3A_1122 = arith.constant 2 : i32
        %broadcast_in_dim3A_1123 = vector.broadcast %broadcast_in_dim3A_1122 : i32 to vector<16xi32>
        %gather3A_1124 = tpu.vector_load_idx %arg9[%broadcast_in_dim3A_1123, %add3A_1097] : memref<3x2048xf32, #tpu.memory_space<vmem>>[vector<16xi32>, vector<16xi32>], vector<16xf32>,
        %gather3A_1125 = tpu.vector_load_idx %arg9[%broadcast_in_dim3A_1123, %while3A_1076#1] : memref<3x2048xf32, #tpu.memory_space<vmem>>[vector<16xi32>, vector<16xi32>], vector<16xf32>,
        %mul3A_1126 = arith.constant 4 : i32
        %mul3A_1127 = vector.broadcast %mul3A_1126 : i32 to vector<16xi32>
        %mul3A_1128 = arith.muli %iota3A, %mul3A_1127 : vector<16xi32>
        %add3A_1129 = arith.constant 2 : i32
        %add3A_1130 = vector.broadcast %add3A_1129 : i32 to vector<16xi32>
        %add3A_1131 = arith.addi %mul3A_1128, %add3A_1130 : vector<16xi32>
        %sub3A_1132 = arith.subf %gather3A_1124, %gather3A_1125 : vector<16xf32>
        tpu.vector_store_idx %arg10[%add3A_638, %add3A_1099, %add3A_1131], %sub3A_1132 : memref<2x8x64xf32, #tpu.memory_space<vmem>>[vector<16xi32>, vector<16xi32>, vector<16xi32>], vector<16xf32>,
        %scan3A_1133 = arith.constant 0 : i32
        scf.yield %scan3A_1133 : i32
      }
      %scan3A_578 = arith.constant 4 : i32
      %dma_wait3A_579 = arith.constant 0 : i32
      %dma_wait3A_580 = arith.constant 0 : i32
      %dma_wait3A_581 = tpu.memref_slice %arg11[%rem3A_526, %dma_wait3A_579, %dma_wait3A_580] : memref<2x128x256xf32, #tpu.memory_space<vmem>> -> memref<1x128x256xf32, #tpu.memory_space<vmem>>
      %dma_wait3A_582 = tpu.memref_squeeze %dma_wait3A_581 : memref<1x128x256xf32, #tpu.memory_space<vmem>> -> memref<128x256xf32, #tpu.memory_space<vmem>>
      %dma_wait3A_583 = arith.constant 0 : i32
      %dma_wait3A_584 = arith.constant 0 : i32
      %dma_wait3A_585 = tpu.memref_slice %arg4[%dma_wait3A_583, %dma_wait3A_584] : memref<8192x256xf32, #tpu.memory_space<hbm>> -> memref<128x256xf32, #tpu.memory_space<hbm>>
      %dma_wait3A_586 = arith.constant 0 : i32
      %dma_wait3A_587 = arith.constant 0 : i32
      %dma_wait3A_588 = tpu.memref_slice %arg11[%rem3A_526, %dma_wait3A_586, %dma_wait3A_587] : memref<2x128x256xf32, #tpu.memory_space<vmem>> -> memref<1x128x256xf32, #tpu.memory_space<vmem>>
      %dma_wait3A_589 = tpu.memref_squeeze %dma_wait3A_588 : memref<1x128x256xf32, #tpu.memory_space<vmem>> -> memref<128x256xf32, #tpu.memory_space<vmem>>
      %dma_wait3A_590 = arith.constant 0 : i32
      %dma_wait3A_591 = arith.constant 0 : i32
      %dma_wait3A_592 = tpu.memref_slice %arg4[%dma_wait3A_590, %dma_wait3A_591] : memref<8192x256xf32, #tpu.memory_space<hbm>> -> memref<128x256xf32, #tpu.memory_space<hbm>>
      tpu.wait_dma2 semaphore(%arg16 : memref<!tpu.dma_semaphore, #tpu.memory_space<semaphore_mem>>) src(%dma_wait3A_592 : memref<128x256xf32, #tpu.memory_space<hbm>>) dst(%dma_wait3A_589 : memref<128x256xf32, #tpu.memory_space<vmem>>)
      %mul3A_593 = arith.constant 8 : i32
      %mul3A_594 = arith.muli %scan3A_523, %mul3A_593 : i32
      %add3A_595 = arith.addi %mul3A_2, %mul3A_594 : i32
      %mul3A_596 = arith.constant 16 : i32
      %mul3A_597 = arith.muli %add3A_595, %mul3A_596 : i32
      %dma_start3A_598 = arith.constant 0 : i32
      %dma_start3A_599 = arith.constant 0 : i32
      %dma_start3A_600 = tpu.memref_slice %arg11[%rem3A_526, %dma_start3A_598, %dma_start3A_599] : memref<2x128x256xf32, #tpu.memory_space<vmem>> -> memref<1x128x256xf32, #tpu.memory_space<vmem>>
      %dma_start3A_601 = tpu.memref_squeeze %dma_start3A_600 : memref<1x128x256xf32, #tpu.memory_space<vmem>> -> memref<128x256xf32, #tpu.memory_space<vmem>>
      %dma_start3A_602 = arith.constant 0 : i32
      %dma_start3A_603 = tpu.memref_slice %arg7[%mul3A_597, %dma_start3A_602] : memref<131072x256xf32, #tpu.memory_space<hbm>> -> memref<128x256xf32, #tpu.memory_space<hbm>>
      %dma_start3A_604 = tpu.memref_slice %arg17[%rem3A_526] : memref<2x!tpu.dma_semaphore, #tpu.memory_space<semaphore_mem>> -> memref<1x!tpu.dma_semaphore, #tpu.memory_space<semaphore_mem>>
      %dma_start3A_605 = tpu.memref_squeeze %dma_start3A_604 : memref<1x!tpu.dma_semaphore, #tpu.memory_space<semaphore_mem>> -> memref<!tpu.dma_semaphore, #tpu.memory_space<semaphore_mem>>
      %dma_start3A_606 = arith.constant 0 : i32
      %dma_start3A_607 = tpu.memref_slice %arg7[%mul3A_597, %dma_start3A_606] : memref<131072x256xf32, #tpu.memory_space<hbm>> -> memref<128x256xf32, #tpu.memory_space<hbm>>
      %dma_start3A_608 = arith.constant 0 : i32
      %dma_start3A_609 = arith.constant 0 : i32
      %dma_start3A_610 = tpu.memref_slice %arg11[%rem3A_526, %dma_start3A_608, %dma_start3A_609] : memref<2x128x256xf32, #tpu.memory_space<vmem>> -> memref<1x128x256xf32, #tpu.memory_space<vmem>>
      %dma_start3A_611 = tpu.memref_squeeze %dma_start3A_610 : memref<1x128x256xf32, #tpu.memory_space<vmem>> -> memref<128x256xf32, #tpu.memory_space<vmem>>
      tpu.enqueue_dma source(%dma_start3A_611 : memref<128x256xf32, #tpu.memory_space<vmem>>) target(%dma_start3A_607 : memref<128x256xf32, #tpu.memory_space<hbm>>) target_semaphore(%dma_start3A_605 : memref<!tpu.dma_semaphore, #tpu.memory_space<semaphore_mem>>)
      %mul3A_612 = arith.constant 8 : i32
      %mul3A_613 = arith.muli %scan3A_523, %mul3A_612 : i32
      %add3A_614 = arith.addi %mul3A_2, %mul3A_613 : i32
      %dma_start3A_615 = arith.constant 0 : i32
      %dma_start3A_616 = arith.constant 0 : i32
      %dma_start3A_617 = tpu.memref_slice %arg10[%rem3A_526, %dma_start3A_615, %dma_start3A_616] : memref<2x8x64xf32, #tpu.memory_space<vmem>> -> memref<1x8x64xf32, #tpu.memory_space<vmem>>
      %dma_start3A_618 = tpu.memref_squeeze %dma_start3A_617 : memref<1x8x64xf32, #tpu.memory_space<vmem>> -> memref<8x64xf32, #tpu.memory_space<vmem>>
      %dma_start3A_619 = arith.constant 0 : i32
      %dma_start3A_620 = tpu.memref_slice %arg6[%add3A_614, %dma_start3A_619] : memref<8192x64xf32, #tpu.memory_space<hbm>> -> memref<8x64xf32, #tpu.memory_space<hbm>>
      %dma_start3A_621 = tpu.memref_slice %arg18[%rem3A_526] : memref<2x!tpu.dma_semaphore, #tpu.memory_space<semaphore_mem>> -> memref<1x!tpu.dma_semaphore, #tpu.memory_space<semaphore_mem>>
      %dma_start3A_622 = tpu.memref_squeeze %dma_start3A_621 : memref<1x!tpu.dma_semaphore, #tpu.memory_space<semaphore_mem>> -> memref<!tpu.dma_semaphore, #tpu.memory_space<semaphore_mem>>
      %dma_start3A_623 = arith.constant 0 : i32
      %dma_start3A_624 = tpu.memref_slice %arg6[%add3A_614, %dma_start3A_623] : memref<8192x64xf32, #tpu.memory_space<hbm>> -> memref<8x64xf32, #tpu.memory_space<hbm>>
      %dma_start3A_625 = arith.constant 0 : i32
      %dma_start3A_626 = arith.constant 0 : i32
      %dma_start3A_627 = tpu.memref_slice %arg10[%rem3A_526, %dma_start3A_625, %dma_start3A_626] : memref<2x8x64xf32, #tpu.memory_space<vmem>> -> memref<1x8x64xf32, #tpu.memory_space<vmem>>
      %dma_start3A_628 = tpu.memref_squeeze %dma_start3A_627 : memref<1x8x64xf32, #tpu.memory_space<vmem>> -> memref<8x64xf32, #tpu.memory_space<vmem>>
      tpu.enqueue_dma source(%dma_start3A_628 : memref<8x64xf32, #tpu.memory_space<vmem>>) target(%dma_start3A_624 : memref<8x64xf32, #tpu.memory_space<hbm>>) target_semaphore(%dma_start3A_622 : memref<!tpu.dma_semaphore, #tpu.memory_space<semaphore_mem>>)
      %scan3A_629 = arith.constant 0 : i32
      scf.yield %scan3A_629 : i32
    }
    %scan3A_447 = arith.constant 32 : i32
    %add3A_448 = arith.constant 240 : i32
    %add3A_449 = arith.addi %mul3A_2, %add3A_448 : i32
    %mul3A_450 = arith.constant 16 : i32
    %mul3A_451 = arith.muli %add3A_449, %mul3A_450 : i32
    %dma_wait3A = arith.constant 0 : i32
    %dma_wait3A_452 = arith.constant 0 : i32
    %dma_wait3A_453 = arith.constant 0 : i32
    %dma_wait3A_454 = arith.constant 0 : i32
    %dma_wait3A_455 = tpu.memref_slice %arg11[%dma_wait3A, %dma_wait3A_453, %dma_wait3A_454] : memref<2x128x256xf32, #tpu.memory_space<vmem>> -> memref<1x128x256xf32, #tpu.memory_space<vmem>>
    %dma_wait3A_456 = tpu.memref_squeeze %dma_wait3A_455 : memref<1x128x256xf32, #tpu.memory_space<vmem>> -> memref<128x256xf32, #tpu.memory_space<vmem>>
    %dma_wait3A_457 = arith.constant 0 : i32
    %dma_wait3A_458 = tpu.memref_slice %arg7[%mul3A_451, %dma_wait3A_457] : memref<131072x256xf32, #tpu.memory_space<hbm>> -> memref<128x256xf32, #tpu.memory_space<hbm>>
    %dma_wait3A_459 = tpu.memref_slice %arg17[%dma_wait3A_452] : memref<2x!tpu.dma_semaphore, #tpu.memory_space<semaphore_mem>> -> memref<1x!tpu.dma_semaphore, #tpu.memory_space<semaphore_mem>>
    %dma_wait3A_460 = tpu.memref_squeeze %dma_wait3A_459 : memref<1x!tpu.dma_semaphore, #tpu.memory_space<semaphore_mem>> -> memref<!tpu.dma_semaphore, #tpu.memory_space<semaphore_mem>>
    %dma_wait3A_461 = arith.constant 0 : i32
    %dma_wait3A_462 = tpu.memref_slice %arg7[%mul3A_451, %dma_wait3A_461] : memref<131072x256xf32, #tpu.memory_space<hbm>> -> memref<128x256xf32, #tpu.memory_space<hbm>>
    %dma_wait3A_463 = arith.constant 0 : i32
    %dma_wait3A_464 = arith.constant 0 : i32
    %dma_wait3A_465 = tpu.memref_slice %arg11[%dma_wait3A, %dma_wait3A_463, %dma_wait3A_464] : memref<2x128x256xf32, #tpu.memory_space<vmem>> -> memref<1x128x256xf32, #tpu.memory_space<vmem>>
    %dma_wait3A_466 = tpu.memref_squeeze %dma_wait3A_465 : memref<1x128x256xf32, #tpu.memory_space<vmem>> -> memref<128x256xf32, #tpu.memory_space<vmem>>
    tpu.wait_dma2 semaphore(%dma_wait3A_460 : memref<!tpu.dma_semaphore, #tpu.memory_space<semaphore_mem>>) src(%dma_wait3A_466 : memref<128x256xf32, #tpu.memory_space<vmem>>) dst(%dma_wait3A_462 : memref<128x256xf32, #tpu.memory_space<hbm>>)
    %add3A_467 = arith.constant 240 : i32
    %add3A_468 = arith.addi %mul3A_2, %add3A_467 : i32
    %dma_wait3A_469 = arith.constant 0 : i32
    %dma_wait3A_470 = arith.constant 0 : i32
    %dma_wait3A_471 = arith.constant 0 : i32
    %dma_wait3A_472 = arith.constant 0 : i32
    %dma_wait3A_473 = tpu.memref_slice %arg10[%dma_wait3A_469, %dma_wait3A_471, %dma_wait3A_472] : memref<2x8x64xf32, #tpu.memory_space<vmem>> -> memref<1x8x64xf32, #tpu.memory_space<vmem>>
    %dma_wait3A_474 = tpu.memref_squeeze %dma_wait3A_473 : memref<1x8x64xf32, #tpu.memory_space<vmem>> -> memref<8x64xf32, #tpu.memory_space<vmem>>
    %dma_wait3A_475 = arith.constant 0 : i32
    %dma_wait3A_476 = tpu.memref_slice %arg6[%add3A_468, %dma_wait3A_475] : memref<8192x64xf32, #tpu.memory_space<hbm>> -> memref<8x64xf32, #tpu.memory_space<hbm>>
    %dma_wait3A_477 = tpu.memref_slice %arg18[%dma_wait3A_470] : memref<2x!tpu.dma_semaphore, #tpu.memory_space<semaphore_mem>> -> memref<1x!tpu.dma_semaphore, #tpu.memory_space<semaphore_mem>>
    %dma_wait3A_478 = tpu.memref_squeeze %dma_wait3A_477 : memref<1x!tpu.dma_semaphore, #tpu.memory_space<semaphore_mem>> -> memref<!tpu.dma_semaphore, #tpu.memory_space<semaphore_mem>>
    %dma_wait3A_479 = arith.constant 0 : i32
    %dma_wait3A_480 = tpu.memref_slice %arg6[%add3A_468, %dma_wait3A_479] : memref<8192x64xf32, #tpu.memory_space<hbm>> -> memref<8x64xf32, #tpu.memory_space<hbm>>
    %dma_wait3A_481 = arith.constant 0 : i32
    %dma_wait3A_482 = arith.constant 0 : i32
    %dma_wait3A_483 = tpu.memref_slice %arg10[%dma_wait3A_469, %dma_wait3A_481, %dma_wait3A_482] : memref<2x8x64xf32, #tpu.memory_space<vmem>> -> memref<1x8x64xf32, #tpu.memory_space<vmem>>
    %dma_wait3A_484 = tpu.memref_squeeze %dma_wait3A_483 : memref<1x8x64xf32, #tpu.memory_space<vmem>> -> memref<8x64xf32, #tpu.memory_space<vmem>>
    tpu.wait_dma2 semaphore(%dma_wait3A_478 : memref<!tpu.dma_semaphore, #tpu.memory_space<semaphore_mem>>) src(%dma_wait3A_484 : memref<8x64xf32, #tpu.memory_space<vmem>>) dst(%dma_wait3A_480 : memref<8x64xf32, #tpu.memory_space<hbm>>)
    %add3A_485 = arith.constant 248 : i32
    %add3A_486 = arith.addi %mul3A_2, %add3A_485 : i32
    %mul3A_487 = arith.constant 16 : i32
    %mul3A_488 = arith.muli %add3A_486, %mul3A_487 : i32
    %dma_wait3A_489 = arith.constant 1 : i32
    %dma_wait3A_490 = arith.constant 1 : i32
    %dma_wait3A_491 = arith.constant 0 : i32
    %dma_wait3A_492 = arith.constant 0 : i32
    %dma_wait3A_493 = tpu.memref_slice %arg11[%dma_wait3A_489, %dma_wait3A_491, %dma_wait3A_492] : memref<2x128x256xf32, #tpu.memory_space<vmem>> -> memref<1x128x256xf32, #tpu.memory_space<vmem>>
    %dma_wait3A_494 = tpu.memref_squeeze %dma_wait3A_493 : memref<1x128x256xf32, #tpu.memory_space<vmem>> -> memref<128x256xf32, #tpu.memory_space<vmem>>
    %dma_wait3A_495 = arith.constant 0 : i32
    %dma_wait3A_496 = tpu.memref_slice %arg7[%mul3A_488, %dma_wait3A_495] : memref<131072x256xf32, #tpu.memory_space<hbm>> -> memref<128x256xf32, #tpu.memory_space<hbm>>
    %dma_wait3A_497 = tpu.memref_slice %arg17[%dma_wait3A_490] : memref<2x!tpu.dma_semaphore, #tpu.memory_space<semaphore_mem>> -> memref<1x!tpu.dma_semaphore, #tpu.memory_space<semaphore_mem>>
    %dma_wait3A_498 = tpu.memref_squeeze %dma_wait3A_497 : memref<1x!tpu.dma_semaphore, #tpu.memory_space<semaphore_mem>> -> memref<!tpu.dma_semaphore, #tpu.memory_space<semaphore_mem>>
    %dma_wait3A_499 = arith.constant 0 : i32
    %dma_wait3A_500 = tpu.memref_slice %arg7[%mul3A_488, %dma_wait3A_499] : memref<131072x256xf32, #tpu.memory_space<hbm>> -> memref<128x256xf32, #tpu.memory_space<hbm>>
    %dma_wait3A_501 = arith.constant 0 : i32
    %dma_wait3A_502 = arith.constant 0 : i32
    %dma_wait3A_503 = tpu.memref_slice %arg11[%dma_wait3A_489, %dma_wait3A_501, %dma_wait3A_502] : memref<2x128x256xf32, #tpu.memory_space<vmem>> -> memref<1x128x256xf32, #tpu.memory_space<vmem>>
    %dma_wait3A_504 = tpu.memref_squeeze %dma_wait3A_503 : memref<1x128x256xf32, #tpu.memory_space<vmem>> -> memref<128x256xf32, #tpu.memory_space<vmem>>
    tpu.wait_dma2 semaphore(%dma_wait3A_498 : memref<!tpu.dma_semaphore, #tpu.memory_space<semaphore_mem>>) src(%dma_wait3A_504 : memref<128x256xf32, #tpu.memory_space<vmem>>) dst(%dma_wait3A_500 : memref<128x256xf32, #tpu.memory_space<hbm>>)
    %add3A_505 = arith.constant 248 : i32
    %add3A_506 = arith.addi %mul3A_2, %add3A_505 : i32
    %dma_wait3A_507 = arith.constant 1 : i32
    %dma_wait3A_508 = arith.constant 1 : i32
    %dma_wait3A_509 = arith.constant 0 : i32
    %dma_wait3A_510 = arith.constant 0 : i32
    %dma_wait3A_511 = tpu.memref_slice %arg10[%dma_wait3A_507, %dma_wait3A_509, %dma_wait3A_510] : memref<2x8x64xf32, #tpu.memory_space<vmem>> -> memref<1x8x64xf32, #tpu.memory_space<vmem>>
    %dma_wait3A_512 = tpu.memref_squeeze %dma_wait3A_511 : memref<1x8x64xf32, #tpu.memory_space<vmem>> -> memref<8x64xf32, #tpu.memory_space<vmem>>
    %dma_wait3A_513 = arith.constant 0 : i32
    %dma_wait3A_514 = tpu.memref_slice %arg6[%add3A_506, %dma_wait3A_513] : memref<8192x64xf32, #tpu.memory_space<hbm>> -> memref<8x64xf32, #tpu.memory_space<hbm>>
    %dma_wait3A_515 = tpu.memref_slice %arg18[%dma_wait3A_508] : memref<2x!tpu.dma_semaphore, #tpu.memory_space<semaphore_mem>> -> memref<1x!tpu.dma_semaphore, #tpu.memory_space<semaphore_mem>>
    %dma_wait3A_516 = tpu.memref_squeeze %dma_wait3A_515 : memref<1x!tpu.dma_semaphore, #tpu.memory_space<semaphore_mem>> -> memref<!tpu.dma_semaphore, #tpu.memory_space<semaphore_mem>>
    %dma_wait3A_517 = arith.constant 0 : i32
    %dma_wait3A_518 = tpu.memref_slice %arg6[%add3A_506, %dma_wait3A_517] : memref<8192x64xf32, #tpu.memory_space<hbm>> -> memref<8x64xf32, #tpu.memory_space<hbm>>
    %dma_wait3A_519 = arith.constant 0 : i32
    %dma_wait3A_520 = arith.constant 0 : i32
    %dma_wait3A_521 = tpu.memref_slice %arg10[%dma_wait3A_507, %dma_wait3A_519, %dma_wait3A_520] : memref<2x8x64xf32, #tpu.memory_space<vmem>> -> memref<1x8x64xf32, #tpu.memory_space<vmem>>
    %dma_wait3A_522 = tpu.memref_squeeze %dma_wait3A_521 : memref<1x8x64xf32, #tpu.memory_space<vmem>> -> memref<8x64xf32, #tpu.memory_space<vmem>>
    tpu.wait_dma2 semaphore(%dma_wait3A_516 : memref<!tpu.dma_semaphore, #tpu.memory_space<semaphore_mem>>) src(%dma_wait3A_522 : memref<8x64xf32, #tpu.memory_space<vmem>>) dst(%dma_wait3A_518 : memref<8x64xf32, #tpu.memory_space<hbm>>)
    return
  }
}

module attributes {stable_mosaic.version = 14 : i64} {
  func.func @_proj_d2_body(%arg0: i32, %arg1: i32, %arg2: memref<1x256x128xf32, #tpu.memory_space<vmem>>, %arg3: memref<1x256x8xf32, #tpu.memory_space<vmem>>, %arg4: memref<1x8x2048xf32, #tpu.memory_space<vmem>>, %arg5: memref<128x128xf32, #tpu.memory_space<vmem>>, %arg6: memref<128x128xf32, #tpu.memory_space<vmem>>, %arg7: memref<128x128xf32, #tpu.memory_space<vmem>>, %arg8: memref<1x256x2048xf32, #tpu.memory_space<vmem>>, %arg9: memref<1x256x128xf32, #tpu.memory_space<vmem>>, %arg10: memref<1x256x256xf32, #tpu.memory_space<vmem>>, %arg11: memref<1x256x8xf32, #tpu.memory_space<vmem>>) attributes {dimension_semantics = [#tpu.dimension_semantics<arbitrary>, #tpu.dimension_semantics<arbitrary>], iteration_bounds = array<i64: 4, 8>, scalar_prefetch = 0 : i64, scratch_operands = 0 : i64, tpu.core_type = #tpu.core_type<tc>, window_params = [{transform_indices = @transform_0, window_bounds = array<i64: 1, 256, 128>}, {transform_indices = @transform_1, window_bounds = array<i64: 1, 256, 8>}, {transform_indices = @transform_2, window_bounds = array<i64: 1, 8, 2048>}, {pipeline_mode = #tpu.pipeline_mode<synchronous>, transform_indices = @transform_3, window_bounds = array<i64: 128, 128>}, {pipeline_mode = #tpu.pipeline_mode<synchronous>, transform_indices = @transform_4, window_bounds = array<i64: 128, 128>}, {pipeline_mode = #tpu.pipeline_mode<synchronous>, transform_indices = @transform_5, window_bounds = array<i64: 128, 128>}, {transform_indices = @transform_6, window_bounds = array<i64: 1, 256, 2048>}, {transform_indices = @transform_7, window_bounds = array<i64: 1, 256, 128>}, {transform_indices = @transform_8, window_bounds = array<i64: 1, 256, 256>}, {transform_indices = @transform_9, window_bounds = array<i64: 1, 256, 8>}]} {
    %get3A = arith.constant 0 : index
    %get3A_0 = arith.constant 0 : index
    %get3A_1 = arith.constant 0 : index
    %get3A_2 = vector.load %arg2[%get3A, %get3A_0, %get3A_1] : memref<1x256x128xf32, #tpu.memory_space<vmem>>, vector<1x256x128xf32>
    %get3A_3 = vector.shape_cast %get3A_2 : vector<1x256x128xf32> to vector<256x128xf32>
    %get3A_4 = arith.constant 0 : index
    %get3A_5 = arith.constant 0 : index
    %get3A_6 = vector.load %arg5[%get3A_4, %get3A_5] : memref<128x128xf32, #tpu.memory_space<vmem>>, vector<128x128xf32>
    %dot_general3A = arith.constant dense<0.000000e+00> : vector<256x128xf32>
    %dot_general3A_7 = tpu.matmul %get3A_3, %get3A_6, %dot_general3A {dimension_numbers = #tpu.dot_dimension_numbers<[1], [0], [0], [1], [0, 0, 1, 1], [], []>, transpose_lhs_hint = false} : vector<256x128xf32>, vector<128x128xf32>, vector<256x128xf32> -> vector<256x128xf32>
    %swap3A = arith.constant 0 : index
    %swap3A_8 = arith.constant 0 : index
    %swap3A_9 = arith.constant 0 : index
    %swap3A_10 = vector.load %arg9[%swap3A, %swap3A_8, %swap3A_9] : memref<1x256x128xf32, #tpu.memory_space<vmem>>, vector<1x256x128xf32>
    %swap3A_11 = vector.shape_cast %swap3A_10 : vector<1x256x128xf32> to vector<256x128xf32>
    %swap3A_12 = vector.shape_cast %dot_general3A_7 : vector<256x128xf32> to vector<1x256x128xf32>
    tpu.vector_store %arg9[%swap3A, %swap3A_8, %swap3A_9], %swap3A_12 {strides = array<i32>} : memref<1x256x128xf32, #tpu.memory_space<vmem>>, vector<1x256x128xf32>,
    %get3A_13 = arith.constant 0 : index
    %get3A_14 = arith.constant 0 : index
    %get3A_15 = vector.load %arg6[%get3A_13, %get3A_14] : memref<128x128xf32, #tpu.memory_space<vmem>>, vector<128x128xf32>
    %dot_general3A_16 = arith.constant dense<0.000000e+00> : vector<256x128xf32>
    %dot_general3A_17 = tpu.matmul %get3A_3, %get3A_15, %dot_general3A_16 {dimension_numbers = #tpu.dot_dimension_numbers<[1], [0], [0], [1], [0, 0, 1, 1], [], []>, transpose_lhs_hint = false} : vector<256x128xf32>, vector<128x128xf32>, vector<256x128xf32> -> vector<256x128xf32>
    %get3A_18 = arith.constant 0 : index
    %get3A_19 = arith.constant 0 : index
    %get3A_20 = vector.load %arg7[%get3A_18, %get3A_19] : memref<128x128xf32, #tpu.memory_space<vmem>>, vector<128x128xf32>
    %dot_general3A_21 = arith.constant dense<0.000000e+00> : vector<256x128xf32>
    %dot_general3A_22 = tpu.matmul %get3A_3, %get3A_20, %dot_general3A_21 {dimension_numbers = #tpu.dot_dimension_numbers<[1], [0], [0], [1], [0, 0, 1, 1], [], []>, transpose_lhs_hint = false} : vector<256x128xf32>, vector<128x128xf32>, vector<256x128xf32> -> vector<256x128xf32>
    %concatenate3A = tpu.concatenate %dot_general3A_17, %dot_general3A_22 in 1 : vector<256x128xf32>, vector<256x128xf32> -> vector<256x256xf32>
    %swap3A_23 = arith.constant 0 : index
    %swap3A_24 = arith.constant 0 : index
    %swap3A_25 = arith.constant 0 : index
    %swap3A_26 = vector.load %arg10[%swap3A_23, %swap3A_24, %swap3A_25] : memref<1x256x256xf32, #tpu.memory_space<vmem>>, vector<1x256x256xf32>
    %swap3A_27 = vector.shape_cast %swap3A_26 : vector<1x256x256xf32> to vector<256x256xf32>
    %swap3A_28 = vector.shape_cast %concatenate3A : vector<256x256xf32> to vector<1x256x256xf32>
    tpu.vector_store %arg10[%swap3A_23, %swap3A_24, %swap3A_25], %swap3A_28 {strides = array<i32>} : memref<1x256x256xf32, #tpu.memory_space<vmem>>, vector<1x256x256xf32>,
    %get3A_29 = arith.constant 0 : index
    %get3A_30 = arith.constant 0 : index
    %get3A_31 = arith.constant 0 : index
    %get3A_32 = vector.load %arg3[%get3A_29, %get3A_30, %get3A_31] : memref<1x256x8xf32, #tpu.memory_space<vmem>>, vector<1x256x1xf32>
    %get3A_33 = vector.shape_cast %get3A_32 : vector<1x256x1xf32> to vector<256x1xf32>
    %get3A_34 = arith.constant 0 : index
    %get3A_35 = arith.constant 0 : index
    %get3A_36 = arith.constant 0 : index
    %get3A_37 = vector.load %arg4[%get3A_34, %get3A_35, %get3A_36] : memref<1x8x2048xf32, #tpu.memory_space<vmem>>, vector<1x1x2048xf32>
    %get3A_38 = vector.shape_cast %get3A_37 : vector<1x1x2048xf32> to vector<1x2048xf32>
    %sub3A = vector.broadcast %get3A_33 : vector<256x1xf32> to vector<256x2048xf32>
    %sub3A_39 = vector.broadcast %get3A_38 : vector<1x2048xf32> to vector<256x2048xf32>
    %sub3A_40 = arith.subf %sub3A, %sub3A_39 : vector<256x2048xf32>
    %mul3A = arith.mulf %sub3A_40, %sub3A_40 : vector<256x2048xf32>
    %get3A_41 = arith.constant 0 : index
    %get3A_42 = arith.constant 0 : index
    %get3A_43 = arith.constant 1 : index
    %get3A_44 = vector.load %arg3[%get3A_41, %get3A_42, %get3A_43] : memref<1x256x8xf32, #tpu.memory_space<vmem>>, vector<1x256x1xf32>
    %get3A_45 = vector.shape_cast %get3A_44 : vector<1x256x1xf32> to vector<256x1xf32>
    %get3A_46 = arith.constant 0 : index
    %get3A_47 = arith.constant 1 : index
    %get3A_48 = arith.constant 0 : index
    %get3A_49 = vector.load %arg4[%get3A_46, %get3A_47, %get3A_48] : memref<1x8x2048xf32, #tpu.memory_space<vmem>>, vector<1x1x2048xf32>
    %get3A_50 = vector.shape_cast %get3A_49 : vector<1x1x2048xf32> to vector<1x2048xf32>
    %sub3A_51 = vector.broadcast %get3A_45 : vector<256x1xf32> to vector<256x2048xf32>
    %sub3A_52 = vector.broadcast %get3A_50 : vector<1x2048xf32> to vector<256x2048xf32>
    %sub3A_53 = arith.subf %sub3A_51, %sub3A_52 : vector<256x2048xf32>
    %mul3A_54 = arith.mulf %sub3A_53, %sub3A_53 : vector<256x2048xf32>
    %add3A = arith.addf %mul3A, %mul3A_54 : vector<256x2048xf32>
    %get3A_55 = arith.constant 0 : index
    %get3A_56 = arith.constant 0 : index
    %get3A_57 = arith.constant 2 : index
    %get3A_58 = vector.load %arg3[%get3A_55, %get3A_56, %get3A_57] : memref<1x256x8xf32, #tpu.memory_space<vmem>>, vector<1x256x1xf32>
    %get3A_59 = vector.shape_cast %get3A_58 : vector<1x256x1xf32> to vector<256x1xf32>
    %get3A_60 = arith.constant 0 : index
    %get3A_61 = arith.constant 2 : index
    %get3A_62 = arith.constant 0 : index
    %get3A_63 = vector.load %arg4[%get3A_60, %get3A_61, %get3A_62] : memref<1x8x2048xf32, #tpu.memory_space<vmem>>, vector<1x1x2048xf32>
    %get3A_64 = vector.shape_cast %get3A_63 : vector<1x1x2048xf32> to vector<1x2048xf32>
    %sub3A_65 = vector.broadcast %get3A_59 : vector<256x1xf32> to vector<256x2048xf32>
    %sub3A_66 = vector.broadcast %get3A_64 : vector<1x2048xf32> to vector<256x2048xf32>
    %sub3A_67 = arith.subf %sub3A_65, %sub3A_66 : vector<256x2048xf32>
    %mul3A_68 = arith.mulf %sub3A_67, %sub3A_67 : vector<256x2048xf32>
    %add3A_69 = arith.addf %add3A, %mul3A_68 : vector<256x2048xf32>
    %swap3A_70 = arith.constant 0 : index
    %swap3A_71 = arith.constant 0 : index
    %swap3A_72 = arith.constant 0 : index
    %swap3A_73 = vector.load %arg8[%swap3A_70, %swap3A_71, %swap3A_72] : memref<1x256x2048xf32, #tpu.memory_space<vmem>>, vector<1x256x2048xf32>
    %swap3A_74 = vector.shape_cast %swap3A_73 : vector<1x256x2048xf32> to vector<256x2048xf32>
    %swap3A_75 = vector.shape_cast %add3A_69 : vector<256x2048xf32> to vector<1x256x2048xf32>
    tpu.vector_store %arg8[%swap3A_70, %swap3A_71, %swap3A_72], %swap3A_75 {strides = array<i32>} : memref<1x256x2048xf32, #tpu.memory_space<vmem>>, vector<1x256x2048xf32>,
    %slice3A = vector.extract_strided_slice %add3A_69 {offsets = [0, 0], sizes = [256, 128], strides = [1, 1]} : vector<256x2048xf32> to vector<256x128xf32>
    %slice3A_76 = vector.extract_strided_slice %add3A_69 {offsets = [0, 128], sizes = [256, 128], strides = [1, 1]} : vector<256x2048xf32> to vector<256x128xf32>
    %min3A = arith.minimumf %slice3A, %slice3A_76 : vector<256x128xf32>
    %slice3A_77 = vector.extract_strided_slice %add3A_69 {offsets = [0, 256], sizes = [256, 128], strides = [1, 1]} : vector<256x2048xf32> to vector<256x128xf32>
    %min3A_78 = arith.minimumf %min3A, %slice3A_77 : vector<256x128xf32>
    %slice3A_79 = vector.extract_strided_slice %add3A_69 {offsets = [0, 384], sizes = [256, 128], strides = [1, 1]} : vector<256x2048xf32> to vector<256x128xf32>
    %min3A_80 = arith.minimumf %min3A_78, %slice3A_79 : vector<256x128xf32>
    %slice3A_81 = vector.extract_strided_slice %add3A_69 {offsets = [0, 512], sizes = [256, 128], strides = [1, 1]} : vector<256x2048xf32> to vector<256x128xf32>
    %min3A_82 = arith.minimumf %min3A_80, %slice3A_81 : vector<256x128xf32>
    %slice3A_83 = vector.extract_strided_slice %add3A_69 {offsets = [0, 640], sizes = [256, 128], strides = [1, 1]} : vector<256x2048xf32> to vector<256x128xf32>
    %min3A_84 = arith.minimumf %min3A_82, %slice3A_83 : vector<256x128xf32>
    %slice3A_85 = vector.extract_strided_slice %add3A_69 {offsets = [0, 768], sizes = [256, 128], strides = [1, 1]} : vector<256x2048xf32> to vector<256x128xf32>
    %min3A_86 = arith.minimumf %min3A_84, %slice3A_85 : vector<256x128xf32>
    %slice3A_87 = vector.extract_strided_slice %add3A_69 {offsets = [0, 896], sizes = [256, 128], strides = [1, 1]} : vector<256x2048xf32> to vector<256x128xf32>
    %min3A_88 = arith.minimumf %min3A_86, %slice3A_87 : vector<256x128xf32>
    %slice3A_89 = vector.extract_strided_slice %add3A_69 {offsets = [0, 1024], sizes = [256, 128], strides = [1, 1]} : vector<256x2048xf32> to vector<256x128xf32>
    %min3A_90 = arith.minimumf %min3A_88, %slice3A_89 : vector<256x128xf32>
    %slice3A_91 = vector.extract_strided_slice %add3A_69 {offsets = [0, 1152], sizes = [256, 128], strides = [1, 1]} : vector<256x2048xf32> to vector<256x128xf32>
    %min3A_92 = arith.minimumf %min3A_90, %slice3A_91 : vector<256x128xf32>
    %slice3A_93 = vector.extract_strided_slice %add3A_69 {offsets = [0, 1280], sizes = [256, 128], strides = [1, 1]} : vector<256x2048xf32> to vector<256x128xf32>
    %min3A_94 = arith.minimumf %min3A_92, %slice3A_93 : vector<256x128xf32>
    %slice3A_95 = vector.extract_strided_slice %add3A_69 {offsets = [0, 1408], sizes = [256, 128], strides = [1, 1]} : vector<256x2048xf32> to vector<256x128xf32>
    %min3A_96 = arith.minimumf %min3A_94, %slice3A_95 : vector<256x128xf32>
    %slice3A_97 = vector.extract_strided_slice %add3A_69 {offsets = [0, 1536], sizes = [256, 128], strides = [1, 1]} : vector<256x2048xf32> to vector<256x128xf32>
    %min3A_98 = arith.minimumf %min3A_96, %slice3A_97 : vector<256x128xf32>
    %slice3A_99 = vector.extract_strided_slice %add3A_69 {offsets = [0, 1664], sizes = [256, 128], strides = [1, 1]} : vector<256x2048xf32> to vector<256x128xf32>
    %min3A_100 = arith.minimumf %min3A_98, %slice3A_99 : vector<256x128xf32>
    %slice3A_101 = vector.extract_strided_slice %add3A_69 {offsets = [0, 1792], sizes = [256, 128], strides = [1, 1]} : vector<256x2048xf32> to vector<256x128xf32>
    %min3A_102 = arith.minimumf %min3A_100, %slice3A_101 : vector<256x128xf32>
    %slice3A_103 = vector.extract_strided_slice %add3A_69 {offsets = [0, 1920], sizes = [256, 128], strides = [1, 1]} : vector<256x2048xf32> to vector<256x128xf32>
    %min3A_104 = arith.minimumf %min3A_102, %slice3A_103 : vector<256x128xf32>
    %roll3A = arith.constant 16 : i32
    %roll3A_105 = tpu.dynamic_rotate %min3A_104 by %roll3A dim 1 : vector<256x128xf32>, i32 -> vector<256x128xf32>
    %min3A_106 = arith.minimumf %min3A_104, %roll3A_105 : vector<256x128xf32>
    %roll3A_107 = arith.constant 32 : i32
    %roll3A_108 = tpu.dynamic_rotate %min3A_106 by %roll3A_107 dim 1 : vector<256x128xf32>, i32 -> vector<256x128xf32>
    %min3A_109 = arith.minimumf %min3A_106, %roll3A_108 : vector<256x128xf32>
    %roll3A_110 = arith.constant 64 : i32
    %roll3A_111 = tpu.dynamic_rotate %min3A_109 by %roll3A_110 dim 1 : vector<256x128xf32>, i32 -> vector<256x128xf32>
    %min3A_112 = arith.minimumf %min3A_109, %roll3A_111 : vector<256x128xf32>
    %roll3A_113 = arith.constant 1 : i32
    %roll3A_114 = tpu.dynamic_rotate %min3A_112 by %roll3A_113 dim 1 : vector<256x128xf32>, i32 -> vector<256x128xf32>
    %max3A = arith.maximumf %min3A_112, %roll3A_114 : vector<256x128xf32>
    %roll3A_115 = arith.constant 2 : i32
    %roll3A_116 = tpu.dynamic_rotate %max3A by %roll3A_115 dim 1 : vector<256x128xf32>, i32 -> vector<256x128xf32>
    %max3A_117 = arith.maximumf %max3A, %roll3A_116 : vector<256x128xf32>
    %roll3A_118 = arith.constant 4 : i32
    %roll3A_119 = tpu.dynamic_rotate %max3A_117 by %roll3A_118 dim 1 : vector<256x128xf32>, i32 -> vector<256x128xf32>
    %max3A_120 = arith.maximumf %max3A_117, %roll3A_119 : vector<256x128xf32>
    %roll3A_121 = arith.constant 8 : i32
    %roll3A_122 = tpu.dynamic_rotate %max3A_120 by %roll3A_121 dim 1 : vector<256x128xf32>, i32 -> vector<256x128xf32>
    %max3A_123 = arith.maximumf %max3A_120, %roll3A_122 : vector<256x128xf32>
    %slice3A_124 = vector.extract_strided_slice %max3A_123 {offsets = [0, 0], sizes = [256, 8], strides = [1, 1]} : vector<256x128xf32> to vector<256x8xf32>
    %swap3A_125 = arith.constant 0 : index
    %swap3A_126 = arith.constant 0 : index
    %swap3A_127 = arith.constant 0 : index
    %swap3A_128 = vector.load %arg11[%swap3A_125, %swap3A_126, %swap3A_127] : memref<1x256x8xf32, #tpu.memory_space<vmem>>, vector<1x256x8xf32>
    %swap3A_129 = vector.shape_cast %swap3A_128 : vector<1x256x8xf32> to vector<256x8xf32>
    %swap3A_130 = vector.shape_cast %slice3A_124 : vector<256x8xf32> to vector<1x256x8xf32>
    tpu.vector_store %arg11[%swap3A_125, %swap3A_126, %swap3A_127], %swap3A_130 {strides = array<i32>} : memref<1x256x8xf32, #tpu.memory_space<vmem>>, vector<1x256x8xf32>,
    return
  }
  func.func @transform_0(%arg0: i32, %arg1: i32) -> (i32, i32, i32) {
    %c0_i32 = arith.constant 0 : i32
    %c0_i32_0 = arith.constant 0 : i32
    return %arg0, %arg1, %c0_i32 : i32, i32, i32
  }
  func.func @transform_1(%arg0: i32, %arg1: i32) -> (i32, i32, i32) {
    %c0_i32 = arith.constant 0 : i32
    %c0_i32_0 = arith.constant 0 : i32
    return %arg0, %arg1, %c0_i32 : i32, i32, i32
  }
  func.func @transform_2(%arg0: i32, %arg1: i32) -> (i32, i32, i32) {
    %c0_i32 = arith.constant 0 : i32
    %c0_i32_0 = arith.constant 0 : i32
    %c0_i32_1 = arith.constant 0 : i32
    return %arg0, %c0_i32, %c0_i32_0 : i32, i32, i32
  }
  func.func @transform_3(%arg0: i32, %arg1: i32) -> (i32, i32) {
    %c0_i32 = arith.constant 0 : i32
    %c0_i32_0 = arith.constant 0 : i32
    %c0_i32_1 = arith.constant 0 : i32
    return %c0_i32, %c0_i32_0 : i32, i32
  }
  func.func @transform_4(%arg0: i32, %arg1: i32) -> (i32, i32) {
    %c0_i32 = arith.constant 0 : i32
    %c0_i32_0 = arith.constant 0 : i32
    %c0_i32_1 = arith.constant 0 : i32
    return %c0_i32, %c0_i32_0 : i32, i32
  }
  func.func @transform_5(%arg0: i32, %arg1: i32) -> (i32, i32) {
    %c0_i32 = arith.constant 0 : i32
    %c0_i32_0 = arith.constant 0 : i32
    %c0_i32_1 = arith.constant 0 : i32
    return %c0_i32, %c0_i32_0 : i32, i32
  }
  func.func @transform_6(%arg0: i32, %arg1: i32) -> (i32, i32, i32) {
    %c0_i32 = arith.constant 0 : i32
    %c0_i32_0 = arith.constant 0 : i32
    return %arg0, %arg1, %c0_i32 : i32, i32, i32
  }
  func.func @transform_7(%arg0: i32, %arg1: i32) -> (i32, i32, i32) {
    %c0_i32 = arith.constant 0 : i32
    %c0_i32_0 = arith.constant 0 : i32
    return %arg0, %arg1, %c0_i32 : i32, i32, i32
  }
  func.func @transform_8(%arg0: i32, %arg1: i32) -> (i32, i32, i32) {
    %c0_i32 = arith.constant 0 : i32
    %c0_i32_0 = arith.constant 0 : i32
    return %arg0, %arg1, %c0_i32 : i32, i32, i32
  }
  func.func @transform_9(%arg0: i32, %arg1: i32) -> (i32, i32, i32) {
    %c0_i32 = arith.constant 0 : i32
    %c0_i32_0 = arith.constant 0 : i32
    return %arg0, %arg1, %c0_i32 : i32, i32, i32
  }
}

module attributes {stable_mosaic.version = 14 : i64} {
  func.func @_attn_body(%arg0: i32, %arg1: i32, %arg2: memref<1x128x128xf32, #tpu.memory_space<vmem>>, %arg3: memref<1x2048x256xf32, #tpu.memory_space<vmem>>, %arg4: memref<1x2048x4xf32, #tpu.memory_space<vmem>>, %arg5: memref<8x16xf32, #tpu.memory_space<vmem>>, %arg6: memref<1x16xf32, #tpu.memory_space<vmem>>, %arg7: memref<1x16xf32, #tpu.memory_space<vmem>>, %arg8: memref<1x16xf32, #tpu.memory_space<vmem>>, %arg9: memref<16x128xf32, #tpu.memory_space<vmem>>, %arg10: memref<16x128xf32, #tpu.memory_space<vmem>>, %arg11: memref<1x128xf32, #tpu.memory_space<vmem>>, %arg12: memref<1x128xf32, #tpu.memory_space<vmem>>, %arg13: memref<1x128xf32, #tpu.memory_space<vmem>>, %arg14: memref<1x128xf32, #tpu.memory_space<vmem>>, %arg15: memref<128x128xf32, #tpu.memory_space<vmem>>, %arg16: memref<1x128xf32, #tpu.memory_space<vmem>>, %arg17: memref<1x128x128xf32, #tpu.memory_space<vmem>>) attributes {dimension_semantics = [#tpu.dimension_semantics<arbitrary>, #tpu.dimension_semantics<arbitrary>], iteration_bounds = array<i64: 4, 16>, scalar_prefetch = 0 : i64, scratch_operands = 0 : i64, tpu.core_type = #tpu.core_type<tc>, window_params = [{transform_indices = @transform_0, window_bounds = array<i64: 1, 128, 128>}, {transform_indices = @transform_1, window_bounds = array<i64: 1, 2048, 256>}, {transform_indices = @transform_2, window_bounds = array<i64: 1, 2048, 4>}, {pipeline_mode = #tpu.pipeline_mode<synchronous>, transform_indices = @transform_3, window_bounds = array<i64: 8, 16>}, {pipeline_mode = #tpu.pipeline_mode<synchronous>, transform_indices = @transform_4, window_bounds = array<i64: 1, 16>}, {pipeline_mode = #tpu.pipeline_mode<synchronous>, transform_indices = @transform_5, window_bounds = array<i64: 1, 16>}, {pipeline_mode = #tpu.pipeline_mode<synchronous>, transform_indices = @transform_6, window_bounds = array<i64: 1, 16>}, {pipeline_mode = #tpu.pipeline_mode<synchronous>, transform_indices = @transform_7, window_bounds = array<i64: 16, 128>}, {pipeline_mode = #tpu.pipeline_mode<synchronous>, transform_indices = @transform_8, window_bounds = array<i64: 16, 128>}, {pipeline_mode = #tpu.pipeline_mode<synchronous>, transform_indices = @transform_9, window_bounds = array<i64: 1, 128>}, {pipeline_mode = #tpu.pipeline_mode<synchronous>, transform_indices = @transform_10, window_bounds = array<i64: 1, 128>}, {pipeline_mode = #tpu.pipeline_mode<synchronous>, transform_indices = @transform_11, window_bounds = array<i64: 1, 128>}, {pipeline_mode = #tpu.pipeline_mode<synchronous>, transform_indices = @transform_12, window_bounds = array<i64: 1, 128>}, {pipeline_mode = #tpu.pipeline_mode<synchronous>, transform_indices = @transform_13, window_bounds = array<i64: 128, 128>}, {pipeline_mode = #tpu.pipeline_mode<synchronous>, transform_indices = @transform_14, window_bounds = array<i64: 1, 128>}, {transform_indices = @transform_15, window_bounds = array<i64: 1, 128, 128>}]} {
    %get3A = arith.constant 0 : index
    %get3A_0 = arith.constant 0 : index
    %get3A_1 = arith.constant 0 : index
    %get3A_2 = vector.load %arg4[%get3A, %get3A_0, %get3A_1] : memref<1x2048x4xf32, #tpu.memory_space<vmem>>, vector<1x2048x4xf32>
    %get3A_3 = vector.shape_cast %get3A_2 : vector<1x2048x4xf32> to vector<2048x4xf32>
    %get3A_4 = arith.constant 0 : index
    %get3A_5 = arith.constant 0 : index
    %get3A_6 = vector.load %arg6[%get3A_4, %get3A_5] : memref<1x16xf32, #tpu.memory_space<vmem>>, vector<1x16xf32>
    %slice3A = vector.extract_strided_slice %get3A_3 {offsets = [0, 0], sizes = [2048, 1], strides = [1, 1]} : vector<2048x4xf32> to vector<2048x1xf32>
    %get3A_7 = arith.constant 0 : index
    %get3A_8 = arith.constant 0 : index
    %get3A_9 = vector.load %arg5[%get3A_7, %get3A_8] : memref<8x16xf32, #tpu.memory_space<vmem>>, vector<1x16xf32>
    %mul3A = vector.broadcast %slice3A : vector<2048x1xf32> to vector<2048x16xf32>
    %mul3A_10 = vector.broadcast %get3A_9 : vector<1x16xf32> to vector<2048x16xf32>
    %mul3A_11 = arith.mulf %mul3A, %mul3A_10 : vector<2048x16xf32>
    %add3A = vector.broadcast %get3A_6 : vector<1x16xf32> to vector<2048x16xf32>
    %add3A_12 = arith.addf %add3A, %mul3A_11 : vector<2048x16xf32>
    %slice3A_13 = vector.extract_strided_slice %get3A_3 {offsets = [0, 1], sizes = [2048, 1], strides = [1, 1]} : vector<2048x4xf32> to vector<2048x1xf32>
    %get3A_14 = arith.constant 1 : index
    %get3A_15 = arith.constant 0 : index
    %get3A_16 = vector.load %arg5[%get3A_14, %get3A_15] : memref<8x16xf32, #tpu.memory_space<vmem>>, vector<1x16xf32>
    %mul3A_17 = vector.broadcast %slice3A_13 : vector<2048x1xf32> to vector<2048x16xf32>
    %mul3A_18 = vector.broadcast %get3A_16 : vector<1x16xf32> to vector<2048x16xf32>
    %mul3A_19 = arith.mulf %mul3A_17, %mul3A_18 : vector<2048x16xf32>
    %add3A_20 = arith.addf %add3A_12, %mul3A_19 : vector<2048x16xf32>
    %slice3A_21 = vector.extract_strided_slice %get3A_3 {offsets = [0, 2], sizes = [2048, 1], strides = [1, 1]} : vector<2048x4xf32> to vector<2048x1xf32>
    %get3A_22 = arith.constant 2 : index
    %get3A_23 = arith.constant 0 : index
    %get3A_24 = vector.load %arg5[%get3A_22, %get3A_23] : memref<8x16xf32, #tpu.memory_space<vmem>>, vector<1x16xf32>
    %mul3A_25 = vector.broadcast %slice3A_21 : vector<2048x1xf32> to vector<2048x16xf32>
    %mul3A_26 = vector.broadcast %get3A_24 : vector<1x16xf32> to vector<2048x16xf32>
    %mul3A_27 = arith.mulf %mul3A_25, %mul3A_26 : vector<2048x16xf32>
    %add3A_28 = arith.addf %add3A_20, %mul3A_27 : vector<2048x16xf32>
    %slice3A_29 = vector.extract_strided_slice %add3A_28 {offsets = [0, 0], sizes = [2048, 12], strides = [1, 1]} : vector<2048x16xf32> to vector<2048x12xf32>
    %reduce_sum3A = arith.constant dense<0.000000e+00> : vector<2048xf32>
    %reduce_sum3A_30 = vector.multi_reduction <add>, %slice3A_29, %reduce_sum3A [1] : vector<2048x12xf32> to vector<2048xf32>
    %broadcast_in_dim3A = vector.shape_cast %reduce_sum3A_30 : vector<2048xf32> to vector<2048x1xf32>
    %div3A = arith.constant 1.200000e+01 : f32
    %div3A_31 = vector.broadcast %div3A : f32 to vector<2048x1xf32>
    %div3A_32 = arith.divf %broadcast_in_dim3A, %div3A_31 : vector<2048x1xf32>
    %sub3A = vector.broadcast %div3A_32 : vector<2048x1xf32> to vector<2048x12xf32>
    %sub3A_33 = arith.subf %slice3A_29, %sub3A : vector<2048x12xf32>
    %sub3A_34 = vector.broadcast %div3A_32 : vector<2048x1xf32> to vector<2048x12xf32>
    %sub3A_35 = arith.subf %slice3A_29, %sub3A_34 : vector<2048x12xf32>
    %mul3A_36 = arith.mulf %sub3A_33, %sub3A_35 : vector<2048x12xf32>
    %reduce_sum3A_37 = arith.constant dense<0.000000e+00> : vector<2048xf32>
    %reduce_sum3A_38 = vector.multi_reduction <add>, %mul3A_36, %reduce_sum3A_37 [1] : vector<2048x12xf32> to vector<2048xf32>
    %broadcast_in_dim3A_39 = vector.shape_cast %reduce_sum3A_38 : vector<2048xf32> to vector<2048x1xf32>
    %div3A_40 = arith.constant 1.200000e+01 : f32
    %div3A_41 = vector.broadcast %div3A_40 : f32 to vector<2048x1xf32>
    %div3A_42 = arith.divf %broadcast_in_dim3A_39, %div3A_41 : vector<2048x1xf32>
    %sub3A_43 = vector.broadcast %div3A_32 : vector<2048x1xf32> to vector<2048x12xf32>
    %sub3A_44 = arith.subf %slice3A_29, %sub3A_43 : vector<2048x12xf32>
    %add3A_45 = arith.constant 9.99999974E-6 : f32
    %add3A_46 = vector.broadcast %add3A_45 : f32 to vector<2048x1xf32>
    %add3A_47 = arith.addf %div3A_42, %add3A_46 : vector<2048x1xf32>
    %rsqrt3A = math.rsqrt %add3A_47 : vector<2048x1xf32>
    %mul3A_48 = vector.broadcast %rsqrt3A : vector<2048x1xf32> to vector<2048x12xf32>
    %mul3A_49 = arith.mulf %sub3A_44, %mul3A_48 : vector<2048x12xf32>
    %get3A_50 = arith.constant 0 : index
    %get3A_51 = arith.constant 0 : index
    %get3A_52 = vector.load %arg7[%get3A_50, %get3A_51] : memref<1x16xf32, #tpu.memory_space<vmem>>, vector<1x12xf32>
    %mul3A_53 = vector.broadcast %get3A_52 : vector<1x12xf32> to vector<2048x12xf32>
    %mul3A_54 = arith.mulf %mul3A_49, %mul3A_53 : vector<2048x12xf32>
    %get3A_55 = arith.constant 0 : index
    %get3A_56 = arith.constant 0 : index
    %get3A_57 = vector.load %arg8[%get3A_55, %get3A_56] : memref<1x16xf32, #tpu.memory_space<vmem>>, vector<1x12xf32>
    %add3A_58 = vector.broadcast %get3A_57 : vector<1x12xf32> to vector<2048x12xf32>
    %add3A_59 = arith.addf %mul3A_54, %add3A_58 : vector<2048x12xf32>
    %max3A = arith.constant 0.000000e+00 : f32
    %max3A_60 = vector.broadcast %max3A : f32 to vector<2048x12xf32>
    %max3A_61 = arith.maximumf %add3A_59, %max3A_60 : vector<2048x12xf32>
    %jit3A = arith.constant 0 : i32
    %convert_element_type3A = arith.sitofp %jit3A : i32 to f32
    %pad3A = vector.broadcast %convert_element_type3A : f32 to vector<2048x4xf32>
    %pad3A_62 = tpu.concatenate %max3A_61, %pad3A in 1 : vector<2048x12xf32>, vector<2048x4xf32> -> vector<2048x16xf32>
    %get3A_63 = arith.constant 0 : index
    %get3A_64 = arith.constant 0 : index
    %get3A_65 = vector.load %arg10[%get3A_63, %get3A_64] : memref<16x128xf32, #tpu.memory_space<vmem>>, vector<16x128xf32>
    %dot_general3A = arith.constant dense<0.000000e+00> : vector<2048x128xf32>
    %dot_general3A_66 = tpu.matmul %pad3A_62, %get3A_65, %dot_general3A {dimension_numbers = #tpu.dot_dimension_numbers<[1], [0], [0], [1], [0, 0, 1, 1], [], []>, transpose_lhs_hint = false} : vector<2048x16xf32>, vector<16x128xf32>, vector<2048x128xf32> -> vector<2048x128xf32>
    %get3A_67 = arith.constant 0 : index
    %get3A_68 = arith.constant 0 : index
    %get3A_69 = vector.load %arg12[%get3A_67, %get3A_68] : memref<1x128xf32, #tpu.memory_space<vmem>>, vector<1x128xf32>
    %add3A_70 = vector.broadcast %get3A_69 : vector<1x128xf32> to vector<2048x128xf32>
    %add3A_71 = arith.addf %dot_general3A_66, %add3A_70 : vector<2048x128xf32>
    %get3A_72 = arith.constant 0 : index
    %get3A_73 = arith.constant 0 : index
    %get3A_74 = arith.constant 0 : index
    %get3A_75 = vector.load %arg3[%get3A_72, %get3A_73, %get3A_74] : memref<1x2048x256xf32, #tpu.memory_space<vmem>>, vector<1x2048x256xf32>
    %get3A_76 = vector.shape_cast %get3A_75 : vector<1x2048x256xf32> to vector<2048x256xf32>
    %slice3A_77 = vector.extract_strided_slice %get3A_76 {offsets = [0, 0], sizes = [2048, 128], strides = [1, 1]} : vector<2048x256xf32> to vector<2048x128xf32>
    %slice3A_78 = vector.extract_strided_slice %get3A_76 {offsets = [0, 128], sizes = [2048, 128], strides = [1, 1]} : vector<2048x256xf32> to vector<2048x128xf32>
    %get3A_79 = arith.constant 0 : index
    %get3A_80 = arith.constant 0 : index
    %get3A_81 = arith.constant 0 : index
    %get3A_82 = vector.load %arg2[%get3A_79, %get3A_80, %get3A_81] : memref<1x128x128xf32, #tpu.memory_space<vmem>>, vector<1x128x128xf32>
    %get3A_83 = vector.shape_cast %get3A_82 : vector<1x128x128xf32> to vector<128x128xf32>
    %broadcast_in_dim3A_84 = vector.shape_cast %get3A_83 : vector<128x128xf32> to vector<128x1x128xf32>
    %broadcast_in_dim3A_85 = vector.shape_cast %broadcast_in_dim3A_84 : vector<128x1x128xf32> to vector<128x1x128xf32>
    %broadcast_in_dim3A_86 = vector.broadcast %broadcast_in_dim3A_85 : vector<128x1x128xf32> to vector<128x16x128xf32>
    %reshape3A = vector.shape_cast %broadcast_in_dim3A_86 : vector<128x16x128xf32> to vector<2048x128xf32>
    %sub3A_87 = arith.subf %reshape3A, %slice3A_77 : vector<2048x128xf32>
    %get3A_88 = arith.constant 0 : index
    %get3A_89 = arith.constant 0 : index
    %get3A_90 = vector.load %arg9[%get3A_88, %get3A_89] : memref<16x128xf32, #tpu.memory_space<vmem>>, vector<16x128xf32>
    %dot_general3A_91 = arith.constant dense<0.000000e+00> : vector<2048x128xf32>
    %dot_general3A_92 = tpu.matmul %pad3A_62, %get3A_90, %dot_general3A_91 {dimension_numbers = #tpu.dot_dimension_numbers<[1], [0], [0], [1], [0, 0, 1, 1], [], []>, transpose_lhs_hint = false} : vector<2048x16xf32>, vector<16x128xf32>, vector<2048x128xf32> -> vector<2048x128xf32>
    %add3A_93 = arith.addf %sub3A_87, %dot_general3A_92 : vector<2048x128xf32>
    %get3A_94 = arith.constant 0 : index
    %get3A_95 = arith.constant 0 : index
    %get3A_96 = vector.load %arg11[%get3A_94, %get3A_95] : memref<1x128xf32, #tpu.memory_space<vmem>>, vector<1x128xf32>
    %add3A_97 = vector.broadcast %get3A_96 : vector<1x128xf32> to vector<2048x128xf32>
    %add3A_98 = arith.addf %add3A_93, %add3A_97 : vector<2048x128xf32>
    %reduce_sum3A_99 = arith.constant dense<0.000000e+00> : vector<2048xf32>
    %reduce_sum3A_100 = vector.multi_reduction <add>, %add3A_98, %reduce_sum3A_99 [1] : vector<2048x128xf32> to vector<2048xf32>
    %broadcast_in_dim3A_101 = vector.shape_cast %reduce_sum3A_100 : vector<2048xf32> to vector<2048x1xf32>
    %div3A_102 = arith.constant 1.280000e+02 : f32
    %div3A_103 = vector.broadcast %div3A_102 : f32 to vector<2048x1xf32>
    %div3A_104 = arith.divf %broadcast_in_dim3A_101, %div3A_103 : vector<2048x1xf32>
    %sub3A_105 = vector.broadcast %div3A_104 : vector<2048x1xf32> to vector<2048x128xf32>
    %sub3A_106 = arith.subf %add3A_98, %sub3A_105 : vector<2048x128xf32>
    %sub3A_107 = vector.broadcast %div3A_104 : vector<2048x1xf32> to vector<2048x128xf32>
    %sub3A_108 = arith.subf %add3A_98, %sub3A_107 : vector<2048x128xf32>
    %mul3A_109 = arith.mulf %sub3A_106, %sub3A_108 : vector<2048x128xf32>
    %reduce_sum3A_110 = arith.constant dense<0.000000e+00> : vector<2048xf32>
    %reduce_sum3A_111 = vector.multi_reduction <add>, %mul3A_109, %reduce_sum3A_110 [1] : vector<2048x128xf32> to vector<2048xf32>
    %broadcast_in_dim3A_112 = vector.shape_cast %reduce_sum3A_111 : vector<2048xf32> to vector<2048x1xf32>
    %div3A_113 = arith.constant 1.280000e+02 : f32
    %div3A_114 = vector.broadcast %div3A_113 : f32 to vector<2048x1xf32>
    %div3A_115 = arith.divf %broadcast_in_dim3A_112, %div3A_114 : vector<2048x1xf32>
    %sub3A_116 = vector.broadcast %div3A_104 : vector<2048x1xf32> to vector<2048x128xf32>
    %sub3A_117 = arith.subf %add3A_98, %sub3A_116 : vector<2048x128xf32>
    %add3A_118 = arith.constant 9.99999974E-6 : f32
    %add3A_119 = vector.broadcast %add3A_118 : f32 to vector<2048x1xf32>
    %add3A_120 = arith.addf %div3A_115, %add3A_119 : vector<2048x1xf32>
    %rsqrt3A_121 = math.rsqrt %add3A_120 : vector<2048x1xf32>
    %mul3A_122 = vector.broadcast %rsqrt3A_121 : vector<2048x1xf32> to vector<2048x128xf32>
    %mul3A_123 = arith.mulf %sub3A_117, %mul3A_122 : vector<2048x128xf32>
    %get3A_124 = arith.constant 0 : index
    %get3A_125 = arith.constant 0 : index
    %get3A_126 = vector.load %arg13[%get3A_124, %get3A_125] : memref<1x128xf32, #tpu.memory_space<vmem>>, vector<1x128xf32>
    %mul3A_127 = vector.broadcast %get3A_126 : vector<1x128xf32> to vector<2048x128xf32>
    %mul3A_128 = arith.mulf %mul3A_123, %mul3A_127 : vector<2048x128xf32>
    %get3A_129 = arith.constant 0 : index
    %get3A_130 = arith.constant 0 : index
    %get3A_131 = vector.load %arg14[%get3A_129, %get3A_130] : memref<1x128xf32, #tpu.memory_space<vmem>>, vector<1x128xf32>
    %add3A_132 = vector.broadcast %get3A_131 : vector<1x128xf32> to vector<2048x128xf32>
    %add3A_133 = arith.addf %mul3A_128, %add3A_132 : vector<2048x128xf32>
    %max3A_134 = arith.constant 0.000000e+00 : f32
    %max3A_135 = vector.broadcast %max3A_134 : f32 to vector<2048x128xf32>
    %max3A_136 = arith.maximumf %add3A_133, %max3A_135 : vector<2048x128xf32>
    %get3A_137 = arith.constant 0 : index
    %get3A_138 = arith.constant 0 : index
    %get3A_139 = vector.load %arg15[%get3A_137, %get3A_138] : memref<128x128xf32, #tpu.memory_space<vmem>>, vector<128x128xf32>
    %dot_general3A_140 = arith.constant dense<0.000000e+00> : vector<2048x128xf32>
    %dot_general3A_141 = tpu.matmul %max3A_136, %get3A_139, %dot_general3A_140 {dimension_numbers = #tpu.dot_dimension_numbers<[1], [0], [0], [1], [0, 0, 1, 1], [], []>, transpose_lhs_hint = false} : vector<2048x128xf32>, vector<128x128xf32>, vector<2048x128xf32> -> vector<2048x128xf32>
    %get3A_142 = arith.constant 0 : index
    %get3A_143 = arith.constant 0 : index
    %get3A_144 = vector.load %arg16[%get3A_142, %get3A_143] : memref<1x128xf32, #tpu.memory_space<vmem>>, vector<1x128xf32>
    %add3A_145 = vector.broadcast %get3A_144 : vector<1x128xf32> to vector<2048x128xf32>
    %add3A_146 = arith.addf %dot_general3A_141, %add3A_145 : vector<2048x128xf32>
    %reshape3A_147 = vector.shape_cast %add3A_146 : vector<2048x128xf32> to vector<128x16x128xf32>
    %reduce_max3A = arith.constant dense<0xFF800000> : vector<128x128xf32>
    %reduce_max3A_148 = vector.multi_reduction <maximumf>, %reshape3A_147, %reduce_max3A [1] : vector<128x16x128xf32> to vector<128x128xf32>
    %broadcast_in_dim3A_149 = vector.shape_cast %reduce_max3A_148 : vector<128x128xf32> to vector<128x1x128xf32>
    %sub3A_150 = vector.broadcast %broadcast_in_dim3A_149 : vector<128x1x128xf32> to vector<128x16x128xf32>
    %sub3A_151 = arith.subf %reshape3A_147, %sub3A_150 : vector<128x16x128xf32>
    %exp3A = math.exp %sub3A_151 : vector<128x16x128xf32>
    %reduce_sum3A_152 = arith.constant dense<0.000000e+00> : vector<128x128xf32>
    %reduce_sum3A_153 = vector.multi_reduction <add>, %exp3A, %reduce_sum3A_152 [1] : vector<128x16x128xf32> to vector<128x128xf32>
    %broadcast_in_dim3A_154 = vector.shape_cast %reduce_sum3A_153 : vector<128x128xf32> to vector<128x1x128xf32>
    %div3A_155 = vector.broadcast %broadcast_in_dim3A_154 : vector<128x1x128xf32> to vector<128x16x128xf32>
    %div3A_156 = arith.divf %exp3A, %div3A_155 : vector<128x16x128xf32>
    %add3A_157 = arith.addf %slice3A_78, %add3A_71 : vector<2048x128xf32>
    %reshape3A_158 = vector.shape_cast %add3A_157 : vector<2048x128xf32> to vector<128x16x128xf32>
    %mul3A_159 = arith.mulf %div3A_156, %reshape3A_158 : vector<128x16x128xf32>
    %reduce_sum3A_160 = arith.constant dense<0.000000e+00> : vector<128x128xf32>
    %reduce_sum3A_161 = vector.multi_reduction <add>, %mul3A_159, %reduce_sum3A_160 [1] : vector<128x16x128xf32> to vector<128x128xf32>
    %swap3A = arith.constant 0 : index
    %swap3A_162 = arith.constant 0 : index
    %swap3A_163 = arith.constant 0 : index
    %swap3A_164 = vector.load %arg17[%swap3A, %swap3A_162, %swap3A_163] : memref<1x128x128xf32, #tpu.memory_space<vmem>>, vector<1x128x128xf32>
    %swap3A_165 = vector.shape_cast %swap3A_164 : vector<1x128x128xf32> to vector<128x128xf32>
    %swap3A_166 = vector.shape_cast %reduce_sum3A_161 : vector<128x128xf32> to vector<1x128x128xf32>
    tpu.vector_store %arg17[%swap3A, %swap3A_162, %swap3A_163], %swap3A_166 {strides = array<i32>} : memref<1x128x128xf32, #tpu.memory_space<vmem>>, vector<1x128x128xf32>,
    return
  }
  func.func @transform_0(%arg0: i32, %arg1: i32) -> (i32, i32, i32) {
    %c0_i32 = arith.constant 0 : i32
    %c0_i32_0 = arith.constant 0 : i32
    return %arg0, %arg1, %c0_i32 : i32, i32, i32
  }
  func.func @transform_1(%arg0: i32, %arg1: i32) -> (i32, i32, i32) {
    %c0_i32 = arith.constant 0 : i32
    %c0_i32_0 = arith.constant 0 : i32
    return %arg0, %arg1, %c0_i32 : i32, i32, i32
  }
  func.func @transform_2(%arg0: i32, %arg1: i32) -> (i32, i32, i32) {
    %c0_i32 = arith.constant 0 : i32
    %c0_i32_0 = arith.constant 0 : i32
    return %arg0, %arg1, %c0_i32 : i32, i32, i32
  }
  func.func @transform_3(%arg0: i32, %arg1: i32) -> (i32, i32) {
    %c0_i32 = arith.constant 0 : i32
    %c0_i32_0 = arith.constant 0 : i32
    %c0_i32_1 = arith.constant 0 : i32
    return %c0_i32, %c0_i32_0 : i32, i32
  }
  func.func @transform_4(%arg0: i32, %arg1: i32) -> (i32, i32) {
    %c0_i32 = arith.constant 0 : i32
    %c0_i32_0 = arith.constant 0 : i32
    %c0_i32_1 = arith.constant 0 : i32
    return %c0_i32, %c0_i32_0 : i32, i32
  }
  func.func @transform_5(%arg0: i32, %arg1: i32) -> (i32, i32) {
    %c0_i32 = arith.constant 0 : i32
    %c0_i32_0 = arith.constant 0 : i32
    %c0_i32_1 = arith.constant 0 : i32
    return %c0_i32, %c0_i32_0 : i32, i32
  }
  func.func @transform_6(%arg0: i32, %arg1: i32) -> (i32, i32) {
    %c0_i32 = arith.constant 0 : i32
    %c0_i32_0 = arith.constant 0 : i32
    %c0_i32_1 = arith.constant 0 : i32
    return %c0_i32, %c0_i32_0 : i32, i32
  }
  func.func @transform_7(%arg0: i32, %arg1: i32) -> (i32, i32) {
    %c0_i32 = arith.constant 0 : i32
    %c0_i32_0 = arith.constant 0 : i32
    %c0_i32_1 = arith.constant 0 : i32
    return %c0_i32, %c0_i32_0 : i32, i32
  }
  func.func @transform_8(%arg0: i32, %arg1: i32) -> (i32, i32) {
    %c0_i32 = arith.constant 0 : i32
    %c0_i32_0 = arith.constant 0 : i32
    %c0_i32_1 = arith.constant 0 : i32
    return %c0_i32, %c0_i32_0 : i32, i32
  }
  func.func @transform_9(%arg0: i32, %arg1: i32) -> (i32, i32) {
    %c0_i32 = arith.constant 0 : i32
    %c0_i32_0 = arith.constant 0 : i32
    %c0_i32_1 = arith.constant 0 : i32
    return %c0_i32, %c0_i32_0 : i32, i32
  }
  func.func @transform_10(%arg0: i32, %arg1: i32) -> (i32, i32) {
    %c0_i32 = arith.constant 0 : i32
    %c0_i32_0 = arith.constant 0 : i32
    %c0_i32_1 = arith.constant 0 : i32
    return %c0_i32, %c0_i32_0 : i32, i32
  }
  func.func @transform_11(%arg0: i32, %arg1: i32) -> (i32, i32) {
    %c0_i32 = arith.constant 0 : i32
    %c0_i32_0 = arith.constant 0 : i32
    %c0_i32_1 = arith.constant 0 : i32
    return %c0_i32, %c0_i32_0 : i32, i32
  }
  func.func @transform_12(%arg0: i32, %arg1: i32) -> (i32, i32) {
    %c0_i32 = arith.constant 0 : i32
    %c0_i32_0 = arith.constant 0 : i32
    %c0_i32_1 = arith.constant 0 : i32
    return %c0_i32, %c0_i32_0 : i32, i32
  }
  func.func @transform_13(%arg0: i32, %arg1: i32) -> (i32, i32) {
    %c0_i32 = arith.constant 0 : i32
    %c0_i32_0 = arith.constant 0 : i32
    %c0_i32_1 = arith.constant 0 : i32
    return %c0_i32, %c0_i32_0 : i32, i32
  }
  func.func @transform_14(%arg0: i32, %arg1: i32) -> (i32, i32) {
    %c0_i32 = arith.constant 0 : i32
    %c0_i32_0 = arith.constant 0 : i32
    %c0_i32_1 = arith.constant 0 : i32
    return %c0_i32, %c0_i32_0 : i32, i32
  }
  func.func @transform_15(%arg0: i32, %arg1: i32) -> (i32, i32, i32) {
    %c0_i32 = arith.constant 0 : i32
    %c0_i32_0 = arith.constant 0 : i32
    return %arg0, %arg1, %c0_i32 : i32, i32, i32
  }
}

</mosaic_0001>

<sc_bundles>
// kernel: kernel.5.cloned.1.call-start
scs
__scs_entry_jumppad:
0x0: {  	(pc) =	sbr.rel $0x88, $3  }
0x1: {  	(tag) =	ssettag $0x0;
	lr =	simm.s32 $0x1  }
0x2: {  	[smem:$0x3F90] =	sst lr;
	_ =	strace $0xD0000000  }
0x3: {  	_ = 	snop  }
0x4: {  	_ = 	snop  }
0x5: {  	_ = 	snop  }
0x6: {  	_ = 	snop  }
0x7: {  	_ = 	snop  }
__scs_overlays_trampoline_lowered:
0x8: {  	[smem:$0x3F9F] =	sst s0  }
0x9: {  	[smem:$0x3FA0] =	sst s1  }
0xa: {  	[smem:$0x3FA1] =	sst s2  }
0xb: {  	[smem:$0x3FA2] =	sst s3  }
0xc: {  	[smem:$0x3FA3] =	sst s4  }
0xd: {  	[smem:$0x3FA4] =	sst s5  }
0xe: {  	[smem:$0x3FA5] =	sst s6  }
0xf: {  	[smem:$0x3FA6] =	sst s7  }
0x10: {  	[smem:$0x3FA7] =	sst s8  }
0x11: {  	[smem:$0x3FA8] =	sst s9;
	s0 =	simm.s32 @!p0 $0x0  }
0x12: {  	s1 =	sld [smem:$0x3F8E];
	s0 =	simm.s32 @p0 $0x1  }
0x13: {  	[smem:$0x3FA9] =	sst s0;
	s0 =	simm.s32 @!p1 $0x0  }
0x14: {  	s2 =	sld [smem:$0x3F8D];
	s0 =	simm.s32 @p1 $0x1  }
0x15: {  	[smem:$0x3FAA] =	sst s0;
	s0 =	simm.s32 @!p2 $0x0  }
0x16: {  	s3 =	sld [smem:$0x3FDB];
	s0 =	simm.s32 @p2 $0x1  }
0x17: {  	s4 =	simm.s32 $0x1BF5;
	[smem:$0x3FAC] =	sst s0  }
0x18: {  	s0 =	sld [smem:$0x3F8F];
	_ =	swait.ge [sflag:s4], $0x0  }
0x19: {  	s7 =	sld [smem:$0x3F90]  }
0x1a: {  	s8 =	sadd.s32 $0xFFFFE003, lr  }
0x1b: {  	s9 =	sadd.s32 $0xFFFFFEF7, lr;
	s5 =	simm.s32 $0xFFFFFFFF;
	p2 =	slt.u32 s8, $0xFFFFF086  }
0x1c: {  	p1 =	slt.u32 s9, $0xF7A;
	s5 =	simm.s32 @!p2 $0x0  }
0x1d: {  	s5 =	simm.s32 @p1 $0x1;
	p0 =	seq.s32 s7, s2  }
0x1e: {  	s7 =	smul.u32 @!p0 $0xF7A, s2;
	p2 =	seq.s32 @!p0 s5, $0x0  }
0x1f: {  	s9 =	smul.u32 $0xF7A, s1;
	s8 =	simm.s32 @!p0 $0x1BF5;
	p2 =	por !p2, p0  }
0x20: {  	[sflag:s8] =	ssyncset.s32 @!p0 $0xFFFFF086;
	s6 =	sadd.s32 @!p0 s3, s7;
	s7 =	simm.s32 @!p0 $0x108  }
0x21: {  	s3 =	sadd.s32 s3, s9;
	s6 =	sadd.s32 @!p0 $0x88, s6;
	s7 =	simm.s32 @p2 $0x1082  }
0x22: {  	[simem:s7], [sflag:s8] =	dma.local @!p0 [hbm:s6], $0xF7A  }
0x23: {  	s9 =	sor.u32 $0xD0000000, s2;
	s6 =	simm.s32 $0x108;
	_ =	swait.ge @!p0 [sflag:s8], $0x0  }
0x24: {  	s3 =	sadd.s32 $0x88, s3;
	s6 =	simm.s32 @!p1 $0x1082;
	[sflag:s4] =	ssyncset.s32 $0xFFFFF086  }
0x25: {  	[simem:s6], [sflag:s4] =	dma.local [hbm:s3], $0xF7A  }
0x26: {  	[smem:$0x3F90] =	sst s1;
	(tag) =	ssettag s2;
	_ =	strace s9  }
0x27: {  	s1 =	sld [smem:$0x3FA0]  }
0x28: {  	s2 =	sld [smem:$0x3FA1]  }
0x29: {  	s4 =	sld [smem:$0x3FA3]  }
0x2a: {  	p0 =	seq.s32 s5, $0x0;
	s5 =	sld [smem:$0x3FA4]  }
0x2b: {  	s6 =	sld [smem:$0x3FA5]  }
0x2c: {  	s7 =	sld [smem:$0x3FA6]  }
0x2d: {  	s3 =	simm.s32 $0x108;
	s8 =	sld [smem:$0x3FA7]  }
0x2e: {  	s3 =	simm.s32 @!p0 $0x1082;
	s9 =	sld [smem:$0x3FA8]  }
0x2f: {  	lr =	sadd.s32 s0, s3;
	s0 =	sld [smem:$0x3F9F]  }
0x30: {  	s3 =	sld [smem:$0x3FA2]  }
0x31: {  	[smem:$0x3FAB] =	sst s10  }
0x32: {  	s10 =	sld [smem:$0x3FA9];
	_ =	sdelay $0x3  }
0x33: {  	p0 =	seq.s32 s10, $0x1;
	s10 =	sld [smem:$0x3FAB];
	_ =	sdelay $0x3  }
0x34: {  	[smem:$0x3FAB] =	sst s10  }
0x35: {  	s10 =	sld [smem:$0x3FAA];
	_ =	sdelay $0x3  }
0x36: {  	p1 =	seq.s32 s10, $0x1;
	s10 =	sld [smem:$0x3FAB];
	_ =	sdelay $0x3  }
0x37: {  	[smem:$0x3FAB] =	sst s10  }
0x38: {  	s10 =	sld [smem:$0x3FAC]  }
0x39: {  	_ = 	snop;
	(pc) =	sbr.ind lr, $3  }
0x3a: {  	_ = 	snop  }
0x3b: {  	_ = 	snop  }
0x3c: {  	p2 =	seq.s32 s10, $0x1;
	s10 =	sld [smem:$0x3FAB]  }
0x3d: {  	_ =	shalt  }
0x3e: {  	_ =	shalt  }
0x3f: {  	_ =	shalt  }
0x40: {  	_ =	shalt  }
0x41: {  	_ =	shalt  }
0x42: {  	_ =	shalt  }
0x43: {  	_ =	shalt  }
0x44: {  	_ =	shalt  }
0x45: {  	_ =	shalt  }
0x46: {  	_ =	shalt  }
0x47: {  	_ =	shalt  }
0x48: {  	_ =	shalt  }
0x49: {  	_ =	shalt  }
0x4a: {  	_ =	shalt  }
0x4b: {  	_ =	shalt  }
0x4c: {  	_ =	shalt  }
0x4d: {  	_ =	shalt  }
0x4e: {  	_ =	shalt  }
0x4f: {  	_ =	shalt  }
0x50: {  	_ =	shalt  }
0x51: {  	_ =	shalt  }
0x52: {  	_ =	shalt  }
0x53: {  	_ =	shalt  }
0x54: {  	_ =	shalt  }
0x55: {  	_ =	shalt  }
0x56: {  	_ =	shalt  }
0x57: {  	_ =	shalt  }
0x58: {  	_ =	shalt  }
0x59: {  	_ =	shalt  }
0x5a: {  	_ =	shalt  }
0x5b: {  	_ =	shalt  }
0x5c: {  	_ =	shalt  }
0x5d: {  	_ =	shalt  }
0x5e: {  	_ =	shalt  }
0x5f: {  	_ =	shalt  }
0x60: {  	_ =	shalt  }
0x61: {  	_ =	shalt  }
0x62: {  	_ =	shalt  }
0x63: {  	_ =	shalt  }
0x64: {  	_ =	shalt  }
0x65: {  	_ =	shalt  }
0x66: {  	_ =	shalt  }
0x67: {  	_ =	shalt  }
0x68: {  	_ =	shalt  }
0x69: {  	_ =	shalt  }
0x6a: {  	_ =	shalt  }
0x6b: {  	_ =	shalt  }
0x6c: {  	_ =	shalt  }
0x6d: {  	_ =	shalt  }
0x6e: {  	_ =	shalt  }
0x6f: {  	_ =	shalt  }
0x70: {  	_ =	shalt  }
0x71: {  	_ =	shalt  }
0x72: {  	_ =	shalt  }
0x73: {  	_ =	shalt  }
0x74: {  	_ =	shalt  }
0x75: {  	_ =	shalt  }
0x76: {  	_ =	shalt  }
0x77: {  	_ =	shalt  }
0x78: {  	_ =	shalt  }
0x79: {  	_ =	shalt  }
0x7a: {  	_ =	shalt  }
0x7b: {  	_ =	shalt  }
0x7c: {  	_ =	shalt  }
0x7d: {  	_ =	shalt  }
0x7e: {  	_ =	shalt  }
0x7f: {  	_ =	shalt  }
0x80: {  	_ =	shalt  }
0x81: {  	_ =	shalt  }
0x82: {  	_ =	shalt  }
0x83: {  	_ =	shalt  }
0x84: {  	_ =	shalt  }
0x85: {  	_ =	shalt  }
0x86: {  	_ =	shalt  }
0x87: {  	_ =	shalt  }
.Lfunc_end0:
.L_simem_size_0:
called_computation_lowered:
.L_overlay_start_0:
0x88: {  	s2 =	sld [smem:$0x3FD9]  }
0x89: {  	s3 =	sld [smem:$0x3FFE];
	_ =	sdelay $0x1  }
0x8a: {  	s1 =	srdreg.scid  }
0x8b: {  	s0 =	sand.u32 $0x1, s1  }
0x8c: {  	s17 =	sshll.u32 s0, $0xA;
	s2 =	sadd.s32 s3, s2  }
0x8d: {  	s2 =	sadd.s32 s2, s17  }
0x8e: {  	[smem:$0x3FB7] =	sst s2  }
0x8f: {  	_ = 	snop  }
0x90: {  	s2 =	sld [smem:$0x3FD0];
	(tm) =	ssettm $0x1  }
0x91: {  	s18 =	sld [smem:$0x3FFB];
	_ =	sdelay $0x3  }
0x92: {  	_ =	strace s18  }
0x93: {  	s3 =	sld [smem:$0x3FFC];
	_ =	sdelay $0x3  }
0x94: {  	_ =	strace s3  }
0x95: {  	s3 =	sld [smem:$0x3FFD];
	_ =	sdelay $0x3  }
0x96: {  	_ =	strace s3  }
0x97: {  	_ =	strace $0x8FFFFFFF  }
0x98: {  	s19 =	sld [smem:$0x3FDB];
	_ =	sdelay $0x1  }
0x99: {  	s4 =	simm.s32 $_scs_section_size  }
0x9a: {  	s5 =	simm.s32 $_size__tile_overlayer_lowered;
	s6 =	simm.s32 $_tile_overlayer_lowered  }
0x9b: {  	s22 =	simm.s32 $0x1BFF;
	s21 =	sshll.u32 s6, $0x1;
	s3 =	sadd.s32 s4, s19  }
0x9c: {  	s7 =	simm.s32 $0x0;
	s20 =	sshll.u32 s5, $0x1;
	s5 =	sadd.s32 s21, s3  }
0x9d: {  	[timem:s7], [sflag:s22] =	dma.local [hbm:s5], s20  }
0x9e: {  	_ =	swait.ge [sflag:s22], s20  }
0x9f: {  	s4 =	ssub.s32 $0x0, s20;
	[sflag:s22] =	ssyncset.done $0x0  }
0xa0: {  	[sflag:s22] =	ssyncadd.s32 s4;
	_ =	sdelay $0x1  }
0xa1: {  	s23 =	simm.s32 $0x1B8B  }
0xa2: {  	_ =	swait.ge [sflag:s23], $0x1  }
0xa3: {  	[sflag:s23] =	ssyncset.done $0x0  }
0xa4: {  	s25 =	simm.s32 $0x1B8E;
	s24 =	sld [smem:$0x3FFE];
	[sflag:s23] =	ssyncadd.s32 $0xFFFFFFFF  }
0xa5: {  	s26 =	simm.s32 $execute0_lowered;
	[smem:$0x3FD2] =	sst s25  }
0xa6: {  	s5 =	sshll.u32 s26, $0x1;
	_ =	strace $0x80000046;
	[dreg:$0x1] =	wrdreg $0xFFFFFFFF  }
0xa7: {  	s28 =	simm.s32 $_size_execute0_lowered;
	s3 =	sadd.s32 s3, s5;
	[dreg:$0x0] =	wrdreg $0x0  }
0xa8: {  	s5 =	sshll.u32 s28, $0x1;
	[dreg:$0x2] =	wrdreg s3  }
0xa9: {  	[dreg:$0x3] =	wrdreg s5  }
0xaa: {  	[dreg:$0x4] =	wrdreg $0xC0  }
0xab: {  	_ =	task [dreg:s7], $0x5FFFF  }
0xac: {  	[dreg:$0x1] =	wrdreg $0xFFFFFFFF  }
0xad: {  	[dreg:$0x0] =	wrdreg $0x60  }
0xae: {  	[dreg:$0x2] =	wrdreg s24  }
0xaf: {  	[dreg:$0x3] =	wrdreg s2  }
0xb0: {  	[dreg:$0x4] =	wrdreg $0x9  }
0xb1: {  	_ =	task.clear_ibuf [dreg:s7], $0x5FFFF;
	_ =	strace $0x90000046  }
0xb2: {  	s29 =	simm.s32 $0x9;
	_ =	strace $0x80000048  }
0xb3: {  	_ =	swait.ge [sflag:s29], $0x1  }
0xb4: {  	[sflag:s29] =	ssyncadd.s32 $0xFFFFFFFF  }
0xb5: {  	_ =	strace $0x90000048  }
0xb6: {  	_ =	sfence  }
0xb7: {  	s30 =	sld [smem:$0x0];
	_ =	sdelay $0x2  }
0xb8: {  	s31 =	sshll.u32 s1, $0xD;
	s1 =	sshrl.u32 s1, $0x2  }
0xb9: {  	s3 =	sand.u32 $0x4000, s31;
	s1 =	sadd.s32 s1, s30  }
0xba: {  	s0 =	sor.u32 s3, s0;
	s1 =	sshll.u32 s1, $0x11  }
0xbb: {  	s0 =	sor.u32 s1, s0  }
0xbc: {  	s0 =	sadd.s32 $0x8F2B, s0  }
0xbd: {  	[sflag:s0] =	ssyncadd.remote.s32 $0x1  }
0xbe: {  	_ =	sfence.sel $0xFFFF  }
0xbf: {  	[dreg:$0x0] =	wrdreg $0xFFFFFFFF;
	(pc) =	sbr.abs _section_cstart, $3  }
0xc0: {  	[dreg:$0x1] =	wrdreg $0xFFFFFFFF  }
0xc1: {  	_ =	task.clear_ibuf [dreg:s7], $0x2FFFF;
	_ =	strace $0x9FFFFFFF  }
0xc2: {  	(tm) =	ssettm $0x7FFFFFFF  }
0xc3: {  	_ =	shalt  }
tec
execute0_lowered:
.L_overlay_start_1:
0x0: {  	(tag) =	ssettag $0x1  }
0x1: {  	s0 =	rddreg [dreg:$0x0]  }
0x2: {  	s7 =	rddreg [dreg:$0x1]  }
0x3: {  	s3 =	simm.s32 $0x0;
	s1 =	stileid.u32;
	s2 =	srdreg.scid  }
0x4: {  	[smem:$0x7FF] =	sst s3;
	s1 =	sshll.u32 s1, $0x9;
	s8 =	sadd.s32 $0x5000, s0  }
0x5: {  	s6 =	sadd.s32 $0x205000, s0;
	s2 =	sand.u32 $0x1, s2;
	s5 =	sadd.s32 $0x245000, s0  }
0x6: {  	_ =	strace $0x80000047;
	s9 =	sand.u32 $0x1800, s1;
	[dreg:$0x8] =	wrdreg s5  }
0x7: {  	s30 =	ssub.s32 $0x2, s2;
	s2 =	sshll.u32 s2, $0x8;
	[dreg:$0x6] =	wrdreg s8  }
0x8: {  	s4 =	sadd.s32 s9, s0;
	s0 =	sadd.s32 $0x265000, s0;
	[dreg:$0x7] =	wrdreg s9  }
0x9: {  	s10 =	sor.u32 s2, s1;
	[dreg:$0x9] =	wrdreg s0  }
0xa: {  	s12 =	sadd.s32 $0x3000, s4;
	[dreg:$0xa] =	wrdreg s10  }
0xb: {  	s14 =	sadd.s32 $0x3080, s4;
	[dreg:$0xb] =	wrdreg s12  }
0xc: {  	s15 =	sadd.s32 $0x3100, s4;
	[dreg:$0xf] =	wrdreg s14  }
0xd: {  	s16 =	sadd.s32 $0x3180, s4;
	[dreg:$0x10] =	wrdreg s15  }
0xe: {  	s17 =	sadd.s32 $0x3200, s4;
	[dreg:$0x11] =	wrdreg s16  }
0xf: {  	s18 =	sadd.s32 $0x3280, s4;
	[dreg:$0x12] =	wrdreg s17  }
0x10: {  	s19 =	sadd.s32 $0x3300, s4;
	[dreg:$0x13] =	wrdreg s18  }
0x11: {  	s20 =	sadd.s32 $0x3380, s4;
	[dreg:$0x14] =	wrdreg s19  }
0x12: {  	s21 =	sadd.s32 $0x3400, s4;
	[dreg:$0x15] =	wrdreg s20  }
0x13: {  	s22 =	sadd.s32 $0x3480, s4;
	[dreg:$0x16] =	wrdreg s21  }
0x14: {  	s23 =	sadd.s32 $0x3500, s4;
	[dreg:$0x17] =	wrdreg s22  }
0x15: {  	s24 =	sadd.s32 $0x3580, s4;
	[dreg:$0x18] =	wrdreg s23  }
0x16: {  	s25 =	sadd.s32 $0x3600, s4;
	[dreg:$0x19] =	wrdreg s24  }
0x17: {  	s11 =	sshrl.u32 s30, $0x1;
	s26 =	sadd.s32 $0x3680, s4;
	[dreg:$0x1a] =	wrdreg s25  }
0x18: {  	s0 =	ssub.s32 s30, s11;
	s28 =	sadd.s32 $0x3700, s4;
	[dreg:$0x1b] =	wrdreg s26  }
0x19: {  	s1 =	sshll.u32 s10, $0x8;
	s29 =	sadd.s32 $0x3780, s4;
	[dreg:$0x1c] =	wrdreg s28  }
.Ltmp0:
0x1a: {  	s30 =	sshrl.u32 s10, $0x3;
	[dreg:$0x1d] =	wrdreg s29;
	(pc) =	sbr.rel .LBB2_1-.Ltmp0, $4  }
0x1b: {  	v1 =	vlaneseq.u32;
	v2 =	vimm.f32 $0.0e+00;
	s2 =	sshll.u32 s10, $0x4;
	s1 =	sadd.s32 s8, s1;
	[dreg:$0x1e] =	wrdreg s30  }
0x1c: {  	s31 =	simm.s32 $0x8000;
	vm0 =	vmmov $0xffff;
	v5 =	vshrl.u32 v1, $0x3;
	v3 =	vmul.u32 $0x4, v1;
	s13 =	sadd.s32 s7, s2;
	[dreg:$0xc] =	wrdreg s1  }
0x1d: {  	v4 =	vand.u32 $0x7, v1;
	v6 =	vor.u32 $0x8, v1;
	v5 =	vmul.u32 $0x8, v5;
	s10 =	simm.s32 $0xA000;
	s0 =	smax.u32 s0, $0x1;
	[dreg:$0xd] =	wrdreg s13  }
0x1e: {  	v0 =	vmov s9;
	v7 =	vor.u32 $0x1, v3;
	v8 =	vor.u32 $0x2, v3;
	s2 =	simm.s32 $0x0;
	s23 =	simm.s32 $0x0;
	[dreg:$0xe] =	wrdreg s0  }
.LBB2_71:
0x1f: {  	s0 =	simm.s32 $0x4  }
0x20: {  	_ =	swait.ge [sflag:s0], $0x8000  }
0x21: {  	[sflag:s0] =	ssyncset.done $0x0  }
0x22: {  	s28 =	simm.s32 $0x6;
	[sflag:s0] =	ssyncadd.s32 $0xFFFF8000  }
0x23: {  	_ =	swait.ge [sflag:s28], $0x400  }
0x24: {  	[sflag:s28] =	ssyncset.done $0x0  }
0x25: {  	s29 =	simm.s32 $0x5;
	[sflag:s28] =	ssyncadd.s32 $0xFFFFFC00  }
0x26: {  	_ =	swait.ge [sflag:s29], $0x8000  }
0x27: {  	[sflag:s29] =	ssyncset.done $0x0  }
0x28: {  	s1 =	simm.s32 $0x7;
	[sflag:s29] =	ssyncadd.s32 $0xFFFF8000  }
0x29: {  	_ =	swait.ge [sflag:s1], $0x400  }
0x2a: {  	s2 =	rddreg [dreg:$0x1f]  }
0x2b: {  	s30 =	rddreg [dreg:$0xe];
	s2 =	sadd.s32 $0x1, s2  }
0x2c: {  	p0 =	sne.s32 s2, s30  }
.Ltmp1:
0x2d: {  	_ = 	snop;
	(pc) =	sbr.rel @!p0 .LBB2_72-.Ltmp1, $3  }
0x2e: {  	_ =	sdelay $0x1  }
0x2f: {  	[sflag:s1] =	ssyncset.done $0x0  }
0x30: {  	[sflag:s1] =	ssyncadd.s32 $0xFFFFFC00  }
.LBB2_1:
0x31: {  	[dreg:$0x1f] =	wrdreg s2  }
0x32: {  	s0 =	rddreg [dreg:$0xb]  }
0x33: {  	[tilespmem:s31], [sflag:$0x8] =	stream.linear.gather [hbm4b:s0+s3], $0x180, $0x38;
	[tilespmem:$0x1D100] =	vst v63  }
0x34: {  	s20 =	rddreg [dreg:$0xf];
	s1 =	simm.s32 $0x8200  }
0x35: {  	[tilespmem:s1], [sflag:$0x8] =	stream.linear.gather [hbm4b:s20+s3], $0x180, $0x38;
	[tilespmem:$0x1D100] =	vst v63  }
0x36: {  	s21 =	rddreg [dreg:$0x10];
	s22 =	simm.s32 $0x8400  }
0x37: {  	[tilespmem:s22], [sflag:$0x8] =	stream.linear.gather [hbm4b:s21+s3], $0x180, $0x38;
	[tilespmem:$0x1D100] =	vst v63  }
0x38: {  	s24 =	rddreg [dreg:$0x11];
	s25 =	simm.s32 $0x8600  }
0x39: {  	[tilespmem:s25], [sflag:$0x8] =	stream.linear.gather [hbm4b:s24+s3], $0x180, $0x38;
	[tilespmem:$0x1D100] =	vst v63  }
0x3a: {  	s26 =	rddreg [dreg:$0x12];
	s28 =	simm.s32 $0x8800  }
0x3b: {  	[tilespmem:s28], [sflag:$0x8] =	stream.linear.gather [hbm4b:s26+s3], $0x180, $0x38;
	[tilespmem:$0x1D100] =	vst v63  }
0x3c: {  	s29 =	rddreg [dreg:$0x13];
	s30 =	simm.s32 $0x8A00  }
0x3d: {  	[tilespmem:s30], [sflag:$0x8] =	stream.linear.gather [hbm4b:s29+s3], $0x180, $0x38;
	[tilespmem:$0x1D100] =	vst v63  }
0x3e: {  	s2 =	rddreg [dreg:$0x14];
	s4 =	simm.s32 $0x8C00  }
0x3f: {  	[tilespmem:s4], [sflag:$0x8] =	stream.linear.gather [hbm4b:s2+s3], $0x180, $0x38;
	[tilespmem:$0x1D100] =	vst v63  }
0x40: {  	s5 =	rddreg [dreg:$0x15];
	s7 =	simm.s32 $0x8E00  }
0x41: {  	[tilespmem:s7], [sflag:$0x8] =	stream.linear.gather [hbm4b:s5+s3], $0x180, $0x38;
	[tilespmem:$0x1D100] =	vst v63  }
0x42: {  	s8 =	rddreg [dreg:$0x16];
	s9 =	simm.s32 $0x9000  }
0x43: {  	[tilespmem:s9], [sflag:$0x8] =	stream.linear.gather [hbm4b:s8+s3], $0x180, $0x38;
	[tilespmem:$0x1D100] =	vst v63  }
0x44: {  	s11 =	rddreg [dreg:$0x17];
	s12 =	simm.s32 $0x9200  }
0x45: {  	[tilespmem:s12], [sflag:$0x8] =	stream.linear.gather [hbm4b:s11+s3], $0x180, $0x38;
	[tilespmem:$0x1D100] =	vst v63  }
0x46: {  	s13 =	rddreg [dreg:$0x18];
	s14 =	simm.s32 $0x9400  }
0x47: {  	[tilespmem:s14], [sflag:$0x8] =	stream.linear.gather [hbm4b:s13+s3], $0x180, $0x38;
	[tilespmem:$0x1D100] =	vst v63  }
0x48: {  	s15 =	rddreg [dreg:$0x19];
	s16 =	simm.s32 $0x9600  }
0x49: {  	[tilespmem:s16], [sflag:$0x8] =	stream.linear.gather [hbm4b:s15+s3], $0x180, $0x38;
	[tilespmem:$0x1D100] =	vst v63  }
0x4a: {  	s17 =	rddreg [dreg:$0x1a];
	s18 =	simm.s32 $0x9800  }
0x4b: {  	[tilespmem:s18], [sflag:$0x8] =	stream.linear.gather [hbm4b:s17+s3], $0x180, $0x38;
	[tilespmem:$0x1D100] =	vst v63  }
0x4c: {  	s19 =	rddreg [dreg:$0x1b];
	s20 =	simm.s32 $0x9A00  }
0x4d: {  	[tilespmem:s20], [sflag:$0x8] =	stream.linear.gather [hbm4b:s19+s3], $0x180, $0x38;
	[tilespmem:$0x1D100] =	vst v63  }
0x4e: {  	s21 =	rddreg [dreg:$0x1c];
	s22 =	simm.s32 $0x9C00  }
0x4f: {  	[tilespmem:s22], [sflag:$0x8] =	stream.linear.gather [hbm4b:s21+s3], $0x180, $0x38;
	[tilespmem:$0x1D100] =	vst v63  }
0x50: {  	s24 =	rddreg [dreg:$0x1d];
	s25 =	simm.s32 $0x9E00;
	s26 =	simm.s32 $0x8  }
0x51: {  	[tilespmem:s25], [sflag:$0x8] =	stream.linear.gather [hbm4b:s24+s3], $0x180, $0x38;
	[tilespmem:$0x1D100] =	vst v63  }
0x52: {  	_ =	swait.ge [sflag:s26], $0x1800  }
0x53: {  	[sflag:s26] =	ssyncset.done $0x0  }
0x54: {  	[sflag:s26] =	ssyncadd.s32 $0xFFFFE800  }
0x55: {  	[tilespmem:$0xA000] =	vst v2  }
0x56: {  	[tilespmem:$0xA010] =	vst v2  }
0x57: {  	[tilespmem:$0xA020] =	vst v2  }
0x58: {  	[tilespmem:$0xA030] =	vst v2  }
0x59: {  	[tilespmem:$0xA080] =	vst v2  }
0x5a: {  	[tilespmem:$0xA090] =	vst v2  }
0x5b: {  	[tilespmem:$0xA0A0] =	vst v2  }
0x5c: {  	[tilespmem:$0xA0B0] =	vst v2  }
0x5d: {  	[tilespmem:$0xA100] =	vst v2  }
0x5e: {  	[tilespmem:$0xA110] =	vst v2  }
0x5f: {  	[tilespmem:$0xA120] =	vst v2  }
0x60: {  	[tilespmem:$0xA130] =	vst v2  }
0x61: {  	[tilespmem:$0xA180] =	vst v2  }
0x62: {  	[tilespmem:$0xA190] =	vst v2  }
0x63: {  	[tilespmem:$0xA1A0] =	vst v2  }
0x64: {  	[tilespmem:$0xA1B0] =	vst v2  }
0x65: {  	[tilespmem:$0xA200] =	vst v2  }
0x66: {  	[tilespmem:$0xA210] =	vst v2  }
0x67: {  	[tilespmem:$0xA220] =	vst v2  }
0x68: {  	[tilespmem:$0xA230] =	vst v2  }
0x69: {  	[tilespmem:$0xA280] =	vst v2  }
0x6a: {  	[tilespmem:$0xA290] =	vst v2  }
0x6b: {  	[tilespmem:$0xA2A0] =	vst v2  }
0x6c: {  	[tilespmem:$0xA2B0] =	vst v2  }
0x6d: {  	[tilespmem:$0xA300] =	vst v2  }
0x6e: {  	[tilespmem:$0xA310] =	vst v2  }
0x6f: {  	[tilespmem:$0xA320] =	vst v2  }
0x70: {  	[tilespmem:$0xA330] =	vst v2  }
0x71: {  	[tilespmem:$0xA380] =	vst v2  }
0x72: {  	[tilespmem:$0xA390] =	vst v2  }
0x73: {  	[tilespmem:$0xA3A0] =	vst v2  }
0x74: {  	[tilespmem:$0xA3B0] =	vst v2  }
0x75: {  	[tilespmem:$0xA400] =	vst v2  }
0x76: {  	[tilespmem:$0xA410] =	vst v2  }
0x77: {  	[tilespmem:$0xA420] =	vst v2  }
0x78: {  	[tilespmem:$0xA430] =	vst v2  }
0x79: {  	[tilespmem:$0xA480] =	vst v2  }
0x7a: {  	[tilespmem:$0xA490] =	vst v2  }
0x7b: {  	[tilespmem:$0xA4A0] =	vst v2  }
0x7c: {  	[tilespmem:$0xA4B0] =	vst v2  }
0x7d: {  	[tilespmem:$0xA500] =	vst v2  }
0x7e: {  	[tilespmem:$0xA510] =	vst v2  }
0x7f: {  	[tilespmem:$0xA520] =	vst v2  }
0x80: {  	[tilespmem:$0xA530] =	vst v2  }
0x81: {  	[tilespmem:$0xA580] =	vst v2  }
0x82: {  	[tilespmem:$0xA590] =	vst v2  }
0x83: {  	[tilespmem:$0xA5A0] =	vst v2  }
0x84: {  	[tilespmem:$0xA5B0] =	vst v2  }
0x85: {  	[tilespmem:$0xA600] =	vst v2  }
0x86: {  	[tilespmem:$0xA610] =	vst v2  }
0x87: {  	[tilespmem:$0xA620] =	vst v2  }
0x88: {  	[tilespmem:$0xA630] =	vst v2  }
0x89: {  	[tilespmem:$0xA680] =	vst v2  }
0x8a: {  	[tilespmem:$0xA690] =	vst v2  }
0x8b: {  	[tilespmem:$0xA6A0] =	vst v2  }
0x8c: {  	[tilespmem:$0xA6B0] =	vst v2  }
0x8d: {  	[tilespmem:$0xA700] =	vst v2  }
0x8e: {  	[tilespmem:$0xA710] =	vst v2  }
0x8f: {  	[tilespmem:$0xA720] =	vst v2  }
0x90: {  	[tilespmem:$0xA730] =	vst v2  }
0x91: {  	[tilespmem:$0xA780] =	vst v2  }
0x92: {  	[tilespmem:$0xA790] =	vst v2  }
.Ltmp2:
0x93: {  	[tilespmem:$0xA7A0] =	vst v2;
	(pc) =	sbr.rel .LBB2_2-.Ltmp2, $4  }
0x94: {  	s28 =	rddreg [dreg:$0xc];
	[tilespmem:$0xA7B0] =	vst v2  }
0x95: {  	[tilespmem:s3], [sflag:$0x1] =	stream.linear.gather [hbm4b:s28+s3], $0x4000, $0x38;
	[tilespmem:$0x1D100] =	vst v63  }
0x96: {  	s30 =	simm.s32 $0x1C900;
	s2 =	simm.s32 $0x0;
	s29 =	rddreg [dreg:$0xd]  }
0x97: {  	[tilespmem:s30], [sflag:$0x1] =	stream.linear.gather [hbm4b:s29+s3], $0x400, $0x38;
	[tilespmem:$0x1D100] =	vst v63  }
.LBB2_70:
0x98: {  	s1 =	simm.s32 $0x3  }
0x99: {  	_ =	swait.ge [sflag:s1], $0x8000  }
0x9a: {  	s0 =	sshll.u32 s20, $0x9;
	s26 =	sld [smem:$0x7FB]  }
0x9b: {  	s28 =	sshll.u32 s20, $0x4;
	[sflag:s1] =	ssyncset.done $0x0;
	s25 =	rddreg [dreg:$0x9]  }
0x9c: {  	s2 =	rddreg [dreg:$0x8];
	[sflag:s1] =	ssyncadd.s32 $0xFFFF8000;
	s0 =	sadd.s32 s25, s0  }
0x9d: {  	[hbm4b:s0+s3] =	stream.linear.scatter [tilespmem:s22], [sflag:s26], $0x8000, $0x38;
	[tilespmem:$0x1D100] =	vst v63  }
0x9e: {  	s0 =	sadd.s32 s2, s28;
	s2 =	sld [smem:$0x7FD];
	_ =	sdelay $0x2  }
0x9f: {  	p0 =	sne.s32 s2, $0x20  }
.Ltmp3:
0xa0: {  	_ = 	snop;
	(pc) =	sbr.rel @!p0 .LBB2_71-.Ltmp3, $3  }
0xa1: {  	s30 =	sld [smem:$0x7FC];
	_ =	sdelay $0x1  }
0xa2: {  	s29 =	sor.u32 $0xA000, s21  }
0xa3: {  	[hbm4b:s0+s3] =	stream.linear.scatter [tilespmem:s29], [sflag:s30], $0x400, $0x38;
	[tilespmem:$0x1D100] =	vst v63  }
.LBB2_2:
0xa4: {  	s1 =	sand.u32 $0x1, s2  }
0xa5: {  	s4 =	sadd.s32 $0x1, s1  }
0xa6: {  	_ =	swait.ge [sflag:s4], $0x4000  }
0xa7: {  	[sflag:s4] =	ssyncset.done $0x0  }
0xa8: {  	[sflag:s4] =	ssyncadd.s32 $0xFFFFC000  }
0xa9: {  	s7 =	sadd.s32 $0x1, s2;
	p0 =	seq.s32 s2, $0x1F;
	_ =	swait.ge [sflag:s4], $0x400  }
0xaa: {  	s5 =	sxor.u32 @!p0 $0x1, s1;
	s11 =	simm.s32 @!p0 $0x0;
	s0 =	rddreg [dreg:$0x1e]  }
0xab: {  	s9 =	sshll.u32 @!p0 s5, $0xE;
	[sflag:s4] =	ssyncset.done $0x0;
	[smem:$0x7FD] =	sst s7  }
0xac: {  	s7 =	sadd.s32 @!p0 s0, s7;
	[sflag:s4] =	ssyncadd.s32 $0xFFFFFC00;
	s4 =	sadd.s32 @!p0 $0x1, s5  }
0xad: {  	s0 =	rddreg [dreg:$0x6];
	s5 =	sshll.u32 @!p0 s5, $0xA;
	s8 =	sshll.u32 @!p0 s7, $0xB  }
0xae: {  	s7 =	sshll.u32 @!p0 s7, $0x7;
	s8 =	sadd.s32 @!p0 s0, s8;
	s0 =	rddreg [dreg:$0x1]  }
0xaf: {  	[tilespmem:s9], [sflag:s4] =	stream.linear.gather @!p0 [hbm4b:s8+s11], $0x4000, $0x38;
	[tilespmem:$0x1D100] =	vst v63  }
0xb0: {  	p1 =	slt.u32 @!p0 s2, $0x2;
	s5 =	sor.u32 @!p0 $0x1C900, s5;
	s7 =	sadd.s32 @!p0 s0, s7  }
0xb1: {  	[tilespmem:s5], [sflag:s4] =	stream.linear.gather @!p0 [hbm4b:s7+s11], $0x400, $0x38;
	[tilespmem:$0x1D100] =	vst v63  }
0xb2: {  	p0 =	por p0, !p1;
	s4 =	sor.u32 $0x4, s1  }
0xb3: {  	_ =	swait.ge @p0 [sflag:s4], $0x8000  }
0xb4: {  	s28 =	sshll.u32 s2, $0x3;
	s30 =	sshll.u32 s1, $0xE;
	[sflag:s4] =	ssyncset.done @p0 $0x0  }
.Ltmp4:
0xb5: {  	s0 =	sor.u32 $0x6, s1;
	[sflag:s4] =	ssyncadd.s32 @p0 $0xFFFF8000;
	(pc) =	sbr.rel .LBB2_3-.Ltmp4, $4  }
0xb6: {  	s24 =	simm.s32 $0x0;
	_ =	swait.ge @p0 [sflag:s0], $0x400;
	[dreg:$0x3] =	wrdreg s30  }
0xb7: {  	s21 =	sshll.u32 s1, $0xA;
	s1 =	sshll.u32 s1, $0xF;
	[smem:$0x7FB] =	sst s4  }
0xb8: {  	s22 =	sadd.s32 $0xA800, s1;
	[sflag:s0] =	ssyncset.done @p0 $0x0;
	s29 =	rddreg [dreg:$0xa]  }
0xb9: {  	[smem:$0x7FC] =	sst s0;
	[sflag:s0] =	ssyncadd.s32 @p0 $0xFFFFFC00;
	s20 =	sadd.s32 s29, s28  }
.LBB2_63:
0xba: {  	_ = 	snop  }
.LBB2_68:
0xbb: {  	v14, v15, _ =	vpop @p0 (xrf1)  }
0xbc: {  	v16, v17, _ =	vpop @p1 (xrf1)  }
0xbd: {  	v16 =	vpsel p1, v16, v11  }
0xbe: {  	v17 =	vpsel p1, v17, v10;
	vm1 =	vlt.f32 @p0 v14, v16  }
0xbf: {  	(xrf1) =	vsort.dscd.msk.f32 $0xffff, v12, v13;
	v12 =	vsel @p0 vm1, v14, v16;
	v13 =	vsel @p0 vm1, v15, v17  }
0xc0: {  	(xrf1) =	vsort.ascd.msk.f32 @p0 $0xffff, v12, v13;
	_ =	sdelay $0xc  }
0xc1: {  	v12, v13, _ =	vpop (xrf1)  }
0xc2: {  	v14, v15, _ =	vpop @p0 (xrf1)  }
0xc3: {  	v11 =	vpsel p0, v14, v11  }
0xc4: {  	v10 =	vpsel p0, v15, v10;
	vm1 =	vlt.f32 v12, v11  }
0xc5: {  	v11 =	vsel vm1, v12, v11;
	v10 =	vsel vm1, v13, v10  }
0xc6: {  	(xrf1) =	vsort.ascd.msk.f32 $0xffff, v11, v10;
	_ =	sdelay $0xd  }
0xc7: {  	v11, v10, _ =	vpop (xrf1)  }
.LBB2_69:
0xc8: {  	v11 =	vadd.s32 v0, v10  }
0xc9: {  	v11 =	vshll.u32 v11, $0x1  }
0xca: {  	v12 =	vand.u32 $0x7, v10;
	v11 =	vand.u32 $0xFFFFFFF0, v11  }
0xcb: {  	v11 =	vor.u32 v12, v11  }
0xcc: {  	v12 =	vperm.xlane v11, v4  }
0xcd: {  	s0 =	sor.u32 $0x1, s29  }
0xce: {  	v13 =	vmov s0;
	v11 =	vperm.xlane v11, v6;
	v12 =	vadd.s32 v5, v12  }
0xcf: {  	v15 =	vshll.u32 v10, $0x2;
	v14 =	vshll.u32 v13, $0x2  }
0xd0: {  	s30 =	sshll.u32 s25, $0xC;
	v13 =	vand.u32 $0x7F, v13;
	v14 =	vand.u32 $0xFFFFFE00, v14;
	v11 =	vadd.s32 v5, v11  }
0xd1: {  	v10 =	vand.u32 $0x7F, v10;
	s0 =	sand.u32 $0x3FFFF000, s30;
	v59 =	vand.u32 $0xFFFFFE00, v15;
	v13 =	vor.u32 v13, v14  }
0xd2: {  	s0 =	sadd.s32 s0, s22;
	v10 =	vor.u32 v10, v59  }
0xd3: {  	[tilespmem:s0], [sflag:$0x3] =	stream.indirect_vreg.gather [hbm4b:s6+s3], $0x80, v12, vm0, $0xb8;
	[tilespmem:$0x1D100] =	vst v63  }
0xd4: {  	s0 =	sadd.s32 $0x800, s0  }
0xd5: {  	[tilespmem:s0], [sflag:$0x3] =	stream.indirect_vreg.gather [hbm4b:s6+s3], $0x80, v11, vm0, $0xb8;
	[tilespmem:$0x1D100] =	vst v63  }
0xd6: {  	v11 =	vld.idx.msk [tilespmem:v13+s31+$0x0], $0xffff  }
0xd7: {  	v12 =	vld.idx.msk [tilespmem:v10+s31+$0x0], $0xffff;
	_ =	sdelay $0x1  }
0xd8: {  	v60 =	vor.u32 v3, v9  }
0xd9: {  	v61 =	vor.u32 $0x80, v13  }
0xda: {  	v16 =	vor.u32 $0x80, v10  }
0xdb: {  	v11 =	vsub.f32 v11, v12;
	_ =	sdelay $0x1  }
0xdc: {  	[tilespmem:v60+s10+$0x0] =	vst.idx.msk $0xffff, v11  }
0xdd: {  	v11 =	vld.idx.msk [tilespmem:v61+s31+$0x0], $0xffff  }
0xde: {  	v62 =	vld.idx.msk [tilespmem:v16+s31+$0x0], $0xffff;
	_ =	sdelay $0x1  }
0xdf: {  	v63 =	vor.u32 v7, v9  }
0xe0: {  	v13 =	vor.u32 $0x100, v13  }
0xe1: {  	v10 =	vor.u32 $0x100, v10  }
0xe2: {  	v11 =	vsub.f32 v11, v62;
	_ =	sdelay $0x1  }
0xe3: {  	[tilespmem:v63+s10+$0x0] =	vst.idx.msk $0xffff, v11  }
0xe4: {  	v11 =	vld.idx.msk [tilespmem:v13+s31+$0x0], $0xffff  }
0xe5: {  	v10 =	vld.idx.msk [tilespmem:v10+s31+$0x0], $0xffff  }
0xe6: {  	s24 =	sadd.s32 $0x1, s24  }
0xe7: {  	v9 =	vor.u32 v8, v9;
	p0 =	sne.s32 s24, $0x4  }
.Ltmp5:
0xe8: {  	_ = 	snop;
	(pc) =	sbr.rel @!p0 .LBB2_70-.Ltmp5, $3  }
0xe9: {  	_ = 	snop  }
0xea: {  	v10 =	vsub.f32 v11, v10;
	_ =	sdelay $0x1  }
0xeb: {  	[tilespmem:v9+s10+$0x0] =	vst.idx.msk $0xffff, v10  }
.LBB2_3:
0xec: {  	s1 =	sshll.u32 s24, $0xA;
	s2 =	sshll.u32 s24, $0x8  }
0xed: {  	s14 =	rddreg [dreg:$0x3];
	s1 =	sshrl.u32 s1, $0x2;
	s2 =	sadd.s32 s21, s2  }
0xee: {  	s4 =	sand.u32 $0x3C00, s23;
	[dreg:$0x4] =	wrdreg s1;
	v10 =	vmov s2  }
0xef: {  	s1 =	sadd.s32 s4, s14;
	s15 =	rddreg [dreg:$0x4]  }
0xf0: {  	s5 =	sand.u32 $0x40, s23;
	s2 =	sadd.s32 s15, s1  }
0xf1: {  	s25 =	sshllo.u32 s24, $0x1;
	s7 =	sadd.s32 s5, s2  }
0xf2: {  	s0 =	simm.s32 $0x1C900;
	s16 =	sshll.u32 s25, $0x7;
	v13 =	vld [tilespmem:s7+$0x0]  }
0xf3: {  	s4 =	sadd.s32 s21, s16;
	v12 =	vld.idx.msk [tilespmem:v10+s0+$0x0], $0xffff  }
0xf4: {  	v9 =	vmov s4;
	_ =	sdelay $0x3  }
0xf5: {  	s17 =	simm.s32 $0x10;
	vm2 =	vle.f32 v13, v12  }
0xf6: {  	s18 =	sand.u32 $0x50, s17;
	v11 =	vld.idx.msk [tilespmem:v9+s0+$0x0], $0xffff;
	[tilespmem:s23+$0x1A800] =	vst.msk vm2, v13;
	v13 =	vor.u32 s23, v1  }
0xf7: {  	s8 =	sadd.s32 s18, s2;
	[tilespmem:s23+$0x1B880] =	vst.msk vm2, v13  }
0xf8: {  	v14 =	vld [tilespmem:s8+$0x0];
	_ =	sdelay $0x4  }
0xf9: {  	s19 =	simm.s32 $0x20;
	vm1 =	vle.f32 v14, v12  }
0xfa: {  	s26 =	sand.u32 $0x60, s19;
	[tilespmem:s23+$0x1AA10] =	vst.msk vm1, v14;
	v14 =	vor.u32 s17, v1  }
0xfb: {  	s9 =	sadd.s32 s26, s2;
	[tilespmem:s23+$0x1BA90] =	vst.msk vm1, v14  }
0xfc: {  	v15 =	vld [tilespmem:s9+$0x0];
	_ =	sdelay $0x4  }
0xfd: {  	s0 =	simm.s32 $0x30;
	vm3 =	vle.f32 v15, v12  }
0xfe: {  	s12 =	sand.u32 $0x70, s0;
	[tilespmem:s23+$0x1AC20] =	vst.msk vm3, v15;
	v15 =	vor.u32 s19, v1  }
0xff: {  	s2 =	sadd.s32 s12, s2;
	[tilespmem:s23+$0x1BCA0] =	vst.msk vm3, v15  }
0x100: {  	v16 =	vld [tilespmem:s2+$0x0];
	_ =	sdelay $0x1  }
0x101: {  	s11 =	sshll.u32 s25, $0x9  }
0x102: {  	s13 =	sshrl.u32 s11, $0x2  }
0x103: {  	[dreg:$0x5] =	wrdreg s13  }
0x104: {  	s2 =	rddreg [dreg:$0x5];
	vm4 =	vle.f32 v16, v12  }
0x105: {  	v62 =	vor.u32 s0, v1;
	s1 =	sadd.s32 s2, s1;
	[tilespmem:s23+$0x1AE30] =	vst.msk vm4, v16  }
0x106: {  	s2 =	sadd.s32 s5, s1;
	[tilespmem:s23+$0x1BEB0] =	vst.msk vm4, v62  }
0x107: {  	v17 =	vld [tilespmem:s2+$0x0];
	_ =	sdelay $0x4  }
0x108: {  	vm5 =	vle.f32 v17, v11  }
0x109: {  	[tilespmem:s23+$0x1B040] =	vst.msk vm5, v17  }
0x10a: {  	s14 =	sadd.s32 s18, s1;
	[tilespmem:s23+$0x1C0C0] =	vst.msk vm5, v13  }
0x10b: {  	v13 =	vld [tilespmem:s14+$0x0];
	_ =	sdelay $0x4  }
0x10c: {  	vm6 =	vle.f32 v13, v11  }
0x10d: {  	[tilespmem:s23+$0x1B250] =	vst.msk vm6, v13  }
0x10e: {  	s15 =	sadd.s32 s26, s1;
	[tilespmem:s23+$0x1C2D0] =	vst.msk vm6, v14  }
0x10f: {  	v13 =	vld [tilespmem:s15+$0x0];
	_ =	sdelay $0x2  }
0x110: {  	v14 =	vmpcnt.ones.xlane vm2;
	_ =	sdelay $0x1  }
0x111: {  	(v2sf) =	vpush v14, $0x0;
	vm2 =	vle.f32 v13, v11  }
0x112: {  	v14 =	vmpcnt.ones.xlane vm3;
	[tilespmem:s23+$0x1B460] =	vst.msk vm2, v13  }
0x113: {  	s1 =	sadd.s32 s12, s1;
	v13 =	vmpcnt.ones.xlane vm4;
	[tilespmem:s23+$0x1C4E0] =	vst.msk vm2, v15  }
0x114: {  	(v2sf) =	vpush v14, $0x0;
	v15 =	vmpcnt.ones.xlane vm5;
	v14 =	vld [tilespmem:s1+$0x0]  }
0x115: {  	v63 =	vmpcnt.ones.xlane vm6;
	(v2sf) =	vpush v13, $0x0  }
0x116: {  	v13 =	vmpcnt.ones.xlane vm2;
	(v2sf) =	vpush v15, $0x0  }
0x117: {  	s2 =	simm.s32 $0x200;
	v15 =	vmpcnt.ones.xlane vm1;
	(v2sf) =	vpush v63, $0x0  }
0x118: {  	s16 =	rddreg [dreg:$0x3];
	s18 =	sand.u32 $0x3C00, s2;
	(v2sf) =	vpush v13, $0x0  }
0x119: {  	s4 =	simm.s32 $0x40;
	s17 =	rddreg [dreg:$0x4];
	s8 =	sadd.s32 s18, s16;
	(v2sf) =	vpush v15, $0x0;
	vm1 =	vle.f32 v14, v11  }
0x11a: {  	s9 =	sand.u32 $0x40, s4;
	s11 =	sadd.s32 s17, s8;
	[tilespmem:s23+$0x1B670] =	vst.msk vm1, v14;
	v13 =	vmpcnt.ones.xlane vm1  }
0x11b: {  	s19 =	sadd.s32 s9, s11;
	[tilespmem:s23+$0x1C6F0] =	vst.msk vm1, v62  }
0x11c: {  	v14 =	vld [tilespmem:s19+$0x0];
	(v2sf) =	vpush v13, $0x0;
	_ =	sdelay $0x3  }
0x11d: {  	s26 =	spop (v2sf)  }
0x11e: {  	s0 =	simm.s32 $0x50;
	s13 =	sadd.s32 $0x0, s26;
	vm1 =	vle.f32 v14, v12  }
0x11f: {  	s30 =	sand.u32 $0x50, s0;
	v13 =	vor.u32 s4, v1;
	[tilespmem:s13+$0x1A800] =	vst.msk vm1, v14  }
0x120: {  	s26 =	sadd.s32 s30, s11;
	s19 =	spop (v2sf);
	[tilespmem:s13+$0x1B880] =	vst.msk vm1, v13  }
0x121: {  	s12 =	spop (v2sf);
	v14 =	vld [tilespmem:s26+$0x0]  }
0x122: {  	s15 =	spop (v2sf)  }
0x123: {  	s16 =	spop (v2sf)  }
0x124: {  	s29 =	sshll.u32 s24, $0x1;
	s7 =	simm.s32 $0x80;
	s18 =	spop (v2sf)  }
0x125: {  	s17 =	simm.s32 $0x60;
	s14 =	sadd.s32 $0x0, s19;
	v15 =	vmpcnt.ones.xlane vm1;
	s19 =	spop (v2sf)  }
0x126: {  	s12 =	sadd.s32 $0x0, s12;
	s1 =	sadd.s32 $0x0, s15;
	s15 =	sadd.s32 $0x0, s19;
	vm1 =	vle.f32 v14, v12  }
0x127: {  	(v2sf) =	vpush v15, $0x0;
	s26 =	sadd.s32 $0x0, s16;
	s28 =	sadd.s32 $0x0, s18;
	s18 =	sand.u32 $0x60, s17;
	[tilespmem:s15+$0x1AA10] =	vst.msk vm1, v14;
	v14 =	vor.u32 s0, v1  }
0x128: {  	s16 =	simm.s32 $0x0;
	s5 =	sadd.s32 s18, s11;
	[tilespmem:s15+$0x1BA90] =	vst.msk vm1, v14;
	s19 =	spop (v2sf)  }
.LBB2_4:
0x129: {  	_ = 	snop  }
0x12a: {  	v15 =	vld [tilespmem:s5+$0x0];
	_ =	sdelay $0x4  }
0x12b: {  	s16 =	sadd.s32 s16, s19;
	s19 =	smov.u32 s7;
	s0 =	sadd.s32 $0x30, s4;
	vm2 =	vle.f32 v15, v12  }
0x12c: {  	s4 =	smov.u32 s19;
	s19 =	sand.u32 $0x70, s0;
	[tilespmem:s14+$0x1AC20] =	vst.msk vm2, v15;
	v15 =	vor.u32 s17, v1  }
0x12d: {  	s5 =	sadd.s32 s19, s11;
	[tilespmem:s14+$0x1BCA0] =	vst.msk vm2, v15  }
0x12e: {  	v17 =	vld [tilespmem:s5+$0x0];
	_ =	sdelay $0x2  }
0x12f: {  	v16 =	vmpcnt.ones.xlane vm2  }
0x130: {  	s17 =	spop (v2sf)  }
0x131: {  	(v2sf) =	vpush v16, $0x0;
	vm2 =	vle.f32 v17, v12;
	s13 =	sadd.s32 s13, s17;
	s17 =	rddreg [dreg:$0x5]  }
0x132: {  	v61 =	vor.u32 s0, v1;
	[tilespmem:s12+$0x1AE30] =	vst.msk vm2, v17;
	s0 =	sadd.s32 s17, s8  }
0x133: {  	[tilespmem:s12+$0x1BEB0] =	vst.msk vm2, v61;
	s5 =	sadd.s32 s9, s0  }
0x134: {  	v62 =	vmpcnt.ones.xlane vm2;
	v18 =	vld [tilespmem:s5+$0x0];
	_ =	sdelay $0x1  }
0x135: {  	(v2sf) =	vpush v62, $0x0;
	_ =	sdelay $0x2  }
0x136: {  	vm2 =	vle.f32 v18, v11  }
0x137: {  	[tilespmem:s1+$0x1B040] =	vst.msk vm2, v18  }
0x138: {  	s9 =	sadd.s32 s30, s0;
	[tilespmem:s1+$0x1C0C0] =	vst.msk vm2, v13  }
0x139: {  	v13 =	vld [tilespmem:s9+$0x0];
	_ =	sdelay $0x1  }
0x13a: {  	v63 =	vmpcnt.ones.xlane vm2;
	_ =	sdelay $0x1  }
0x13b: {  	s11 =	spop (v2sf);
	(v2sf) =	vpush v63, $0x0  }
0x13c: {  	vm2 =	vle.f32 v13, v11  }
0x13d: {  	[tilespmem:s26+$0x1B250] =	vst.msk vm2, v13  }
0x13e: {  	s17 =	sadd.s32 s18, s0;
	v13 =	vmpcnt.ones.xlane vm2;
	[tilespmem:s26+$0x1C2D0] =	vst.msk vm2, v14  }
0x13f: {  	v14 =	vld [tilespmem:s17+$0x0]  }
0x140: {  	s18 =	spop (v2sf);
	(v2sf) =	vpush v13, $0x0;
	_ =	sdelay $0x3  }
0x141: {  	vm2 =	vle.f32 v14, v11  }
0x142: {  	[tilespmem:s28+$0x1B460] =	vst.msk vm2, v14  }
0x143: {  	s0 =	sadd.s32 s19, s0;
	[tilespmem:s28+$0x1C4E0] =	vst.msk vm2, v15  }
0x144: {  	v14 =	vld [tilespmem:s0+$0x0]  }
0x145: {  	v13 =	vmpcnt.ones.xlane vm2;
	_ =	sdelay $0x1  }
0x146: {  	s2 =	sadd.s32 $0x200, s2;
	s8 =	spop (v2sf);
	(v2sf) =	vpush v13, $0x0;
	v13 =	vmpcnt.ones.xlane vm1  }
0x147: {  	s9 =	rddreg [dreg:$0x3];
	s14 =	sadd.s32 s14, s11;
	s17 =	sand.u32 $0x3C00, s2  }
0x148: {  	s11 =	rddreg [dreg:$0x4];
	s1 =	sadd.s32 s1, s8;
	s8 =	sadd.s32 s17, s9;
	(v2sf) =	vpush v13, $0x0;
	vm1 =	vle.f32 v14, v11  }
0x149: {  	s9 =	sand.u32 $0x40, s4;
	s11 =	sadd.s32 s11, s8;
	[tilespmem:s16+$0x1B670] =	vst.msk vm1, v14;
	v13 =	vmpcnt.ones.xlane vm1  }
0x14a: {  	s12 =	sadd.s32 s12, s18;
	s18 =	sadd.s32 s9, s11;
	[tilespmem:s16+$0x1C6F0] =	vst.msk vm1, v61  }
0x14b: {  	s19 =	spop (v2sf);
	v14 =	vld [tilespmem:s18+$0x0];
	(v2sf) =	vpush v13, $0x0;
	_ =	sdelay $0x4  }
0x14c: {  	s0 =	sadd.s32 $0x10, s4;
	vm1 =	vle.f32 v14, v12  }
0x14d: {  	s30 =	sand.u32 $0x50, s0;
	v13 =	vor.u32 s4, v1;
	[tilespmem:s13+$0x1A800] =	vst.msk vm1, v14  }
0x14e: {  	s17 =	sadd.s32 s30, s11;
	[tilespmem:s13+$0x1B880] =	vst.msk vm1, v13  }
0x14f: {  	v15 =	vld [tilespmem:s17+$0x0];
	_ =	sdelay $0x1  }
0x150: {  	p0 =	sne.s32 s7, $0x7C0  }
.Ltmp6:
0x151: {  	s18 =	spop (v2sf);
	(pc) =	sbr.rel @p0 .LBB2_4-.Ltmp6, $4  }
0x152: {  	s26 =	sadd.s32 s26, s19;
	v14 =	vmpcnt.ones.xlane vm1;
	s19 =	spop (v2sf)  }
0x153: {  	s17 =	sadd.s32 $0x20, s4;
	s15 =	sadd.s32 s15, s19;
	vm1 =	vle.f32 v15, v12  }
0x154: {  	(v2sf) =	vpush v14, $0x0;
	v14 =	vor.u32 s0, v1;
	s28 =	sadd.s32 s28, s18;
	s18 =	sand.u32 $0x60, s17;
	[tilespmem:s15+$0x1AA10] =	vst.msk vm1, v15  }
0x155: {  	s7 =	sadd.s32 $0x40, s7;
	s5 =	sadd.s32 s18, s11;
	[tilespmem:s15+$0x1BA90] =	vst.msk vm1, v14;
	s19 =	spop (v2sf)  }
0x156: {  	v15 =	vld [tilespmem:s5+$0x0];
	_ =	sdelay $0x4  }
0x157: {  	s0 =	sadd.s32 $0x30, s4;
	vm2 =	vle.f32 v15, v12  }
0x158: {  	s2 =	sand.u32 $0x70, s0;
	[tilespmem:s14+$0x1AC20] =	vst.msk vm2, v15;
	v15 =	vor.u32 s17, v1  }
0x159: {  	s5 =	sadd.s32 s2, s11;
	[tilespmem:s14+$0x1BCA0] =	vst.msk vm2, v15  }
0x15a: {  	v16 =	vld [tilespmem:s5+$0x0];
	_ =	sdelay $0x4  }
0x15b: {  	s7 =	rddreg [dreg:$0x5];
	vm3 =	vle.f32 v16, v12  }
0x15c: {  	s11 =	sadd.s32 s7, s8;
	v12 =	vor.u32 s0, v1;
	[tilespmem:s12+$0x1AE30] =	vst.msk vm3, v16  }
0x15d: {  	s4 =	sadd.s32 s9, s11;
	[tilespmem:s12+$0x1BEB0] =	vst.msk vm3, v12  }
0x15e: {  	v16 =	vld [tilespmem:s4+$0x0];
	_ =	sdelay $0x4  }
0x15f: {  	vm4 =	vle.f32 v16, v11  }
0x160: {  	[tilespmem:s1+$0x1B040] =	vst.msk vm4, v16  }
0x161: {  	s17 =	sadd.s32 s30, s11;
	[tilespmem:s1+$0x1C0C0] =	vst.msk vm4, v13  }
0x162: {  	v13 =	vld [tilespmem:s17+$0x0];
	_ =	sdelay $0x4  }
0x163: {  	vm5 =	vle.f32 v13, v11  }
0x164: {  	[tilespmem:s26+$0x1B250] =	vst.msk vm5, v13  }
0x165: {  	s30 =	sadd.s32 s18, s11;
	[tilespmem:s26+$0x1C2D0] =	vst.msk vm5, v14  }
0x166: {  	v13 =	vld [tilespmem:s30+$0x0];
	_ =	sdelay $0x1  }
0x167: {  	v14 =	vmpcnt.ones.xlane vm2  }
0x168: {  	v63 =	vmpcnt.ones.xlane vm3  }
0x169: {  	v17 =	vmpcnt.ones.xlane vm4;
	(v2sf) =	vpush v14, $0x0  }
0x16a: {  	v14 =	vmpcnt.ones.xlane vm5;
	(v2sf) =	vpush v63, $0x0;
	vm2 =	vle.f32 v13, v11  }
0x16b: {  	(v2sf) =	vpush v17, $0x0;
	[tilespmem:s28+$0x1B460] =	vst.msk vm2, v13;
	v13 =	vmpcnt.ones.xlane vm2  }
0x16c: {  	(v2sf) =	vpush v14, $0x0;
	v14 =	vmpcnt.ones.xlane vm1  }
0x16d: {  	s0 =	sadd.s32 s2, s11;
	[tilespmem:s28+$0x1C4E0] =	vst.msk vm2, v15;
	(v2sf) =	vpush v13, $0x0  }
0x16e: {  	v15 =	vld [tilespmem:s0+$0x0];
	(v2sf) =	vpush v14, $0x0;
	_ =	sdelay $0x4  }
0x16f: {  	vm1 =	vle.f32 v15, v11  }
0x170: {  	v11 =	vmpcnt.ones.xlane vm1;
	_ =	sdelay $0x1  }
0x171: {  	(v2sf) =	vpush v11, $0x0  }
0x172: {  	s4 =	spop (v2sf)  }
0x173: {  	s5 =	spop (v2sf)  }
0x174: {  	s0 =	sadd.s32 s13, s4;
	s8 =	spop (v2sf)  }
0x175: {  	s9 =	sadd.s32 s16, s19;
	s13 =	sand.u32 $0xF, s0;
	s7 =	spop (v2sf)  }
0x176: {  	p0 =	slt.s32 s0, $0x1;
	p1 =	sne.s32 s13, $0x0;
	[tilespmem:s9+$0x1B670] =	vst.msk vm1, v15;
	s11 =	spop (v2sf)  }
0x177: {  	s18 =	sshra.s32 s0, $0x1F;
	p0 =	por !p0, !p1;
	[tilespmem:s9+$0x1C6F0] =	vst.msk vm1, v12;
	v12 =	vimm.f32 $+Inf;
	s16 =	spop (v2sf)  }
0x178: {  	s19 =	sshrl.u32 s18, $0x1C;
	p0 =	por !p0, !p0;
	[tilespmem:s0+$0x1A800] =	vst v12;
	v11 =	vimm.s32 $0x0;
	s17 =	spop (v2sf)  }
0x179: {  	[tilespmem:s0+$0x1B880] =	vst v11;
	s0 =	sadd.s32 s19, s0;
	s2 =	sadd.s32 s15, s17;
	s15 =	simm.s32 $0x1  }
0x17a: {  	s4 =	sshra.s32 s0, $0x4;
	s15 =	simm.s32 @!p0 $0x0  }
0x17b: {  	s0 =	ssub.s32 s4, s15  }
0x17c: {  	[tilespmem:s2+$0x1AA10] =	vst v12;
	p1 =	slt.s32 s0, $0x0  }
.Ltmp7:
0x17d: {  	s14 =	sadd.s32 s14, s5;
	[tilespmem:s2+$0x1BA90] =	vst v11;
	(pc) =	sbr.rel @p1 .LBB2_13-.Ltmp7, $4  }
0x17e: {  	[tilespmem:s14+$0x1AC20] =	vst v12  }
0x17f: {  	s13 =	sadd.s32 s12, s8;
	[tilespmem:s14+$0x1BCA0] =	vst v11  }
0x180: {  	s12 =	sadd.s32 s1, s7;
	[tilespmem:s13+$0x1AE30] =	vst v12;
	s30 =	spop (v2sf)  }
0x181: {  	s1 =	sadd.s32 s26, s11;
	s28 =	sadd.s32 s28, s16;
	[tilespmem:s13+$0x1BEB0] =	vst v11;
	s26 =	sadd.s32 s9, s30  }
0x182: {  	s0 =	simm.s32 $0xFFFFFFFF  }
0x183: {  	s0 =	simm.s32 @!p0 $0x0  }
0x184: {  	s0 =	sadd.s32 s0, s4  }
0x185: {  	s0 =	sadd.s32 $0x1, s0  }
0x186: {  	p2 =	sne.s32 s0, $0x1  }
.Ltmp8:
0x187: {  	_ = 	snop;
	(pc) =	sbr.rel @!p2 .LBB2_7-.Ltmp8, $4  }
0x188: {  	_ = 	snop  }
0x189: {  	s30 =	simm.s32 $0x1A800  }
0x18a: {  	s5 =	simm.s32 $0x1B880;
	v13 =	vld [tilespmem:s30+$0x0]  }
0x18b: {  	v12 =	vimm.f32 $+Inf;
	v11 =	vimm.s32 $0x0;
	p1 =	por $0x0, $0x0;
	v14 =	vld [tilespmem:s5+$0x0];
	p0 =	por $0x0, $0x0;
	s4 =	sadd.s32 $0xFFFFFFFF, s0  }
0x18c: {  	p2 =	sne.s32 s4, $0x1  }
.Ltmp9:
0x18d: {  	_ = 	snop;
	(pc) =	sbr.rel @!p2 .LBB2_9-.Ltmp9, $4  }
0x18e: {  	_ = 	snop  }
0x18f: {  	s0 =	simm.s32 $0x1A810  }
0x190: {  	s30 =	simm.s32 $0x1B890;
	(xrf1) =	vsort.dscd.msk.f32 $0xffff, v13, v14;
	v13 =	vld [tilespmem:s0+$0x0]  }
0x191: {  	s8 =	sadd.s32 $0xFFFFFFFF, s4;
	p0 =	por $0x1, $0x1;
	v14 =	vld [tilespmem:s30+$0x0]  }
0x192: {  	_ =	sdelay $0xb  }
0x193: {  	v15, v16, _ =	vpop (xrf1)  }
0x194: {  	vm1 =	vlt.f32 v15, v12  }
0x195: {  	(xrf1) =	vsort.dscd.msk.f32 $0xffff, v13, v14;
	v14 =	vsel vm1, v15, v12;
	v15 =	vsel vm1, v16, v11  }
0x196: {  	(xrf1) =	vsort.ascd.msk.f32 $0xffff, v14, v15;
	_ =	sdelay $0x6  }
0x197: {  	p2 =	sne.s32 s8, $0x1  }
.Ltmp10:
0x198: {  	_ = 	snop;
	(pc) =	sbr.rel @!p2 .LBB2_12-.Ltmp10, $4  }
0x199: {  	s4 =	simm.s32 $0x1A820  }
0x19a: {  	s7 =	simm.s32 $0x1B8A0;
	v13 =	vld [tilespmem:s4+$0x0]  }
0x19b: {  	v14 =	vld [tilespmem:s7+$0x0]  }
0x19c: {  	s8 =	sadd.s32 $0xFFFFFFFF, s8;
	p1 =	por $0x1, $0x1  }
.LBB2_11:
0x19d: {  	p2 =	sne.s32 s8, $0x1;
	v15, v16, _ =	vpop (xrf1)  }
0x19e: {  	v17, v18, _ =	vpop (xrf1)  }
0x19f: {  	vm1 =	vlt.f32 v15, v17  }
0x1a0: {  	(xrf1) =	vsort.dscd.msk.f32 $0xffff, v13, v14;
	v13 =	vsel vm1, v15, v17;
	v14 =	vsel vm1, v16, v18  }
0x1a1: {  	(xrf1) =	vsort.ascd.msk.f32 $0xffff, v13, v14;
	_ =	sdelay $0x7  }
.Ltmp11:
0x1a2: {  	(pc) =	sbr.rel @p2 .LBB2_11-.Ltmp11, $4  }
0x1a3: {  	s4 =	sadd.s32 $0x10, s4  }
0x1a4: {  	s7 =	sadd.s32 $0x10, s7;
	v13 =	vld [tilespmem:s4+$0x0]  }
0x1a5: {  	v14 =	vld [tilespmem:s7+$0x0]  }
0x1a6: {  	s8 =	sadd.s32 $0xFFFFFFFF, s8  }
.LBB2_12:
0x1a7: {  	v15, v16, _ =	vpop @p0 (xrf1)  }
0x1a8: {  	v17, v18, _ =	vpop @p1 (xrf1)  }
0x1a9: {  	v17 =	vpsel p1, v17, v12  }
0x1aa: {  	v18 =	vpsel p1, v18, v11;
	vm1 =	vlt.f32 @p0 v15, v17  }
0x1ab: {  	(xrf1) =	vsort.dscd.msk.f32 $0xffff, v13, v14;
	v13 =	vsel @p0 vm1, v15, v17;
	v14 =	vsel @p0 vm1, v16, v18  }
0x1ac: {  	(xrf1) =	vsort.ascd.msk.f32 @p0 $0xffff, v13, v14;
	_ =	sdelay $0xc  }
0x1ad: {  	v13, v14, _ =	vpop (xrf1)  }
0x1ae: {  	v15, v16, _ =	vpop @p0 (xrf1)  }
0x1af: {  	v12 =	vpsel p0, v15, v12  }
0x1b0: {  	v11 =	vpsel p0, v16, v11;
	vm1 =	vlt.f32 v13, v12  }
0x1b1: {  	v12 =	vsel vm1, v13, v12;
	v11 =	vsel vm1, v14, v11  }
0x1b2: {  	(xrf1) =	vsort.ascd.msk.f32 $0xffff, v12, v11;
	_ =	sdelay $0xd  }
0x1b3: {  	v12, v11, _ =	vpop (xrf1)  }
.LBB2_13:
0x1b4: {  	s0 =	sand.u32 $0xF, s2  }
0x1b5: {  	s4 =	sshra.s32 s2, $0x1F;
	p0 =	slt.s32 s2, $0x1;
	p1 =	sne.s32 s0, $0x0  }
0x1b6: {  	s30 =	sshrl.u32 s4, $0x1C;
	p0 =	por !p0, !p1  }
0x1b7: {  	s4 =	simm.s32 $0x1;
	s0 =	sadd.s32 s30, s2;
	p0 =	por !p0, !p0  }
0x1b8: {  	s2 =	sshra.s32 s0, $0x4;
	s4 =	simm.s32 @!p0 $0x0  }
0x1b9: {  	s0 =	ssub.s32 s2, s4  }
0x1ba: {  	p1 =	slt.s32 s0, $0x0  }
.Ltmp12:
0x1bb: {  	_ = 	snop;
	(pc) =	sbr.rel @p1 .LBB2_21-.Ltmp12, $1  }
0x1bc: {  	_ =	sdelay $0x3  }
0x1bd: {  	s0 =	simm.s32 $0xFFFFFFFF  }
0x1be: {  	s0 =	simm.s32 @!p0 $0x0  }
0x1bf: {  	s0 =	sadd.s32 s0, s2  }
0x1c0: {  	s0 =	sadd.s32 $0x1, s0  }
0x1c1: {  	p2 =	sne.s32 s0, $0x1  }
.Ltmp13:
0x1c2: {  	_ = 	snop;
	(pc) =	sbr.rel @!p2 .LBB2_15-.Ltmp13, $4  }
0x1c3: {  	_ = 	snop  }
0x1c4: {  	s30 =	simm.s32 $0x1AA10  }
0x1c5: {  	s4 =	simm.s32 $0x1BA90;
	v13 =	vld [tilespmem:s30+$0x0]  }
0x1c6: {  	p1 =	por $0x0, $0x0;
	v14 =	vld [tilespmem:s4+$0x0];
	p0 =	por $0x0, $0x0;
	s2 =	sadd.s32 $0xFFFFFFFF, s0  }
0x1c7: {  	p2 =	sne.s32 s2, $0x1  }
.Ltmp14:
0x1c8: {  	_ = 	snop;
	(pc) =	sbr.rel @!p2 .LBB2_17-.Ltmp14, $4  }
0x1c9: {  	_ = 	snop  }
0x1ca: {  	s0 =	simm.s32 $0x1AA20  }
0x1cb: {  	s30 =	simm.s32 $0x1BAA0;
	(xrf1) =	vsort.dscd.msk.f32 $0xffff, v13, v14;
	v13 =	vld [tilespmem:s0+$0x0]  }
0x1cc: {  	s7 =	sadd.s32 $0xFFFFFFFF, s2;
	p0 =	por $0x1, $0x1;
	v14 =	vld [tilespmem:s30+$0x0]  }
0x1cd: {  	_ =	sdelay $0xb  }
0x1ce: {  	v15, v16, _ =	vpop (xrf1)  }
0x1cf: {  	vm1 =	vlt.f32 v15, v12  }
0x1d0: {  	(xrf1) =	vsort.dscd.msk.f32 $0xffff, v13, v14;
	v14 =	vsel vm1, v15, v12;
	v15 =	vsel vm1, v16, v11  }
0x1d1: {  	(xrf1) =	vsort.ascd.msk.f32 $0xffff, v14, v15;
	_ =	sdelay $0x6  }
0x1d2: {  	p2 =	sne.s32 s7, $0x1  }
.Ltmp15:
0x1d3: {  	_ = 	snop;
	(pc) =	sbr.rel @!p2 .LBB2_20-.Ltmp15, $4  }
0x1d4: {  	s2 =	simm.s32 $0x1AA30  }
0x1d5: {  	s4 =	simm.s32 $0x1BAB0;
	v13 =	vld [tilespmem:s2+$0x0]  }
0x1d6: {  	v14 =	vld [tilespmem:s4+$0x0]  }
0x1d7: {  	s7 =	sadd.s32 $0xFFFFFFFF, s7;
	p1 =	por $0x1, $0x1  }
.LBB2_19:
0x1d8: {  	p2 =	sne.s32 s7, $0x1;
	v15, v16, _ =	vpop (xrf1)  }
0x1d9: {  	v17, v18, _ =	vpop (xrf1)  }
0x1da: {  	vm1 =	vlt.f32 v15, v17  }
0x1db: {  	(xrf1) =	vsort.dscd.msk.f32 $0xffff, v13, v14;
	v13 =	vsel vm1, v15, v17;
	v14 =	vsel vm1, v16, v18  }
0x1dc: {  	(xrf1) =	vsort.ascd.msk.f32 $0xffff, v13, v14;
	_ =	sdelay $0x7  }
.Ltmp16:
0x1dd: {  	(pc) =	sbr.rel @p2 .LBB2_19-.Ltmp16, $4  }
0x1de: {  	s2 =	sadd.s32 $0x10, s2  }
0x1df: {  	s4 =	sadd.s32 $0x10, s4;
	v13 =	vld [tilespmem:s2+$0x0]  }
0x1e0: {  	v14 =	vld [tilespmem:s4+$0x0]  }
0x1e1: {  	s7 =	sadd.s32 $0xFFFFFFFF, s7  }
.LBB2_20:
0x1e2: {  	v15, v16, _ =	vpop @p0 (xrf1)  }
0x1e3: {  	v17, v18, _ =	vpop @p1 (xrf1)  }
0x1e4: {  	v17 =	vpsel p1, v17, v12  }
0x1e5: {  	v18 =	vpsel p1, v18, v11;
	vm1 =	vlt.f32 @p0 v15, v17  }
0x1e6: {  	(xrf1) =	vsort.dscd.msk.f32 $0xffff, v13, v14;
	v13 =	vsel @p0 vm1, v15, v17;
	v14 =	vsel @p0 vm1, v16, v18  }
0x1e7: {  	(xrf1) =	vsort.ascd.msk.f32 @p0 $0xffff, v13, v14;
	_ =	sdelay $0xc  }
0x1e8: {  	v13, v14, _ =	vpop (xrf1)  }
0x1e9: {  	v15, v16, _ =	vpop @p0 (xrf1)  }
0x1ea: {  	v12 =	vpsel p0, v15, v12  }
0x1eb: {  	v11 =	vpsel p0, v16, v11;
	vm1 =	vlt.f32 v13, v12  }
0x1ec: {  	v12 =	vsel vm1, v13, v12;
	v11 =	vsel vm1, v14, v11  }
0x1ed: {  	(xrf1) =	vsort.ascd.msk.f32 $0xffff, v12, v11;
	_ =	sdelay $0xd  }
0x1ee: {  	v12, v11, _ =	vpop (xrf1)  }
.LBB2_21:
0x1ef: {  	s0 =	sand.u32 $0xF, s14  }
0x1f0: {  	s2 =	sshra.s32 s14, $0x1F;
	p0 =	slt.s32 s14, $0x1;
	p1 =	sne.s32 s0, $0x0  }
0x1f1: {  	s30 =	sshrl.u32 s2, $0x1C;
	p0 =	por !p0, !p1  }
0x1f2: {  	s4 =	simm.s32 $0x1;
	s0 =	sadd.s32 s30, s14;
	p0 =	por !p0, !p0  }
0x1f3: {  	s2 =	sshra.s32 s0, $0x4;
	s4 =	simm.s32 @!p0 $0x0  }
0x1f4: {  	s0 =	ssub.s32 s2, s4  }
0x1f5: {  	p1 =	slt.s32 s0, $0x0  }
.Ltmp17:
0x1f6: {  	_ = 	snop;
	(pc) =	sbr.rel @p1 .LBB2_29-.Ltmp17, $1  }
0x1f7: {  	_ =	sdelay $0x3  }
0x1f8: {  	s0 =	simm.s32 $0xFFFFFFFF  }
0x1f9: {  	s0 =	simm.s32 @!p0 $0x0  }
0x1fa: {  	s0 =	sadd.s32 s0, s2  }
0x1fb: {  	s0 =	sadd.s32 $0x1, s0  }
0x1fc: {  	p2 =	sne.s32 s0, $0x1  }
.Ltmp18:
0x1fd: {  	_ = 	snop;
	(pc) =	sbr.rel @!p2 .LBB2_23-.Ltmp18, $4  }
0x1fe: {  	_ = 	snop  }
0x1ff: {  	s30 =	simm.s32 $0x1AC20  }
0x200: {  	s4 =	simm.s32 $0x1BCA0;
	v13 =	vld [tilespmem:s30+$0x0]  }
0x201: {  	p1 =	por $0x0, $0x0;
	v14 =	vld [tilespmem:s4+$0x0];
	p0 =	por $0x0, $0x0;
	s2 =	sadd.s32 $0xFFFFFFFF, s0  }
0x202: {  	p2 =	sne.s32 s2, $0x1  }
.Ltmp19:
0x203: {  	_ = 	snop;
	(pc) =	sbr.rel @!p2 .LBB2_25-.Ltmp19, $4  }
0x204: {  	_ = 	snop  }
0x205: {  	s0 =	simm.s32 $0x1AC30  }
0x206: {  	s30 =	simm.s32 $0x1BCB0;
	(xrf1) =	vsort.dscd.msk.f32 $0xffff, v13, v14;
	v13 =	vld [tilespmem:s0+$0x0]  }
0x207: {  	s7 =	sadd.s32 $0xFFFFFFFF, s2;
	p0 =	por $0x1, $0x1;
	v14 =	vld [tilespmem:s30+$0x0]  }
0x208: {  	_ =	sdelay $0xb  }
0x209: {  	v15, v16, _ =	vpop (xrf1)  }
0x20a: {  	vm1 =	vlt.f32 v15, v12  }
0x20b: {  	(xrf1) =	vsort.dscd.msk.f32 $0xffff, v13, v14;
	v14 =	vsel vm1, v15, v12;
	v15 =	vsel vm1, v16, v11  }
0x20c: {  	(xrf1) =	vsort.ascd.msk.f32 $0xffff, v14, v15;
	_ =	sdelay $0x6  }
0x20d: {  	p2 =	sne.s32 s7, $0x1  }
.Ltmp20:
0x20e: {  	_ = 	snop;
	(pc) =	sbr.rel @!p2 .LBB2_28-.Ltmp20, $4  }
0x20f: {  	s2 =	simm.s32 $0x1AC40  }
0x210: {  	s4 =	simm.s32 $0x1BCC0;
	v13 =	vld [tilespmem:s2+$0x0]  }
0x211: {  	v14 =	vld [tilespmem:s4+$0x0]  }
0x212: {  	s7 =	sadd.s32 $0xFFFFFFFF, s7;
	p1 =	por $0x1, $0x1  }
.LBB2_27:
0x213: {  	p2 =	sne.s32 s7, $0x1;
	v15, v16, _ =	vpop (xrf1)  }
0x214: {  	v17, v18, _ =	vpop (xrf1)  }
0x215: {  	vm1 =	vlt.f32 v15, v17  }
0x216: {  	(xrf1) =	vsort.dscd.msk.f32 $0xffff, v13, v14;
	v13 =	vsel vm1, v15, v17;
	v14 =	vsel vm1, v16, v18  }
0x217: {  	(xrf1) =	vsort.ascd.msk.f32 $0xffff, v13, v14;
	_ =	sdelay $0x7  }
.Ltmp21:
0x218: {  	(pc) =	sbr.rel @p2 .LBB2_27-.Ltmp21, $4  }
0x219: {  	s2 =	sadd.s32 $0x10, s2  }
0x21a: {  	s4 =	sadd.s32 $0x10, s4;
	v13 =	vld [tilespmem:s2+$0x0]  }
0x21b: {  	v14 =	vld [tilespmem:s4+$0x0]  }
0x21c: {  	s7 =	sadd.s32 $0xFFFFFFFF, s7  }
.LBB2_28:
0x21d: {  	v15, v16, _ =	vpop @p0 (xrf1)  }
0x21e: {  	v17, v18, _ =	vpop @p1 (xrf1)  }
0x21f: {  	v17 =	vpsel p1, v17, v12  }
0x220: {  	v18 =	vpsel p1, v18, v11;
	vm1 =	vlt.f32 @p0 v15, v17  }
0x221: {  	(xrf1) =	vsort.dscd.msk.f32 $0xffff, v13, v14;
	v13 =	vsel @p0 vm1, v15, v17;
	v14 =	vsel @p0 vm1, v16, v18  }
0x222: {  	(xrf1) =	vsort.ascd.msk.f32 @p0 $0xffff, v13, v14;
	_ =	sdelay $0xc  }
0x223: {  	v13, v14, _ =	vpop (xrf1)  }
0x224: {  	v15, v16, _ =	vpop @p0 (xrf1)  }
0x225: {  	v12 =	vpsel p0, v15, v12  }
0x226: {  	v11 =	vpsel p0, v16, v11;
	vm1 =	vlt.f32 v13, v12  }
0x227: {  	v12 =	vsel vm1, v13, v12;
	v11 =	vsel vm1, v14, v11  }
0x228: {  	(xrf1) =	vsort.ascd.msk.f32 $0xffff, v12, v11;
	_ =	sdelay $0xd  }
0x229: {  	v12, v11, _ =	vpop (xrf1)  }
.LBB2_29:
0x22a: {  	s0 =	sand.u32 $0xF, s13  }
0x22b: {  	s2 =	sshra.s32 s13, $0x1F;
	p0 =	slt.s32 s13, $0x1;
	p1 =	sne.s32 s0, $0x0  }
0x22c: {  	s30 =	sshrl.u32 s2, $0x1C;
	p0 =	por !p0, !p1  }
0x22d: {  	s4 =	simm.s32 $0x1;
	s0 =	sadd.s32 s30, s13;
	p0 =	por !p0, !p0  }
0x22e: {  	s2 =	sshra.s32 s0, $0x4;
	s4 =	simm.s32 @!p0 $0x0  }
0x22f: {  	s0 =	ssub.s32 s2, s4  }
0x230: {  	p1 =	slt.s32 s0, $0x0  }
.Ltmp22:
0x231: {  	_ = 	snop;
	(pc) =	sbr.rel @p1 .LBB2_37-.Ltmp22, $1  }
0x232: {  	_ =	sdelay $0x3  }
0x233: {  	s0 =	simm.s32 $0xFFFFFFFF  }
0x234: {  	s0 =	simm.s32 @!p0 $0x0  }
0x235: {  	s0 =	sadd.s32 s0, s2  }
0x236: {  	s0 =	sadd.s32 $0x1, s0  }
0x237: {  	p2 =	sne.s32 s0, $0x1  }
.Ltmp23:
0x238: {  	_ = 	snop;
	(pc) =	sbr.rel @!p2 .LBB2_31-.Ltmp23, $4  }
0x239: {  	_ = 	snop  }
0x23a: {  	s30 =	simm.s32 $0x1AE30  }
0x23b: {  	s4 =	simm.s32 $0x1BEB0;
	v13 =	vld [tilespmem:s30+$0x0]  }
0x23c: {  	p1 =	por $0x0, $0x0;
	v14 =	vld [tilespmem:s4+$0x0];
	p0 =	por $0x0, $0x0;
	s2 =	sadd.s32 $0xFFFFFFFF, s0  }
0x23d: {  	p2 =	sne.s32 s2, $0x1  }
.Ltmp24:
0x23e: {  	_ = 	snop;
	(pc) =	sbr.rel @!p2 .LBB2_33-.Ltmp24, $4  }
0x23f: {  	_ = 	snop  }
0x240: {  	s0 =	simm.s32 $0x1AE40  }
0x241: {  	s30 =	simm.s32 $0x1BEC0;
	(xrf1) =	vsort.dscd.msk.f32 $0xffff, v13, v14;
	v13 =	vld [tilespmem:s0+$0x0]  }
0x242: {  	s7 =	sadd.s32 $0xFFFFFFFF, s2;
	p0 =	por $0x1, $0x1;
	v14 =	vld [tilespmem:s30+$0x0]  }
0x243: {  	_ =	sdelay $0xb  }
0x244: {  	v15, v16, _ =	vpop (xrf1)  }
0x245: {  	vm1 =	vlt.f32 v15, v12  }
0x246: {  	(xrf1) =	vsort.dscd.msk.f32 $0xffff, v13, v14;
	v14 =	vsel vm1, v15, v12;
	v15 =	vsel vm1, v16, v11  }
0x247: {  	(xrf1) =	vsort.ascd.msk.f32 $0xffff, v14, v15;
	_ =	sdelay $0x6  }
0x248: {  	p2 =	sne.s32 s7, $0x1  }
.Ltmp25:
0x249: {  	_ = 	snop;
	(pc) =	sbr.rel @!p2 .LBB2_36-.Ltmp25, $4  }
0x24a: {  	s2 =	simm.s32 $0x1AE50  }
0x24b: {  	s4 =	simm.s32 $0x1BED0;
	v13 =	vld [tilespmem:s2+$0x0]  }
0x24c: {  	v14 =	vld [tilespmem:s4+$0x0]  }
0x24d: {  	s7 =	sadd.s32 $0xFFFFFFFF, s7;
	p1 =	por $0x1, $0x1  }
.LBB2_35:
0x24e: {  	p2 =	sne.s32 s7, $0x1;
	v15, v16, _ =	vpop (xrf1)  }
0x24f: {  	v17, v18, _ =	vpop (xrf1)  }
0x250: {  	vm1 =	vlt.f32 v15, v17  }
0x251: {  	(xrf1) =	vsort.dscd.msk.f32 $0xffff, v13, v14;
	v13 =	vsel vm1, v15, v17;
	v14 =	vsel vm1, v16, v18  }
0x252: {  	(xrf1) =	vsort.ascd.msk.f32 $0xffff, v13, v14;
	_ =	sdelay $0x7  }
.Ltmp26:
0x253: {  	(pc) =	sbr.rel @p2 .LBB2_35-.Ltmp26, $4  }
0x254: {  	s2 =	sadd.s32 $0x10, s2  }
0x255: {  	s4 =	sadd.s32 $0x10, s4;
	v13 =	vld [tilespmem:s2+$0x0]  }
0x256: {  	v14 =	vld [tilespmem:s4+$0x0]  }
0x257: {  	s7 =	sadd.s32 $0xFFFFFFFF, s7  }
.LBB2_36:
0x258: {  	v15, v16, _ =	vpop @p0 (xrf1)  }
0x259: {  	v17, v18, _ =	vpop @p1 (xrf1)  }
0x25a: {  	v17 =	vpsel p1, v17, v12  }
0x25b: {  	v18 =	vpsel p1, v18, v11;
	vm1 =	vlt.f32 @p0 v15, v17  }
0x25c: {  	(xrf1) =	vsort.dscd.msk.f32 $0xffff, v13, v14;
	v13 =	vsel @p0 vm1, v15, v17;
	v14 =	vsel @p0 vm1, v16, v18  }
0x25d: {  	(xrf1) =	vsort.ascd.msk.f32 @p0 $0xffff, v13, v14;
	_ =	sdelay $0xc  }
0x25e: {  	v13, v14, _ =	vpop (xrf1)  }
0x25f: {  	v15, v16, _ =	vpop @p0 (xrf1)  }
0x260: {  	v63 =	vpsel p0, v15, v12  }
0x261: {  	v11 =	vpsel p0, v16, v11;
	vm1 =	vlt.f32 v13, v63  }
0x262: {  	v12 =	vsel vm1, v13, v63;
	v11 =	vsel vm1, v14, v11  }
0x263: {  	(xrf1) =	vsort.ascd.msk.f32 $0xffff, v12, v11;
	_ =	sdelay $0xd  }
0x264: {  	v12, v11, _ =	vpop (xrf1)  }
.LBB2_37:
0x265: {  	v12 =	vadd.s32 v0, v11  }
0x266: {  	v12 =	vshll.u32 v12, $0x1  }
0x267: {  	v13 =	vand.u32 $0x7, v11;
	v12 =	vand.u32 $0xFFFFFFF0, v12  }
0x268: {  	v12 =	vor.u32 v13, v12  }
0x269: {  	s0 =	sor.u32 s20, s29;
	s2 =	rddreg [dreg:$0x7];
	v13 =	vperm.xlane v12, v4  }
0x26a: {  	s29 =	ssub.s32 s0, s2  }
0x26b: {  	v14 =	vmov s29;
	v12 =	vperm.xlane v12, v6;
	v13 =	vadd.s32 v5, v13  }
0x26c: {  	v16 =	vshll.u32 v11, $0x2;
	v15 =	vshll.u32 v14, $0x2  }
0x26d: {  	s18 =	sshll.u32 s24, $0xD;
	v14 =	vand.u32 $0x7F, v14;
	v15 =	vand.u32 $0xFFFFFE00, v15;
	v12 =	vadd.s32 v5, v12  }
0x26e: {  	v11 =	vand.u32 $0x7F, v11;
	s0 =	sand.u32 $0x3FFFE000, s18;
	v59 =	vand.u32 $0xFFFFFE00, v16;
	v14 =	vor.u32 v14, v15  }
0x26f: {  	s0 =	sadd.s32 s0, s22;
	v11 =	vor.u32 v11, v59  }
0x270: {  	[tilespmem:s0], [sflag:$0x3] =	stream.indirect_vreg.gather [hbm4b:s6+s3], $0x80, v13, vm0, $0xb8;
	[tilespmem:$0x1D100] =	vst v63  }
0x271: {  	s0 =	sadd.s32 $0x800, s0  }
0x272: {  	[tilespmem:s0], [sflag:$0x3] =	stream.indirect_vreg.gather [hbm4b:s6+s3], $0x80, v12, vm0, $0xb8;
	[tilespmem:$0x1D100] =	vst v63  }
0x273: {  	v12 =	vld.idx.msk [tilespmem:v14+s31+$0x0], $0xffff  }
0x274: {  	v13 =	vld.idx.msk [tilespmem:v11+s31+$0x0], $0xffff;
	_ =	sdelay $0x1  }
0x275: {  	v60 =	vor.u32 v3, v10  }
0x276: {  	v61 =	vor.u32 $0x80, v14  }
0x277: {  	v17 =	vor.u32 $0x80, v11  }
0x278: {  	v12 =	vsub.f32 v12, v13;
	_ =	sdelay $0x1  }
0x279: {  	[tilespmem:v60+s10+$0x0] =	vst.idx.msk $0xffff, v12  }
0x27a: {  	v12 =	vld.idx.msk [tilespmem:v61+s31+$0x0], $0xffff  }
0x27b: {  	v62 =	vld.idx.msk [tilespmem:v17+s31+$0x0], $0xffff;
	_ =	sdelay $0x1  }
0x27c: {  	v63 =	vor.u32 v7, v10  }
0x27d: {  	v14 =	vor.u32 $0x100, v14  }
0x27e: {  	v11 =	vor.u32 $0x100, v11  }
0x27f: {  	v12 =	vsub.f32 v12, v62;
	_ =	sdelay $0x1  }
0x280: {  	[tilespmem:v63+s10+$0x0] =	vst.idx.msk $0xffff, v12  }
0x281: {  	v12 =	vld.idx.msk [tilespmem:v14+s31+$0x0], $0xffff  }
0x282: {  	v11 =	vld.idx.msk [tilespmem:v11+s31+$0x0], $0xffff;
	_ =	sdelay $0x1  }
0x283: {  	v10 =	vor.u32 v8, v10;
	_ =	sdelay $0x1  }
0x284: {  	s19 =	sand.u32 $0xF, s12  }
0x285: {  	s30 =	sshra.s32 s12, $0x1F;
	p1 =	slt.s32 s12, $0x1;
	p0 =	sne.s32 s19, $0x0;
	v11 =	vsub.f32 v12, v11  }
0x286: {  	p0 =	por !p1, !p0;
	s0 =	sshrl.u32 s30, $0x1C  }
0x287: {  	s4 =	simm.s32 $0x1;
	p0 =	por !p0, !p0;
	s0 =	sadd.s32 s0, s12;
	[tilespmem:v10+s10+$0x0] =	vst.idx.msk $0xffff, v11;
	v11 =	vimm.f32 $+Inf  }
0x288: {  	s4 =	simm.s32 @!p0 $0x0;
	s2 =	sshra.s32 s0, $0x4;
	v10 =	vimm.s32 $0x0;
	[tilespmem:s12+$0x1B040] =	vst v11  }
0x289: {  	s0 =	ssub.s32 s2, s4;
	[tilespmem:s12+$0x1C0C0] =	vst v10  }
0x28a: {  	p1 =	slt.s32 s0, $0x0;
	[tilespmem:s1+$0x1B250] =	vst v11  }
.Ltmp27:
0x28b: {  	[tilespmem:s1+$0x1C2D0] =	vst v10;
	(pc) =	sbr.rel @p1 .LBB2_45-.Ltmp27, $4  }
0x28c: {  	[tilespmem:s28+$0x1B460] =	vst v11  }
0x28d: {  	[tilespmem:s28+$0x1C4E0] =	vst v10  }
0x28e: {  	[tilespmem:s26+$0x1B670] =	vst v11  }
0x28f: {  	[tilespmem:s26+$0x1C6F0] =	vst v10  }
0x290: {  	s0 =	simm.s32 $0xFFFFFFFF  }
0x291: {  	s0 =	simm.s32 @!p0 $0x0  }
0x292: {  	s0 =	sadd.s32 s0, s2  }
0x293: {  	s0 =	sadd.s32 $0x1, s0  }
0x294: {  	p2 =	sne.s32 s0, $0x1  }
.Ltmp28:
0x295: {  	_ = 	snop;
	(pc) =	sbr.rel @!p2 .LBB2_39-.Ltmp28, $4  }
0x296: {  	_ = 	snop  }
0x297: {  	s30 =	simm.s32 $0x1B040  }
0x298: {  	s4 =	simm.s32 $0x1C0C0;
	v12 =	vld [tilespmem:s30+$0x0]  }
0x299: {  	v11 =	vimm.f32 $+Inf;
	v10 =	vimm.s32 $0x0;
	p1 =	por $0x0, $0x0;
	v13 =	vld [tilespmem:s4+$0x0];
	p0 =	por $0x0, $0x0;
	s2 =	sadd.s32 $0xFFFFFFFF, s0  }
0x29a: {  	p2 =	sne.s32 s2, $0x1  }
.Ltmp29:
0x29b: {  	_ = 	snop;
	(pc) =	sbr.rel @!p2 .LBB2_41-.Ltmp29, $4  }
0x29c: {  	_ = 	snop  }
0x29d: {  	s0 =	simm.s32 $0x1B050  }
0x29e: {  	s30 =	simm.s32 $0x1C0D0;
	(xrf1) =	vsort.dscd.msk.f32 $0xffff, v12, v13;
	v12 =	vld [tilespmem:s0+$0x0]  }
0x29f: {  	s7 =	sadd.s32 $0xFFFFFFFF, s2;
	p0 =	por $0x1, $0x1;
	v13 =	vld [tilespmem:s30+$0x0]  }
0x2a0: {  	_ =	sdelay $0xb  }
0x2a1: {  	v14, v15, _ =	vpop (xrf1)  }
0x2a2: {  	vm1 =	vlt.f32 v14, v11  }
0x2a3: {  	(xrf1) =	vsort.dscd.msk.f32 $0xffff, v12, v13;
	v13 =	vsel vm1, v14, v11;
	v14 =	vsel vm1, v15, v10  }
0x2a4: {  	(xrf1) =	vsort.ascd.msk.f32 $0xffff, v13, v14;
	_ =	sdelay $0x6  }
0x2a5: {  	p2 =	sne.s32 s7, $0x1  }
.Ltmp30:
0x2a6: {  	_ = 	snop;
	(pc) =	sbr.rel @!p2 .LBB2_44-.Ltmp30, $4  }
0x2a7: {  	s2 =	simm.s32 $0x1B060  }
0x2a8: {  	s4 =	simm.s32 $0x1C0E0;
	v12 =	vld [tilespmem:s2+$0x0]  }
0x2a9: {  	v13 =	vld [tilespmem:s4+$0x0]  }
0x2aa: {  	s7 =	sadd.s32 $0xFFFFFFFF, s7;
	p1 =	por $0x1, $0x1  }
.LBB2_43:
0x2ab: {  	p2 =	sne.s32 s7, $0x1;
	v14, v15, _ =	vpop (xrf1)  }
0x2ac: {  	v16, v17, _ =	vpop (xrf1)  }
0x2ad: {  	vm1 =	vlt.f32 v14, v16  }
0x2ae: {  	(xrf1) =	vsort.dscd.msk.f32 $0xffff, v12, v13;
	v12 =	vsel vm1, v14, v16;
	v13 =	vsel vm1, v15, v17  }
0x2af: {  	(xrf1) =	vsort.ascd.msk.f32 $0xffff, v12, v13;
	_ =	sdelay $0x7  }
.Ltmp31:
0x2b0: {  	(pc) =	sbr.rel @p2 .LBB2_43-.Ltmp31, $4  }
0x2b1: {  	s2 =	sadd.s32 $0x10, s2  }
0x2b2: {  	s4 =	sadd.s32 $0x10, s4;
	v12 =	vld [tilespmem:s2+$0x0]  }
0x2b3: {  	v13 =	vld [tilespmem:s4+$0x0]  }
0x2b4: {  	s7 =	sadd.s32 $0xFFFFFFFF, s7  }
.LBB2_44:
0x2b5: {  	v14, v15, _ =	vpop @p0 (xrf1)  }
0x2b6: {  	v16, v17, _ =	vpop @p1 (xrf1)  }
0x2b7: {  	v16 =	vpsel p1, v16, v11  }
0x2b8: {  	v17 =	vpsel p1, v17, v10;
	vm1 =	vlt.f32 @p0 v14, v16  }
0x2b9: {  	(xrf1) =	vsort.dscd.msk.f32 $0xffff, v12, v13;
	v12 =	vsel @p0 vm1, v14, v16;
	v13 =	vsel @p0 vm1, v15, v17  }
0x2ba: {  	(xrf1) =	vsort.ascd.msk.f32 @p0 $0xffff, v12, v13;
	_ =	sdelay $0xc  }
0x2bb: {  	v12, v13, _ =	vpop (xrf1)  }
0x2bc: {  	v14, v15, _ =	vpop @p0 (xrf1)  }
0x2bd: {  	v11 =	vpsel p0, v14, v11  }
0x2be: {  	v10 =	vpsel p0, v15, v10;
	vm1 =	vlt.f32 v12, v11  }
0x2bf: {  	v11 =	vsel vm1, v12, v11;
	v10 =	vsel vm1, v13, v10  }
0x2c0: {  	(xrf1) =	vsort.ascd.msk.f32 $0xffff, v11, v10;
	_ =	sdelay $0xd  }
0x2c1: {  	v11, v10, _ =	vpop (xrf1)  }
.LBB2_45:
0x2c2: {  	s0 =	sand.u32 $0xF, s1  }
0x2c3: {  	s2 =	sshra.s32 s1, $0x1F;
	p0 =	slt.s32 s1, $0x1;
	p1 =	sne.s32 s0, $0x0  }
0x2c4: {  	s30 =	sshrl.u32 s2, $0x1C;
	p0 =	por !p0, !p1  }
0x2c5: {  	s2 =	simm.s32 $0x1;
	s0 =	sadd.s32 s30, s1;
	p0 =	por !p0, !p0  }
0x2c6: {  	s1 =	sshra.s32 s0, $0x4;
	s2 =	simm.s32 @!p0 $0x0  }
0x2c7: {  	s0 =	ssub.s32 s1, s2  }
0x2c8: {  	p1 =	slt.s32 s0, $0x0  }
.Ltmp32:
0x2c9: {  	_ = 	snop;
	(pc) =	sbr.rel @p1 .LBB2_53-.Ltmp32, $1  }
0x2ca: {  	_ =	sdelay $0x3  }
0x2cb: {  	s0 =	simm.s32 $0xFFFFFFFF  }
0x2cc: {  	s0 =	simm.s32 @!p0 $0x0  }
0x2cd: {  	s0 =	sadd.s32 s0, s1  }
0x2ce: {  	s0 =	sadd.s32 $0x1, s0  }
0x2cf: {  	p2 =	sne.s32 s0, $0x1  }
.Ltmp33:
0x2d0: {  	_ = 	snop;
	(pc) =	sbr.rel @!p2 .LBB2_47-.Ltmp33, $4  }
0x2d1: {  	_ = 	snop  }
0x2d2: {  	s30 =	simm.s32 $0x1B250  }
0x2d3: {  	s2 =	simm.s32 $0x1C2D0;
	v12 =	vld [tilespmem:s30+$0x0]  }
0x2d4: {  	p1 =	por $0x0, $0x0;
	v13 =	vld [tilespmem:s2+$0x0];
	p0 =	por $0x0, $0x0;
	s1 =	sadd.s32 $0xFFFFFFFF, s0  }
0x2d5: {  	p2 =	sne.s32 s1, $0x1  }
.Ltmp34:
0x2d6: {  	_ = 	snop;
	(pc) =	sbr.rel @!p2 .LBB2_49-.Ltmp34, $4  }
0x2d7: {  	_ = 	snop  }
0x2d8: {  	s0 =	simm.s32 $0x1B260  }
0x2d9: {  	s30 =	simm.s32 $0x1C2E0;
	(xrf1) =	vsort.dscd.msk.f32 $0xffff, v12, v13;
	v12 =	vld [tilespmem:s0+$0x0]  }
0x2da: {  	s4 =	sadd.s32 $0xFFFFFFFF, s1;
	p0 =	por $0x1, $0x1;
	v13 =	vld [tilespmem:s30+$0x0]  }
0x2db: {  	_ =	sdelay $0xb  }
0x2dc: {  	v14, v15, _ =	vpop (xrf1)  }
0x2dd: {  	vm1 =	vlt.f32 v14, v11  }
0x2de: {  	(xrf1) =	vsort.dscd.msk.f32 $0xffff, v12, v13;
	v13 =	vsel vm1, v14, v11;
	v14 =	vsel vm1, v15, v10  }
0x2df: {  	(xrf1) =	vsort.ascd.msk.f32 $0xffff, v13, v14;
	_ =	sdelay $0x6  }
0x2e0: {  	p2 =	sne.s32 s4, $0x1  }
.Ltmp35:
0x2e1: {  	_ = 	snop;
	(pc) =	sbr.rel @!p2 .LBB2_52-.Ltmp35, $4  }
0x2e2: {  	s1 =	simm.s32 $0x1B270  }
0x2e3: {  	s2 =	simm.s32 $0x1C2F0;
	v12 =	vld [tilespmem:s1+$0x0]  }
0x2e4: {  	v13 =	vld [tilespmem:s2+$0x0]  }
0x2e5: {  	s4 =	sadd.s32 $0xFFFFFFFF, s4;
	p1 =	por $0x1, $0x1  }
.LBB2_51:
0x2e6: {  	p2 =	sne.s32 s4, $0x1;
	v14, v15, _ =	vpop (xrf1)  }
0x2e7: {  	v16, v17, _ =	vpop (xrf1)  }
0x2e8: {  	vm1 =	vlt.f32 v14, v16  }
0x2e9: {  	(xrf1) =	vsort.dscd.msk.f32 $0xffff, v12, v13;
	v12 =	vsel vm1, v14, v16;
	v13 =	vsel vm1, v15, v17  }
0x2ea: {  	(xrf1) =	vsort.ascd.msk.f32 $0xffff, v12, v13;
	_ =	sdelay $0x7  }
.Ltmp36:
0x2eb: {  	(pc) =	sbr.rel @p2 .LBB2_51-.Ltmp36, $4  }
0x2ec: {  	s1 =	sadd.s32 $0x10, s1  }
0x2ed: {  	s2 =	sadd.s32 $0x10, s2;
	v12 =	vld [tilespmem:s1+$0x0]  }
0x2ee: {  	v13 =	vld [tilespmem:s2+$0x0]  }
0x2ef: {  	s4 =	sadd.s32 $0xFFFFFFFF, s4  }
.LBB2_52:
0x2f0: {  	v14, v15, _ =	vpop @p0 (xrf1)  }
0x2f1: {  	v16, v17, _ =	vpop @p1 (xrf1)  }
0x2f2: {  	v16 =	vpsel p1, v16, v11  }
0x2f3: {  	v17 =	vpsel p1, v17, v10;
	vm1 =	vlt.f32 @p0 v14, v16  }
0x2f4: {  	(xrf1) =	vsort.dscd.msk.f32 $0xffff, v12, v13;
	v12 =	vsel @p0 vm1, v14, v16;
	v13 =	vsel @p0 vm1, v15, v17  }
0x2f5: {  	(xrf1) =	vsort.ascd.msk.f32 @p0 $0xffff, v12, v13;
	_ =	sdelay $0xc  }
0x2f6: {  	v12, v13, _ =	vpop (xrf1)  }
0x2f7: {  	v14, v15, _ =	vpop @p0 (xrf1)  }
0x2f8: {  	v11 =	vpsel p0, v14, v11  }
0x2f9: {  	v10 =	vpsel p0, v15, v10;
	vm1 =	vlt.f32 v12, v11  }
0x2fa: {  	v11 =	vsel vm1, v12, v11;
	v10 =	vsel vm1, v13, v10  }
0x2fb: {  	(xrf1) =	vsort.ascd.msk.f32 $0xffff, v11, v10;
	_ =	sdelay $0xd  }
0x2fc: {  	v11, v10, _ =	vpop (xrf1)  }
.LBB2_53:
0x2fd: {  	s0 =	sand.u32 $0xF, s28  }
0x2fe: {  	s1 =	sshra.s32 s28, $0x1F;
	p0 =	slt.s32 s28, $0x1;
	p1 =	sne.s32 s0, $0x0  }
0x2ff: {  	s30 =	sshrl.u32 s1, $0x1C;
	p0 =	por !p0, !p1  }
0x300: {  	s2 =	simm.s32 $0x1;
	s0 =	sadd.s32 s30, s28;
	p0 =	por !p0, !p0  }
0x301: {  	s1 =	sshra.s32 s0, $0x4;
	s2 =	simm.s32 @!p0 $0x0  }
0x302: {  	s0 =	ssub.s32 s1, s2  }
0x303: {  	p1 =	slt.s32 s0, $0x0  }
.Ltmp37:
0x304: {  	_ = 	snop;
	(pc) =	sbr.rel @p1 .LBB2_61-.Ltmp37, $1  }
0x305: {  	_ =	sdelay $0x3  }
0x306: {  	s0 =	simm.s32 $0xFFFFFFFF  }
0x307: {  	s0 =	simm.s32 @!p0 $0x0  }
0x308: {  	s0 =	sadd.s32 s0, s1  }
0x309: {  	s0 =	sadd.s32 $0x1, s0  }
0x30a: {  	p2 =	sne.s32 s0, $0x1  }
.Ltmp38:
0x30b: {  	_ = 	snop;
	(pc) =	sbr.rel @!p2 .LBB2_55-.Ltmp38, $4  }
0x30c: {  	_ = 	snop  }
0x30d: {  	s30 =	simm.s32 $0x1B460  }
0x30e: {  	s2 =	simm.s32 $0x1C4E0;
	v12 =	vld [tilespmem:s30+$0x0]  }
0x30f: {  	p1 =	por $0x0, $0x0;
	v13 =	vld [tilespmem:s2+$0x0];
	p0 =	por $0x0, $0x0;
	s1 =	sadd.s32 $0xFFFFFFFF, s0  }
0x310: {  	p2 =	sne.s32 s1, $0x1  }
.Ltmp39:
0x311: {  	_ = 	snop;
	(pc) =	sbr.rel @!p2 .LBB2_57-.Ltmp39, $4  }
0x312: {  	_ = 	snop  }
0x313: {  	s0 =	simm.s32 $0x1B470  }
0x314: {  	s30 =	simm.s32 $0x1C4F0;
	(xrf1) =	vsort.dscd.msk.f32 $0xffff, v12, v13;
	v12 =	vld [tilespmem:s0+$0x0]  }
0x315: {  	s4 =	sadd.s32 $0xFFFFFFFF, s1;
	p0 =	por $0x1, $0x1;
	v13 =	vld [tilespmem:s30+$0x0]  }
0x316: {  	_ =	sdelay $0xb  }
0x317: {  	v14, v15, _ =	vpop (xrf1)  }
0x318: {  	vm1 =	vlt.f32 v14, v11  }
0x319: {  	(xrf1) =	vsort.dscd.msk.f32 $0xffff, v12, v13;
	v13 =	vsel vm1, v14, v11;
	v14 =	vsel vm1, v15, v10  }
0x31a: {  	(xrf1) =	vsort.ascd.msk.f32 $0xffff, v13, v14;
	_ =	sdelay $0x6  }
0x31b: {  	p2 =	sne.s32 s4, $0x1  }
.Ltmp40:
0x31c: {  	_ = 	snop;
	(pc) =	sbr.rel @!p2 .LBB2_60-.Ltmp40, $4  }
0x31d: {  	s1 =	simm.s32 $0x1B480  }
0x31e: {  	s2 =	simm.s32 $0x1C500;
	v12 =	vld [tilespmem:s1+$0x0]  }
0x31f: {  	v13 =	vld [tilespmem:s2+$0x0]  }
0x320: {  	s4 =	sadd.s32 $0xFFFFFFFF, s4;
	p1 =	por $0x1, $0x1  }
.LBB2_59:
0x321: {  	p2 =	sne.s32 s4, $0x1;
	v14, v15, _ =	vpop (xrf1)  }
0x322: {  	v16, v17, _ =	vpop (xrf1)  }
0x323: {  	vm1 =	vlt.f32 v14, v16  }
0x324: {  	(xrf1) =	vsort.dscd.msk.f32 $0xffff, v12, v13;
	v12 =	vsel vm1, v14, v16;
	v13 =	vsel vm1, v15, v17  }
0x325: {  	(xrf1) =	vsort.ascd.msk.f32 $0xffff, v12, v13;
	_ =	sdelay $0x7  }
.Ltmp41:
0x326: {  	(pc) =	sbr.rel @p2 .LBB2_59-.Ltmp41, $4  }
0x327: {  	s1 =	sadd.s32 $0x10, s1  }
0x328: {  	s2 =	sadd.s32 $0x10, s2;
	v12 =	vld [tilespmem:s1+$0x0]  }
0x329: {  	v13 =	vld [tilespmem:s2+$0x0]  }
0x32a: {  	s4 =	sadd.s32 $0xFFFFFFFF, s4  }
.LBB2_60:
0x32b: {  	v14, v15, _ =	vpop @p0 (xrf1)  }
0x32c: {  	v16, v17, _ =	vpop @p1 (xrf1)  }
0x32d: {  	v16 =	vpsel p1, v16, v11  }
0x32e: {  	v17 =	vpsel p1, v17, v10;
	vm1 =	vlt.f32 @p0 v14, v16  }
0x32f: {  	(xrf1) =	vsort.dscd.msk.f32 $0xffff, v12, v13;
	v12 =	vsel @p0 vm1, v14, v16;
	v13 =	vsel @p0 vm1, v15, v17  }
0x330: {  	(xrf1) =	vsort.ascd.msk.f32 @p0 $0xffff, v12, v13;
	_ =	sdelay $0xc  }
0x331: {  	v12, v13, _ =	vpop (xrf1)  }
0x332: {  	v14, v15, _ =	vpop @p0 (xrf1)  }
0x333: {  	v11 =	vpsel p0, v14, v11  }
0x334: {  	v10 =	vpsel p0, v15, v10;
	vm1 =	vlt.f32 v12, v11  }
0x335: {  	v11 =	vsel vm1, v12, v11;
	v10 =	vsel vm1, v13, v10  }
0x336: {  	(xrf1) =	vsort.ascd.msk.f32 $0xffff, v11, v10;
	_ =	sdelay $0xd  }
0x337: {  	v11, v10, _ =	vpop (xrf1)  }
.LBB2_61:
0x338: {  	s0 =	sand.u32 $0xF, s26  }
0x339: {  	s1 =	sshra.s32 s26, $0x1F;
	p0 =	slt.s32 s26, $0x1;
	p1 =	sne.s32 s0, $0x0  }
0x33a: {  	s30 =	sshrl.u32 s1, $0x1C;
	p0 =	por !p0, !p1  }
0x33b: {  	s2 =	simm.s32 $0x1;
	s0 =	sadd.s32 s30, s26;
	p0 =	por !p0, !p0  }
0x33c: {  	s1 =	sshra.s32 s0, $0x4;
	s2 =	simm.s32 @!p0 $0x0  }
0x33d: {  	s0 =	ssub.s32 s1, s2  }
0x33e: {  	p1 =	slt.s32 s0, $0x0  }
.Ltmp42:
0x33f: {  	_ = 	snop;
	(pc) =	sbr.rel @p1 .LBB2_69-.Ltmp42, $1  }
0x340: {  	_ =	sdelay $0x3  }
0x341: {  	s0 =	simm.s32 $0xFFFFFFFF  }
0x342: {  	s0 =	simm.s32 @!p0 $0x0  }
0x343: {  	s0 =	sadd.s32 s0, s1  }
0x344: {  	s0 =	sadd.s32 $0x1, s0  }
0x345: {  	p2 =	sne.s32 s0, $0x1  }
.Ltmp43:
0x346: {  	_ = 	snop;
	(pc) =	sbr.rel @!p2 .LBB2_63-.Ltmp43, $4  }
0x347: {  	_ = 	snop  }
0x348: {  	s30 =	simm.s32 $0x1B670  }
0x349: {  	s2 =	simm.s32 $0x1C6F0;
	v12 =	vld [tilespmem:s30+$0x0]  }
0x34a: {  	p1 =	por $0x0, $0x0;
	v13 =	vld [tilespmem:s2+$0x0];
	p0 =	por $0x0, $0x0;
	s1 =	sadd.s32 $0xFFFFFFFF, s0  }
0x34b: {  	_ =	sdelay $0x3  }
0x34c: {  	(xrf1) =	vsort.dscd.msk.f32 $0xffff, v12, v13;
	_ =	sdelay $0x7  }
0x34d: {  	p2 =	sne.s32 s1, $0x1  }
.Ltmp44:
0x34e: {  	_ = 	snop;
	(pc) =	sbr.rel @!p2 .LBB2_65-.Ltmp44, $4  }
0x34f: {  	_ = 	snop  }
0x350: {  	s0 =	simm.s32 $0x1B680  }
0x351: {  	s30 =	simm.s32 $0x1C700;
	v12 =	vld [tilespmem:s0+$0x0]  }
0x352: {  	s4 =	sadd.s32 $0xFFFFFFFF, s1;
	p0 =	por $0x1, $0x1;
	v13 =	vld [tilespmem:s30+$0x0]  }
0x353: {  	_ =	sdelay $0x1  }
0x354: {  	v14, v15, _ =	vpop (xrf1)  }
0x355: {  	vm1 =	vlt.f32 v14, v11  }
0x356: {  	(xrf1) =	vsort.dscd.msk.f32 $0xffff, v12, v13;
	v13 =	vsel vm1, v14, v11;
	v14 =	vsel vm1, v15, v10  }
0x357: {  	(xrf1) =	vsort.ascd.msk.f32 $0xffff, v13, v14;
	_ =	sdelay $0x6  }
0x358: {  	p2 =	sne.s32 s4, $0x1  }
.Ltmp45:
0x359: {  	_ = 	snop;
	(pc) =	sbr.rel @!p2 .LBB2_68-.Ltmp45, $4  }
0x35a: {  	s1 =	simm.s32 $0x1B690  }
0x35b: {  	s2 =	simm.s32 $0x1C710;
	v12 =	vld [tilespmem:s1+$0x0]  }
0x35c: {  	v13 =	vld [tilespmem:s2+$0x0]  }
0x35d: {  	s4 =	sadd.s32 $0xFFFFFFFF, s4;
	p1 =	por $0x1, $0x1  }
.LBB2_67:
0x35e: {  	p2 =	sne.s32 s4, $0x1;
	v14, v15, _ =	vpop (xrf1)  }
0x35f: {  	v16, v17, _ =	vpop (xrf1)  }
0x360: {  	vm1 =	vlt.f32 v14, v16  }
0x361: {  	(xrf1) =	vsort.dscd.msk.f32 $0xffff, v12, v13;
	v12 =	vsel vm1, v14, v16;
	v13 =	vsel vm1, v15, v17  }
0x362: {  	(xrf1) =	vsort.ascd.msk.f32 $0xffff, v12, v13;
	_ =	sdelay $0x7  }
.Ltmp46:
0x363: {  	(pc) =	sbr.rel @p2 .LBB2_67-.Ltmp46, $4  }
0x364: {  	s1 =	sadd.s32 $0x10, s1  }
0x365: {  	s2 =	sadd.s32 $0x10, s2;
	v12 =	vld [tilespmem:s1+$0x0]  }
0x366: {  	v13 =	vld [tilespmem:s2+$0x0]  }
0x367: {  	s4 =	sadd.s32 $0xFFFFFFFF, s4  }
.Ltmp47:
0x368: {  	_ = 	snop;
	(pc) =	sbr.rel .LBB2_68-.Ltmp47, $1  }
0x369: {  	_ =	sdelay $0x3  }
.LBB2_7:
.Ltmp48:
0x36a: {  	(pc) =	sbr.rel .LBB2_12-.Ltmp48, $2  }
0x36b: {  	_ =	sdelay $0x2  }
0x36c: {  	_ = 	snop  }
.LBB2_15:
.Ltmp49:
0x36d: {  	(pc) =	sbr.rel .LBB2_20-.Ltmp49, $2  }
0x36e: {  	_ =	sdelay $0x2  }
0x36f: {  	_ = 	snop  }
.LBB2_23:
.Ltmp50:
0x370: {  	(pc) =	sbr.rel .LBB2_28-.Ltmp50, $2  }
0x371: {  	_ =	sdelay $0x2  }
0x372: {  	_ = 	snop  }
.LBB2_31:
.Ltmp51:
0x373: {  	(pc) =	sbr.rel .LBB2_36-.Ltmp51, $2  }
0x374: {  	_ =	sdelay $0x2  }
0x375: {  	_ = 	snop  }
.LBB2_39:
.Ltmp52:
0x376: {  	(pc) =	sbr.rel .LBB2_44-.Ltmp52, $2  }
0x377: {  	_ =	sdelay $0x2  }
0x378: {  	_ = 	snop  }
.LBB2_47:
.Ltmp53:
0x379: {  	(pc) =	sbr.rel .LBB2_52-.Ltmp53, $2  }
0x37a: {  	_ =	sdelay $0x2  }
0x37b: {  	_ = 	snop  }
.LBB2_55:
.Ltmp54:
0x37c: {  	(pc) =	sbr.rel .LBB2_60-.Ltmp54, $2  }
0x37d: {  	_ =	sdelay $0x2  }
0x37e: {  	_ = 	snop  }
.LBB2_9:
.Ltmp55:
0x37f: {  	(pc) =	sbr.rel .LBB2_12-.Ltmp55, $2  }
0x380: {  	_ =	sdelay $0x2  }
0x381: {  	_ = 	snop  }
.LBB2_17:
.Ltmp56:
0x382: {  	(pc) =	sbr.rel .LBB2_20-.Ltmp56, $2  }
0x383: {  	_ =	sdelay $0x2  }
0x384: {  	_ = 	snop  }
.LBB2_25:
.Ltmp57:
0x385: {  	(pc) =	sbr.rel .LBB2_28-.Ltmp57, $2  }
0x386: {  	_ =	sdelay $0x2  }
0x387: {  	_ = 	snop  }
.LBB2_33:
.Ltmp58:
0x388: {  	(pc) =	sbr.rel .LBB2_36-.Ltmp58, $2  }
0x389: {  	_ =	sdelay $0x2  }
0x38a: {  	_ = 	snop  }
.LBB2_41:
.Ltmp59:
0x38b: {  	(pc) =	sbr.rel .LBB2_44-.Ltmp59, $2  }
0x38c: {  	_ =	sdelay $0x2  }
0x38d: {  	_ = 	snop  }
.LBB2_49:
.Ltmp60:
0x38e: {  	(pc) =	sbr.rel .LBB2_52-.Ltmp60, $2  }
0x38f: {  	_ =	sdelay $0x2  }
0x390: {  	_ = 	snop  }
.LBB2_57:
.Ltmp61:
0x391: {  	(pc) =	sbr.rel .LBB2_60-.Ltmp61, $2  }
0x392: {  	_ =	sdelay $0x2  }
0x393: {  	_ = 	snop  }
.LBB2_65:
.Ltmp62:
0x394: {  	(pc) =	sbr.rel .LBB2_68-.Ltmp62, $2  }
0x395: {  	_ =	sdelay $0x2  }
0x396: {  	_ = 	snop  }
.LBB2_72:
0x397: {  	_ =	sfence.sel $0x180000  }
0x398: {  	[bflag:$0x0] =	sbarrier.arrive $0xFFFF  }
0x399: {  	_ =	strace $0x90000047  }
0x39a: {  	s0 =	stileid.u32;
	[bflag:$0x2] =	sbarrier.arrive $0xFFFF  }
0x39b: {  	p0 =	sne.s32 s0, $0x0;
	s0 =	rddreg [dreg:$0x2]  }
0x39c: {  	s0 =	sadd.s32 @!p0 $0x100000, s0  }
0x39d: {  	[sflag:s0] =	ssyncadd.tile.s32 @!p0 $0x1;
	_ =	shalt  }
.Lfunc_end2:
_tile_overlayer_lowered:
.L_overlay_start_2:
0x39e: {  	(tag) =	ssettag $0x2  }
0x39f: {  	s0 =	rddreg [dreg:$0x0];
	s2 =	stileid.u32  }
0x3a0: {  	s1 =	rddreg [dreg:$0x1];
	p0 =	sne.s32 s2, $0x0  }
0x3a1: {  	s3 =	rddreg [dreg:$0x2];
	[bflag:$0x3] =	sbarrier.arrive $0xFFFF;
	s2 =	simm.s32 @!p0 $0x1C08  }
0x3a2: {  	[timem:s3], [sflag:s2] =	dma.local @!p0 [hbm:s0], s1  }
0x3a3: {  	s0 =	simm.s32 @!p0 $0x8  }
0x3a4: {  	_ =	swait.ge @!p0 [sflag:s0], s1  }
0x3a5: {  	s1 =	ssub.s32 @!p0 $0x0, s1;
	[sflag:s0] =	ssyncset.done @!p0 $0x0  }
0x3a6: {  	[sflag:s0] =	ssyncadd.s32 @!p0 s1  }
0x3a7: {  	[bflag:$0x3] =	sbarrier.arrive $0xFFFF  }
0x3a8: {  	_ =	shalt  }

</sc_bundles>
